<compile_context>
chip_gen: v7x
topology: tpu7x:2x2x1
jax: 0.10.2.dev20260603
libtpu: 0.0.44.dev20260713+nightly
codegen_flags: <defaults>
</compile_context>

<pallas_src>
import functools

import jax
import jax.numpy as jnp
from jax import lax
from jax.experimental import pallas as pl
from jax.experimental.pallas import tpu as pltpu
from jax.experimental.pallas import tpu_sc as plsc

_R = 1024
_C = 512
_K = 16
_NSEG = 16
_F = 64
_FP = 128
_CH = 128
_INF = float("inf")
_BIGI = 2**30



def _enc_body(x_ref, w1_ref, b1_ref, w2_ref, b2_ref, h_ref):
    h = jnp.dot(x_ref[...], w1_ref[...], preferred_element_type=jnp.float32)
    h = jnp.maximum(h + b1_ref[...], 0.0)
    h = jnp.dot(h, w2_ref[...], preferred_element_type=jnp.float32)
    h_ref[...] = jnp.maximum(h + b2_ref[...], 0.0)


def _encoder(xp, w1, b1, w2, b2):
    npad, din = xp.shape
    return pl.pallas_call(
        _enc_body,
        grid=(npad // _R,),
        in_specs=[
            pl.BlockSpec((_R, din), lambda i: (i, 0)),
            pl.BlockSpec(w1.shape, lambda i: (0, 0)),
            pl.BlockSpec(b1.shape, lambda i: (0, 0)),
            pl.BlockSpec(w2.shape, lambda i: (0, 0)),
            pl.BlockSpec(b2.shape, lambda i: (0, 0)),
        ],
        out_specs=pl.BlockSpec((_R, _F), lambda i: (i, 0)),
        out_shape=jax.ShapeDtypeStruct((npad, _F), jnp.float32),
    )(xp, w1, b1, w2, b2)


def _knn_body(cb_lo_ref, cb_hi_ref, h_ref, bsub_ref, blane_ref, idx_ref,
              n2s_ref, n2l_ref):
    rb = pl.program_id(0)
    r0 = rb * _R

    @pl.when(rb == 0)
    def _():
        hsq = h_ref[...] * h_ref[...]
        n2s_ref[...] = jnp.sum(hsq, axis=1, keepdims=True)
        n2l_ref[...] = n2s_ref[...].T

    rows = h_ref[pl.ds(r0, _R), :]
    rn2 = n2l_ref[:, pl.ds(r0, _R)]
    blane = blane_ref[:, pl.ds(r0, _R)]

    def _dist_half(c0):
        cols = h_ref[pl.ds(c0, _C // 2), :]
        prod = lax.dot_general(cols, rows, (((1,), (1,)), ((), ())),
                               preferred_element_type=jnp.float32)
        cn2 = n2s_ref[pl.ds(c0, _C // 2), :]
        d = cn2 + rn2 - 2.0 * prod
        cid = c0 + lax.broadcasted_iota(jnp.int32, (_C // 2, _R), 0)
        rid = r0 + lax.broadcasted_iota(jnp.int32, (_C // 2, _R), 1)
        ok = (bsub_ref[pl.ds(c0, _C // 2), :] == blane) & (cid != rid)
        return jnp.where(ok, d, _INF), cid

    def col_step(j, carry):
        bv, bi = carry
        c0 = j * _C
        dtop, itop = _dist_half(c0)
        dbot, ibot = _dist_half(c0 + _C // 2)
        take = dtop <= dbot
        wv = jnp.minimum(dtop, dbot)
        wi = jnp.where(take, itop, ibot)
        pad_inf = jnp.full((_K, _R), _INF, jnp.float32)
        pad_id = jnp.full((_K, _R), _BIGI, jnp.int32)
        cv = jnp.concatenate([bv, wv], axis=0)
        ci = jnp.concatenate([bi, wi], axis=0)
        lv = jnp.concatenate([pad_inf, jnp.maximum(dtop, dbot)], axis=0)
        li = jnp.concatenate([pad_id, jnp.where(take, ibot, itop)], axis=0)
        nv, ni = [], []
        for _t in range(_K):
            m = jnp.min(cv, axis=0, keepdims=True)
            ismin = cv == m
            mi = jnp.min(jnp.where(ismin, ci, _BIGI), axis=0, keepdims=True)
            nv.append(m)
            ni.append(mi)
            kill = ismin & (ci == mi)
            cv = jnp.where(kill, lv, cv)
            ci = jnp.where(kill, li, ci)
            lv = jnp.where(kill, _INF, lv)
        return jnp.concatenate(nv, axis=0), jnp.concatenate(ni, axis=0)

    best_v = jnp.full((_K, _R), _INF, jnp.float32)
    best_i = lax.broadcasted_iota(jnp.int32, (_K, _R), 0)
    _, best_i = lax.fori_loop(cb_lo_ref[rb], cb_hi_ref[rb], col_step,
                              (best_v, best_i))
    idx_ref[...] = jnp.minimum(best_i, h_ref.shape[0] - 1)


def _knn(h, brow, bcol, cb_lo, cb_hi):
    npad = h.shape[0]
    nrb = npad // _R
    grid_spec = pltpu.PrefetchScalarGridSpec(
        num_scalar_prefetch=2,
        grid=(nrb,),
        in_specs=[
            pl.BlockSpec((npad, _F), lambda i, lo, hi: (0, 0)),
            pl.BlockSpec((npad, 1), lambda i, lo, hi: (0, 0)),
            pl.BlockSpec((1, npad), lambda i, lo, hi: (0, 0)),
        ],
        out_specs=pl.BlockSpec((_K, _R), lambda i, lo, hi: (0, i)),
        scratch_shapes=[pltpu.VMEM((npad, 1), jnp.float32),
                        pltpu.VMEM((1, npad), jnp.float32)],
    )
    return pl.pallas_call(
        _knn_body,
        grid_spec=grid_spec,
        out_shape=jax.ShapeDtypeStruct((_K, npad), jnp.int32),
    )(cb_lo, cb_hi, h, brow, bcol)


def _sc_gather(table, idxf):
    ng = idxf.shape[0]
    info = plsc.get_sparse_core_info()
    nw = info.num_cores * info.num_subcores
    per_w = ng // nw
    grp = 4 * _CH
    ngrp = per_w // grp
    mesh = plsc.VectorSubcoreMesh(core_axis_name="c", subcore_axis_name="s")

    @functools.partial(
        pl.kernel, mesh=mesh,
        out_type=jax.ShapeDtypeStruct((ng, _FP), jnp.float32),
        scratch_types=[
            pltpu.VMEM((per_w,), jnp.int32),
            pltpu.VMEM((grp, _FP), jnp.float32),
            pltpu.SemaphoreType.DMA,
        ],
    )
    def gk(table_hbm, idx_hbm, out_hbm, idx_v, rows_v, sem):
        wid = lax.axis_index("s") * info.num_cores + lax.axis_index("c")
        base = wid * per_w
        pltpu.sync_copy(idx_hbm.at[pl.ds(base, per_w)], idx_v)

        def step(t, carry):
            off = t * grp
            cps = [
                pltpu.async_copy(
                    table_hbm.at[idx_v.at[pl.ds(off + i * _CH, _CH)]],
                    rows_v.at[pl.ds(i * _CH, _CH)], sem)
                for i in range(grp // _CH)
            ]
            for cp in cps:
                cp.wait()
            pltpu.sync_copy(rows_v, out_hbm.at[pl.ds(base + off, grp)])
            return carry

        lax.fori_loop(0, ngrp, step, 0)

    return gk(table, idxf)


def _conv_body(gk_ref, h_ref, w1_ref, b1_ref, w2_ref, b2_ref, o_ref):
    k = pl.program_id(1)
    xi = h_ref[...]
    xj = gk_ref[0][:, :_F]
    feat = jnp.concatenate([xi, xj - xi], axis=1)
    t = jnp.maximum(jnp.dot(feat, w1_ref[...],
                            preferred_element_type=jnp.float32) + b1_ref[...],
                    0.0)
    h2 = jnp.dot(t, w2_ref[...], preferred_element_type=jnp.float32)

    @pl.when(k == 0)
    def _():
        o_ref[...] = h2

    @pl.when(k > 0)
    def _():
        o_ref[...] = jnp.maximum(o_ref[...], h2)

    @pl.when(k == _K - 1)
    def _():
        o_ref[...] = o_ref[...] + b2_ref[...]


def _conv(g3, h, w1, b1, w2, b2):
    npad = h.shape[0]
    nrb = npad // _R
    return pl.pallas_call(
        _conv_body,
        grid=(nrb, _K),
        in_specs=[
            pl.BlockSpec((1, _R, _FP), lambda i, k: (k, i, 0)),
            pl.BlockSpec((_R, _F), lambda i, k: (i, 0)),
            pl.BlockSpec((2 * _F, _F), lambda i, k: (0, 0)),
            pl.BlockSpec((1, _F), lambda i, k: (0, 0)),
            pl.BlockSpec((_F, _F), lambda i, k: (0, 0)),
            pl.BlockSpec((1, _F), lambda i, k: (0, 0)),
        ],
        out_specs=pl.BlockSpec((_R, _F), lambda i, k: (i, 0)),
        out_shape=jax.ShapeDtypeStruct((npad, _F), jnp.float32),
    )(g3, h, w1, b1, w2, b2)


def _pool_body(h_ref, brow_ref, ow1_ref, ob1_ref, ow2_ref, ob2_ref, o_ref,
               sum_ref, cnt_ref):
    rb = pl.program_id(0)
    nrb = pl.num_programs(0)

    @pl.when(rb == 0)
    def _():
        sum_ref[...] = jnp.zeros_like(sum_ref)
        cnt_ref[...] = jnp.zeros_like(cnt_ref)

    hblk = h_ref[...]
    bblk = brow_ref[...]
    for b in range(_NSEG):
        m = bblk == b
        sum_ref[pl.ds(b, 1), :] += jnp.sum(
            jnp.where(m, hblk, 0.0), axis=0, keepdims=True)
        cnt_ref[pl.ds(b, 1), :] += jnp.sum(
            jnp.where(m, 1.0, 0.0), axis=0, keepdims=True)

    @pl.when(rb == nrb - 1)
    def _():
        gmean = sum_ref[...] / jnp.maximum(cnt_ref[...], 1.0)
        o1 = jnp.dot(gmean, ow1_ref[...], preferred_element_type=jnp.float32)
        o1 = jnp.maximum(o1 + ob1_ref[...], 0.0)
        o_ref[...] = jnp.dot(o1, ow2_ref[...],
                             preferred_element_type=jnp.float32) + ob2_ref[...]


def _pool(h, brow, ow1, ob1, ow2, ob2):
    npad = h.shape[0]
    nrb = npad // _R
    return pl.pallas_call(
        _pool_body,
        grid=(nrb,),
        in_specs=[
            pl.BlockSpec((_R, _F), lambda i: (i, 0)),
            pl.BlockSpec((_R, 1), lambda i: (i, 0)),
            pl.BlockSpec((_F, 32), lambda i: (0, 0)),
            pl.BlockSpec((1, 32), lambda i: (0, 0)),
            pl.BlockSpec((32, 1), lambda i: (0, 0)),
            pl.BlockSpec((1, 1), lambda i: (0, 0)),
        ],
        out_specs=pl.BlockSpec((_NSEG, 1), lambda i: (0, 0)),
        out_shape=jax.ShapeDtypeStruct((_NSEG, 1), jnp.float32),
        scratch_shapes=[
            pltpu.VMEM((_NSEG, _F), jnp.float32),
            pltpu.VMEM((_NSEG, 1), jnp.float32),
        ],
    )(h, brow, ow1, ob1, ow2, ob2)


def kernel(x, pos, batch, enc_w1, enc_b1, enc_w2, enc_b2,
           c1_w1, c1_b1, c1_w2, c1_b2, c2_w1, c2_b1, c2_w2, c2_b2,
           out_w1, out_b1, out_w2, out_b2):
    n = x.shape[0]
    npad = ((n + _R - 1) // _R) * _R
    xp = jnp.pad(x, ((0, npad - n), (0, 0)))
    bp = jnp.pad(batch.astype(jnp.int32), (0, npad - n),
                 constant_values=_NSEG)
    brow = bp[:, None]
    bcol = bp[None, :]

    seg_start = jnp.searchsorted(
        bp, jnp.arange(_NSEG + 2, dtype=jnp.int32)).astype(jnp.int32)
    rb0 = jnp.arange(npad // _R, dtype=jnp.int32) * _R
    col_lo = seg_start[bp[rb0]]
    col_hi = seg_start[bp[rb0 + _R - 1] + 1]
    cb_lo = col_lo // _C
    cb_hi = (col_hi + _C - 1) // _C

    h = _encoder(xp, enc_w1, enc_b1.reshape(1, -1),
                 enc_w2, enc_b2.reshape(1, -1))

    def econv_round(hcur, w1, b1, w2, b2):
        idx = _knn(hcur, brow, bcol, cb_lo, cb_hi)
        idx_km = idx.reshape(-1)
        table = jnp.pad(hcur, ((0, 0), (0, _FP - _F)))
        gath = _sc_gather(table, idx_km)
        return _conv(gath.reshape(_K, npad, _FP), hcur, w1,
                     b1.reshape(1, -1), w2, b2.reshape(1, -1))

    h = econv_round(h, c1_w1, c1_b1, c1_w2, c1_b2)
    h = econv_round(h, c2_w1, c2_b1, c2_w2, c2_b2)

    o = _pool(h, brow, out_w1, out_b1.reshape(1, -1),
              out_w2, out_b2.reshape(1, -1))
    return o.reshape(-1)

# --- scband reference (transcript-rebuilt; emitter-appended) ---
"""Pipeline reference for scband-rechit-gnn-50972671869367 (READ-ONLY COPY).

The authoritative reference and input builder live on the scoring server;
editing this copy changes nothing except your own understanding.
"""

import jax, jax.numpy as jnp
import numpy as np

N = 10000
B = 16
D_IN = 4
K = 16


def _knn_graph(x, batch, k):
    # brute-force batched knn: mask cross-event pairs and self-loops (PyG knn_graph, loop=False)
    n = x.shape[0]
    x2 = jnp.sum(x * x, axis=1)
    dist = x2[:, None] + x2[None, :] - 2.0 * (x @ x.T)
    same = batch[:, None] == batch[None, :]
    dist = jnp.where(same, dist, jnp.inf)
    diag = jnp.arange(n)
    dist = dist.at[diag, diag].set(jnp.inf)
    _, idx = jax.lax.top_k(-dist, k)  # [N, k] neighbor (source) indices per target node
    return jax.lax.stop_gradient(idx)


def _edge_conv(x, idx, w1, b1, w2, b2):
    # PyG EdgeConv: x_i' = max_j MLP([x_i, x_j - x_i]), aggr='max'
    xj = x[idx]                                   # gather [N, k, d]
    xi = jnp.broadcast_to(x[:, None, :], xj.shape)
    feat = jnp.concatenate([xi, xj - xi], axis=-1)  # [N, k, 2d]
    h = jax.nn.relu(feat @ w1 + b1)
    h = h @ w2 + b2
    return jnp.max(h, axis=1)


def setup_inputs(seed: int = 0):
    key = jax.random.key(seed)
    ks = jax.random.split(key, 20)
    inp = {}
    inp["x"] = jax.random.normal(ks[0], (N, D_IN), dtype=jnp.float32)
    inp["pos"] = jax.random.normal(ks[1], (N, 3), dtype=jnp.float32)
    inp["batch"] = jnp.sort(jax.random.randint(ks[2], (N,), 0, B))

    def lin(k, fan_in, fan_out):
        return (jax.random.normal(k, (fan_in, fan_out), dtype=jnp.float32) / np.sqrt(fan_in)).astype(jnp.float32)

    inp["enc_w1"] = lin(ks[3], 4, 32);   inp["enc_b1"] = jnp.zeros((32,), jnp.float32)
    inp["enc_w2"] = lin(ks[4], 32, 64);  inp["enc_b2"] = jnp.zeros((64,), jnp.float32)
    inp["c1_w1"] = lin(ks[5], 128, 64);  inp["c1_b1"] = jnp.zeros((64,), jnp.float32)
    inp["c1_w2"] = lin(ks[6], 64, 64);   inp["c1_b2"] = jnp.zeros((64,), jnp.float32)
    inp["c2_w1"] = lin(ks[7], 128, 64);  inp["c2_b1"] = jnp.zeros((64,), jnp.float32)
    inp["c2_w2"] = lin(ks[8], 64, 64);   inp["c2_b2"] = jnp.zeros((64,), jnp.float32)
    inp["out_w1"] = lin(ks[9], 64, 32);  inp["out_b1"] = jnp.zeros((32,), jnp.float32)
    inp["out_w2"] = lin(ks[10], 32, 1);  inp["out_b2"] = jnp.zeros((1,), jnp.float32)
    return inp


def reference(x, pos, batch, enc_w1, enc_b1, enc_w2, enc_b2,
              c1_w1, c1_b1, c1_w2, c1_b2, c2_w1, c2_b1, c2_w2, c2_b2,
              out_w1, out_b1, out_w2, out_b2):
    # encoder (pos is unpacked by the torch module but unused in forward)
    h = jax.nn.relu(x @ enc_w1 + enc_b1)
    h = jax.nn.relu(h @ enc_w2 + enc_b2)
    # dynamic knn graph 1 + EdgeConv 1
    idx = _knn_graph(h, batch, K)
    h = _edge_conv(h, idx, c1_w1, c1_b1, c1_w2, c1_b2)
    # dynamic knn graph 2 + EdgeConv 2
    idx = _knn_graph(h, batch, K)
    h = _edge_conv(h, idx, c2_w1, c2_b1, c2_w2, c2_b2)
    # global mean pool over batch segments
    sums = jax.ops.segment_sum(h, batch, num_segments=B)
    counts = jax.ops.segment_sum(jnp.ones((h.shape[0],), jnp.float32), batch, num_segments=B)
    g = sums / jnp.maximum(counts, 1.0)[:, None]
    o = jax.nn.relu(g @ out_w1 + out_b1)
    o = o @ out_w2 + out_b2
    return o.reshape(-1)

if __name__ == "__main__":
    import jax
    _d = setup_inputs()
    print(jax.jit(kernel)(*tuple(_d.values())))

</pallas_src>

<mosaic_0001>
#map = affine_map<(d0, d1) -> (0, 0)>
#map1 = affine_map<(d0, d1) -> (0)>
module attributes {stable_mosaic.version = 14 : i64} {
  func.func @gk(%arg0: i32, %arg1: i32, %arg2: memref<10240x128xf32, #tpu.memory_space<hbm>>, %arg3: memref<163840xi32, #tpu.memory_space<hbm>>, %arg4: memref<163840x128xf32, #tpu.memory_space<hbm>>, %arg5: memref<5120xi32, #tpu.memory_space<vmem>>, %arg6: memref<512x128xf32, #tpu.memory_space<vmem>>, %arg7: memref<!tpu.dma_semaphore, #tpu.memory_space<semaphore_mem>>) attributes {dimension_semantics = [#tpu.dimension_semantics<core_parallel>, #tpu.dimension_semantics<subcore_parallel>], iteration_bounds = array<i64: 2, 16>, scalar_prefetch = 0 : i64, scratch_operands = 3 : i64, tpu.core_type = #tpu.core_type<sc_vector_subcore>, window_params = [{transform_indices = #map}, {transform_indices = #map1}, {transform_indices = #map}]} {
    %mul3A = arith.constant 2 : i32
    %mul3A_0 = arith.muli %arg1, %mul3A : i32
    %add3A = arith.addi %mul3A_0, %arg0 : i32
    %mul3A_1 = arith.constant 5120 : i32
    %mul3A_2 = arith.muli %add3A, %mul3A_1 : i32
    "tpu.region"() ({
      %run_scoped3A = tpu.sem_alloc : memref<!tpu.dma_semaphore, #tpu.memory_space<semaphore_mem>>
      %dma_start3A = tpu.memref_slice %arg3[%mul3A_2] : memref<163840xi32, #tpu.memory_space<hbm>> -> memref<5120xi32, #tpu.memory_space<hbm>>
      %dma_start3A_8 = tpu.memref_slice %arg3[%mul3A_2] : memref<163840xi32, #tpu.memory_space<hbm>> -> memref<5120xi32, #tpu.memory_space<hbm>>
      tpu.enqueue_dma source(%dma_start3A_8 : memref<5120xi32, #tpu.memory_space<hbm>>) target(%arg5 : memref<5120xi32, #tpu.memory_space<vmem>>) target_semaphore(%run_scoped3A : memref<!tpu.dma_semaphore, #tpu.memory_space<semaphore_mem>>)
      %dma_wait3A = tpu.memref_slice %arg3[%mul3A_2] : memref<163840xi32, #tpu.memory_space<hbm>> -> memref<5120xi32, #tpu.memory_space<hbm>>
      %dma_wait3A_9 = tpu.memref_slice %arg3[%mul3A_2] : memref<163840xi32, #tpu.memory_space<hbm>> -> memref<5120xi32, #tpu.memory_space<hbm>>
      tpu.wait_dma2 semaphore(%run_scoped3A : memref<!tpu.dma_semaphore, #tpu.memory_space<semaphore_mem>>) src(%dma_wait3A_9 : memref<5120xi32, #tpu.memory_space<hbm>>) dst(%arg5 : memref<5120xi32, #tpu.memory_space<vmem>>)
      tpu.yield
    }) : () -> ()
    %scan3A = arith.constant 0 : i32
    %scan3A_3 = arith.constant 0 : i32
    %scan3A_4 = arith.constant 10 : i32
    %scan3A_5 = arith.addi %scan3A_3, %scan3A_4 : i32
    %scan3A_6 = arith.constant 1 : i32
    scf.for %scan3A_8 = %scan3A_3 to %scan3A_5 step %scan3A_6  : i32 {
      %mul3A_9 = arith.constant 512 : i32
      %mul3A_10 = arith.muli %scan3A_8, %mul3A_9 : i32
      %add3A_11 = arith.constant 0 : i32
      %add3A_12 = arith.addi %mul3A_10, %add3A_11 : i32
      %dma_start3A = arith.constant 0 : i32
      %dma_start3A_13 = arith.constant 0 : i32
      %dma_start3A_14 = tpu.memref_slice %arg6[%dma_start3A, %dma_start3A_13] : memref<512x128xf32, #tpu.memory_space<vmem>> -> memref<128x128xf32, #tpu.memory_space<vmem>>
      %dma_start3A_15 = tpu.memref_slice %arg5[%add3A_12] : memref<5120xi32, #tpu.memory_space<vmem>> -> memref<128xi32, #tpu.memory_space<vmem>>
      %dma_start3A_16 = arith.constant 0 : i32
      %dma_start3A_17 = arith.constant 0 : i32
      %dma_start3A_18 = tpu.memref_slice %arg2[%dma_start3A_16, %dma_start3A_17] : memref<10240x128xf32, #tpu.memory_space<hbm>> -> memref<10240x128xf32, #tpu.memory_space<hbm>>
      tpu.enqueue_indirect_dma source(%dma_start3A_18 : memref<10240x128xf32, #tpu.memory_space<hbm>>) target(%dma_start3A_14 : memref<128x128xf32, #tpu.memory_space<vmem>>) offsets(%dma_start3A_15 : memref<128xi32, #tpu.memory_space<vmem>>) semaphore(%arg7 : memref<!tpu.dma_semaphore, #tpu.memory_space<semaphore_mem>>)
      %add3A_19 = arith.constant 128 : i32
      %add3A_20 = arith.addi %mul3A_10, %add3A_19 : i32
      %dma_start3A_21 = arith.constant 128 : i32
      %dma_start3A_22 = arith.constant 0 : i32
      %dma_start3A_23 = tpu.memref_slice %arg6[%dma_start3A_21, %dma_start3A_22] : memref<512x128xf32, #tpu.memory_space<vmem>> -> memref<128x128xf32, #tpu.memory_space<vmem>>
      %dma_start3A_24 = tpu.memref_slice %arg5[%add3A_20] : memref<5120xi32, #tpu.memory_space<vmem>> -> memref<128xi32, #tpu.memory_space<vmem>>
      %dma_start3A_25 = arith.constant 0 : i32
      %dma_start3A_26 = arith.constant 0 : i32
      %dma_start3A_27 = tpu.memref_slice %arg2[%dma_start3A_25, %dma_start3A_26] : memref<10240x128xf32, #tpu.memory_space<hbm>> -> memref<10240x128xf32, #tpu.memory_space<hbm>>
      tpu.enqueue_indirect_dma source(%dma_start3A_27 : memref<10240x128xf32, #tpu.memory_space<hbm>>) target(%dma_start3A_23 : memref<128x128xf32, #tpu.memory_space<vmem>>) offsets(%dma_start3A_24 : memref<128xi32, #tpu.memory_space<vmem>>) semaphore(%arg7 : memref<!tpu.dma_semaphore, #tpu.memory_space<semaphore_mem>>)
      %add3A_28 = arith.constant 256 : i32
      %add3A_29 = arith.addi %mul3A_10, %add3A_28 : i32
      %dma_start3A_30 = arith.constant 256 : i32
      %dma_start3A_31 = arith.constant 0 : i32
      %dma_start3A_32 = tpu.memref_slice %arg6[%dma_start3A_30, %dma_start3A_31] : memref<512x128xf32, #tpu.memory_space<vmem>> -> memref<128x128xf32, #tpu.memory_space<vmem>>
      %dma_start3A_33 = tpu.memref_slice %arg5[%add3A_29] : memref<5120xi32, #tpu.memory_space<vmem>> -> memref<128xi32, #tpu.memory_space<vmem>>
      %dma_start3A_34 = arith.constant 0 : i32
      %dma_start3A_35 = arith.constant 0 : i32
      %dma_start3A_36 = tpu.memref_slice %arg2[%dma_start3A_34, %dma_start3A_35] : memref<10240x128xf32, #tpu.memory_space<hbm>> -> memref<10240x128xf32, #tpu.memory_space<hbm>>
      tpu.enqueue_indirect_dma source(%dma_start3A_36 : memref<10240x128xf32, #tpu.memory_space<hbm>>) target(%dma_start3A_32 : memref<128x128xf32, #tpu.memory_space<vmem>>) offsets(%dma_start3A_33 : memref<128xi32, #tpu.memory_space<vmem>>) semaphore(%arg7 : memref<!tpu.dma_semaphore, #tpu.memory_space<semaphore_mem>>)
      %add3A_37 = arith.constant 384 : i32
      %add3A_38 = arith.addi %mul3A_10, %add3A_37 : i32
      %dma_start3A_39 = arith.constant 384 : i32
      %dma_start3A_40 = arith.constant 0 : i32
      %dma_start3A_41 = tpu.memref_slice %arg6[%dma_start3A_39, %dma_start3A_40] : memref<512x128xf32, #tpu.memory_space<vmem>> -> memref<128x128xf32, #tpu.memory_space<vmem>>
      %dma_start3A_42 = tpu.memref_slice %arg5[%add3A_38] : memref<5120xi32, #tpu.memory_space<vmem>> -> memref<128xi32, #tpu.memory_space<vmem>>
      %dma_start3A_43 = arith.constant 0 : i32
      %dma_start3A_44 = arith.constant 0 : i32
      %dma_start3A_45 = tpu.memref_slice %arg2[%dma_start3A_43, %dma_start3A_44] : memref<10240x128xf32, #tpu.memory_space<hbm>> -> memref<10240x128xf32, #tpu.memory_space<hbm>>
      tpu.enqueue_indirect_dma source(%dma_start3A_45 : memref<10240x128xf32, #tpu.memory_space<hbm>>) target(%dma_start3A_41 : memref<128x128xf32, #tpu.memory_space<vmem>>) offsets(%dma_start3A_42 : memref<128xi32, #tpu.memory_space<vmem>>) semaphore(%arg7 : memref<!tpu.dma_semaphore, #tpu.memory_space<semaphore_mem>>)
      %dma_wait3A = arith.constant 0 : i32
      %dma_wait3A_46 = arith.constant 0 : i32
      %dma_wait3A_47 = tpu.memref_slice %arg6[%dma_wait3A, %dma_wait3A_46] : memref<512x128xf32, #tpu.memory_space<vmem>> -> memref<128x128xf32, #tpu.memory_space<vmem>>
      %dma_wait3A_48 = tpu.memref_slice %arg5[%add3A_12] : memref<5120xi32, #tpu.memory_space<vmem>> -> memref<128xi32, #tpu.memory_space<vmem>>
      %dma_wait3A_49 = arith.constant 0 : i32
      %dma_wait3A_50 = arith.constant 0 : i32
      %dma_wait3A_51 = tpu.memref_slice %arg2[%dma_wait3A_49, %dma_wait3A_50] : memref<10240x128xf32, #tpu.memory_space<hbm>> -> memref<10240x128xf32, #tpu.memory_space<hbm>>
      tpu.wait_indirect_dma semaphore(%arg7 : memref<!tpu.dma_semaphore, #tpu.memory_space<semaphore_mem>>) src(%dma_wait3A_51 : memref<10240x128xf32, #tpu.memory_space<hbm>>) dst(%dma_wait3A_47 : memref<128x128xf32, #tpu.memory_space<vmem>>)
      %dma_wait3A_52 = arith.constant 128 : i32
      %dma_wait3A_53 = arith.constant 0 : i32
      %dma_wait3A_54 = tpu.memref_slice %arg6[%dma_wait3A_52, %dma_wait3A_53] : memref<512x128xf32, #tpu.memory_space<vmem>> -> memref<128x128xf32, #tpu.memory_space<vmem>>
      %dma_wait3A_55 = tpu.memref_slice %arg5[%add3A_20] : memref<5120xi32, #tpu.memory_space<vmem>> -> memref<128xi32, #tpu.memory_space<vmem>>
      %dma_wait3A_56 = arith.constant 0 : i32
      %dma_wait3A_57 = arith.constant 0 : i32
      %dma_wait3A_58 = tpu.memref_slice %arg2[%dma_wait3A_56, %dma_wait3A_57] : memref<10240x128xf32, #tpu.memory_space<hbm>> -> memref<10240x128xf32, #tpu.memory_space<hbm>>
      tpu.wait_indirect_dma semaphore(%arg7 : memref<!tpu.dma_semaphore, #tpu.memory_space<semaphore_mem>>) src(%dma_wait3A_58 : memref<10240x128xf32, #tpu.memory_space<hbm>>) dst(%dma_wait3A_54 : memref<128x128xf32, #tpu.memory_space<vmem>>)
      %dma_wait3A_59 = arith.constant 256 : i32
      %dma_wait3A_60 = arith.constant 0 : i32
      %dma_wait3A_61 = tpu.memref_slice %arg6[%dma_wait3A_59, %dma_wait3A_60] : memref<512x128xf32, #tpu.memory_space<vmem>> -> memref<128x128xf32, #tpu.memory_space<vmem>>
      %dma_wait3A_62 = tpu.memref_slice %arg5[%add3A_29] : memref<5120xi32, #tpu.memory_space<vmem>> -> memref<128xi32, #tpu.memory_space<vmem>>
      %dma_wait3A_63 = arith.constant 0 : i32
      %dma_wait3A_64 = arith.constant 0 : i32
      %dma_wait3A_65 = tpu.memref_slice %arg2[%dma_wait3A_63, %dma_wait3A_64] : memref<10240x128xf32, #tpu.memory_space<hbm>> -> memref<10240x128xf32, #tpu.memory_space<hbm>>
      tpu.wait_indirect_dma semaphore(%arg7 : memref<!tpu.dma_semaphore, #tpu.memory_space<semaphore_mem>>) src(%dma_wait3A_65 : memref<10240x128xf32, #tpu.memory_space<hbm>>) dst(%dma_wait3A_61 : memref<128x128xf32, #tpu.memory_space<vmem>>)
      %dma_wait3A_66 = arith.constant 384 : i32
      %dma_wait3A_67 = arith.constant 0 : i32
      %dma_wait3A_68 = tpu.memref_slice %arg6[%dma_wait3A_66, %dma_wait3A_67] : memref<512x128xf32, #tpu.memory_space<vmem>> -> memref<128x128xf32, #tpu.memory_space<vmem>>
      %dma_wait3A_69 = tpu.memref_slice %arg5[%add3A_38] : memref<5120xi32, #tpu.memory_space<vmem>> -> memref<128xi32, #tpu.memory_space<vmem>>
      %dma_wait3A_70 = arith.constant 0 : i32
      %dma_wait3A_71 = arith.constant 0 : i32
      %dma_wait3A_72 = tpu.memref_slice %arg2[%dma_wait3A_70, %dma_wait3A_71] : memref<10240x128xf32, #tpu.memory_space<hbm>> -> memref<10240x128xf32, #tpu.memory_space<hbm>>
      tpu.wait_indirect_dma semaphore(%arg7 : memref<!tpu.dma_semaphore, #tpu.memory_space<semaphore_mem>>) src(%dma_wait3A_72 : memref<10240x128xf32, #tpu.memory_space<hbm>>) dst(%dma_wait3A_68 : memref<128x128xf32, #tpu.memory_space<vmem>>)
      %add3A_73 = arith.addi %mul3A_2, %mul3A_10 : i32
      "tpu.region"() ({
        %run_scoped3A = tpu.sem_alloc : memref<!tpu.dma_semaphore, #tpu.memory_space<semaphore_mem>>
        %dma_start3A_74 = arith.constant 0 : i32
        %dma_start3A_75 = tpu.memref_slice %arg4[%add3A_73, %dma_start3A_74] : memref<163840x128xf32, #tpu.memory_space<hbm>> -> memref<512x128xf32, #tpu.memory_space<hbm>>
        %dma_start3A_76 = arith.constant 0 : i32
        %dma_start3A_77 = tpu.memref_slice %arg4[%add3A_73, %dma_start3A_76] : memref<163840x128xf32, #tpu.memory_space<hbm>> -> memref<512x128xf32, #tpu.memory_space<hbm>>
        tpu.enqueue_dma source(%arg6 : memref<512x128xf32, #tpu.memory_space<vmem>>) target(%dma_start3A_77 : memref<512x128xf32, #tpu.memory_space<hbm>>) target_semaphore(%run_scoped3A : memref<!tpu.dma_semaphore, #tpu.memory_space<semaphore_mem>>)
        %dma_wait3A_78 = arith.constant 0 : i32
        %dma_wait3A_79 = tpu.memref_slice %arg4[%add3A_73, %dma_wait3A_78] : memref<163840x128xf32, #tpu.memory_space<hbm>> -> memref<512x128xf32, #tpu.memory_space<hbm>>
        %dma_wait3A_80 = arith.constant 0 : i32
        %dma_wait3A_81 = tpu.memref_slice %arg4[%add3A_73, %dma_wait3A_80] : memref<163840x128xf32, #tpu.memory_space<hbm>> -> memref<512x128xf32, #tpu.memory_space<hbm>>
        tpu.wait_dma2 semaphore(%run_scoped3A : memref<!tpu.dma_semaphore, #tpu.memory_space<semaphore_mem>>) src(%arg6 : memref<512x128xf32, #tpu.memory_space<vmem>>) dst(%dma_wait3A_81 : memref<512x128xf32, #tpu.memory_space<hbm>>)
        tpu.yield
      }) : () -> ()
    }
    %scan3A_7 = arith.constant 10 : i32
    return
  }
}

#map = affine_map<(d0, d1) -> (0, 0)>
#map1 = affine_map<(d0, d1) -> (0)>
module attributes {stable_mosaic.version = 14 : i64} {
  func.func @gk(%arg0: i32, %arg1: i32, %arg2: memref<10240x128xf32, #tpu.memory_space<hbm>>, %arg3: memref<163840xi32, #tpu.memory_space<hbm>>, %arg4: memref<163840x128xf32, #tpu.memory_space<hbm>>, %arg5: memref<5120xi32, #tpu.memory_space<vmem>>, %arg6: memref<512x128xf32, #tpu.memory_space<vmem>>, %arg7: memref<!tpu.dma_semaphore, #tpu.memory_space<semaphore_mem>>) attributes {dimension_semantics = [#tpu.dimension_semantics<core_parallel>, #tpu.dimension_semantics<subcore_parallel>], iteration_bounds = array<i64: 2, 16>, scalar_prefetch = 0 : i64, scratch_operands = 3 : i64, tpu.core_type = #tpu.core_type<sc_vector_subcore>, window_params = [{transform_indices = #map}, {transform_indices = #map1}, {transform_indices = #map}]} {
    %mul3A = arith.constant 2 : i32
    %mul3A_0 = arith.muli %arg1, %mul3A : i32
    %add3A = arith.addi %mul3A_0, %arg0 : i32
    %mul3A_1 = arith.constant 5120 : i32
    %mul3A_2 = arith.muli %add3A, %mul3A_1 : i32
    "tpu.region"() ({
      %run_scoped3A = tpu.sem_alloc : memref<!tpu.dma_semaphore, #tpu.memory_space<semaphore_mem>>
      %dma_start3A = tpu.memref_slice %arg3[%mul3A_2] : memref<163840xi32, #tpu.memory_space<hbm>> -> memref<5120xi32, #tpu.memory_space<hbm>>
      %dma_start3A_8 = tpu.memref_slice %arg3[%mul3A_2] : memref<163840xi32, #tpu.memory_space<hbm>> -> memref<5120xi32, #tpu.memory_space<hbm>>
      tpu.enqueue_dma source(%dma_start3A_8 : memref<5120xi32, #tpu.memory_space<hbm>>) target(%arg5 : memref<5120xi32, #tpu.memory_space<vmem>>) target_semaphore(%run_scoped3A : memref<!tpu.dma_semaphore, #tpu.memory_space<semaphore_mem>>)
      %dma_wait3A = tpu.memref_slice %arg3[%mul3A_2] : memref<163840xi32, #tpu.memory_space<hbm>> -> memref<5120xi32, #tpu.memory_space<hbm>>
      %dma_wait3A_9 = tpu.memref_slice %arg3[%mul3A_2] : memref<163840xi32, #tpu.memory_space<hbm>> -> memref<5120xi32, #tpu.memory_space<hbm>>
      tpu.wait_dma2 semaphore(%run_scoped3A : memref<!tpu.dma_semaphore, #tpu.memory_space<semaphore_mem>>) src(%dma_wait3A_9 : memref<5120xi32, #tpu.memory_space<hbm>>) dst(%arg5 : memref<5120xi32, #tpu.memory_space<vmem>>)
      tpu.yield
    }) : () -> ()
    %scan3A = arith.constant 0 : i32
    %scan3A_3 = arith.constant 0 : i32
    %scan3A_4 = arith.constant 10 : i32
    %scan3A_5 = arith.addi %scan3A_3, %scan3A_4 : i32
    %scan3A_6 = arith.constant 1 : i32
    scf.for %scan3A_8 = %scan3A_3 to %scan3A_5 step %scan3A_6  : i32 {
      %mul3A_9 = arith.constant 512 : i32
      %mul3A_10 = arith.muli %scan3A_8, %mul3A_9 : i32
      %add3A_11 = arith.constant 0 : i32
      %add3A_12 = arith.addi %mul3A_10, %add3A_11 : i32
      %dma_start3A = arith.constant 0 : i32
      %dma_start3A_13 = arith.constant 0 : i32
      %dma_start3A_14 = tpu.memref_slice %arg6[%dma_start3A, %dma_start3A_13] : memref<512x128xf32, #tpu.memory_space<vmem>> -> memref<128x128xf32, #tpu.memory_space<vmem>>
      %dma_start3A_15 = tpu.memref_slice %arg5[%add3A_12] : memref<5120xi32, #tpu.memory_space<vmem>> -> memref<128xi32, #tpu.memory_space<vmem>>
      %dma_start3A_16 = arith.constant 0 : i32
      %dma_start3A_17 = arith.constant 0 : i32
      %dma_start3A_18 = tpu.memref_slice %arg2[%dma_start3A_16, %dma_start3A_17] : memref<10240x128xf32, #tpu.memory_space<hbm>> -> memref<10240x128xf32, #tpu.memory_space<hbm>>
      tpu.enqueue_indirect_dma source(%dma_start3A_18 : memref<10240x128xf32, #tpu.memory_space<hbm>>) target(%dma_start3A_14 : memref<128x128xf32, #tpu.memory_space<vmem>>) offsets(%dma_start3A_15 : memref<128xi32, #tpu.memory_space<vmem>>) semaphore(%arg7 : memref<!tpu.dma_semaphore, #tpu.memory_space<semaphore_mem>>)
      %add3A_19 = arith.constant 128 : i32
      %add3A_20 = arith.addi %mul3A_10, %add3A_19 : i32
      %dma_start3A_21 = arith.constant 128 : i32
      %dma_start3A_22 = arith.constant 0 : i32
      %dma_start3A_23 = tpu.memref_slice %arg6[%dma_start3A_21, %dma_start3A_22] : memref<512x128xf32, #tpu.memory_space<vmem>> -> memref<128x128xf32, #tpu.memory_space<vmem>>
      %dma_start3A_24 = tpu.memref_slice %arg5[%add3A_20] : memref<5120xi32, #tpu.memory_space<vmem>> -> memref<128xi32, #tpu.memory_space<vmem>>
      %dma_start3A_25 = arith.constant 0 : i32
      %dma_start3A_26 = arith.constant 0 : i32
      %dma_start3A_27 = tpu.memref_slice %arg2[%dma_start3A_25, %dma_start3A_26] : memref<10240x128xf32, #tpu.memory_space<hbm>> -> memref<10240x128xf32, #tpu.memory_space<hbm>>
      tpu.enqueue_indirect_dma source(%dma_start3A_27 : memref<10240x128xf32, #tpu.memory_space<hbm>>) target(%dma_start3A_23 : memref<128x128xf32, #tpu.memory_space<vmem>>) offsets(%dma_start3A_24 : memref<128xi32, #tpu.memory_space<vmem>>) semaphore(%arg7 : memref<!tpu.dma_semaphore, #tpu.memory_space<semaphore_mem>>)
      %add3A_28 = arith.constant 256 : i32
      %add3A_29 = arith.addi %mul3A_10, %add3A_28 : i32
      %dma_start3A_30 = arith.constant 256 : i32
      %dma_start3A_31 = arith.constant 0 : i32
      %dma_start3A_32 = tpu.memref_slice %arg6[%dma_start3A_30, %dma_start3A_31] : memref<512x128xf32, #tpu.memory_space<vmem>> -> memref<128x128xf32, #tpu.memory_space<vmem>>
      %dma_start3A_33 = tpu.memref_slice %arg5[%add3A_29] : memref<5120xi32, #tpu.memory_space<vmem>> -> memref<128xi32, #tpu.memory_space<vmem>>
      %dma_start3A_34 = arith.constant 0 : i32
      %dma_start3A_35 = arith.constant 0 : i32
      %dma_start3A_36 = tpu.memref_slice %arg2[%dma_start3A_34, %dma_start3A_35] : memref<10240x128xf32, #tpu.memory_space<hbm>> -> memref<10240x128xf32, #tpu.memory_space<hbm>>
      tpu.enqueue_indirect_dma source(%dma_start3A_36 : memref<10240x128xf32, #tpu.memory_space<hbm>>) target(%dma_start3A_32 : memref<128x128xf32, #tpu.memory_space<vmem>>) offsets(%dma_start3A_33 : memref<128xi32, #tpu.memory_space<vmem>>) semaphore(%arg7 : memref<!tpu.dma_semaphore, #tpu.memory_space<semaphore_mem>>)
      %add3A_37 = arith.constant 384 : i32
      %add3A_38 = arith.addi %mul3A_10, %add3A_37 : i32
      %dma_start3A_39 = arith.constant 384 : i32
      %dma_start3A_40 = arith.constant 0 : i32
      %dma_start3A_41 = tpu.memref_slice %arg6[%dma_start3A_39, %dma_start3A_40] : memref<512x128xf32, #tpu.memory_space<vmem>> -> memref<128x128xf32, #tpu.memory_space<vmem>>
      %dma_start3A_42 = tpu.memref_slice %arg5[%add3A_38] : memref<5120xi32, #tpu.memory_space<vmem>> -> memref<128xi32, #tpu.memory_space<vmem>>
      %dma_start3A_43 = arith.constant 0 : i32
      %dma_start3A_44 = arith.constant 0 : i32
      %dma_start3A_45 = tpu.memref_slice %arg2[%dma_start3A_43, %dma_start3A_44] : memref<10240x128xf32, #tpu.memory_space<hbm>> -> memref<10240x128xf32, #tpu.memory_space<hbm>>
      tpu.enqueue_indirect_dma source(%dma_start3A_45 : memref<10240x128xf32, #tpu.memory_space<hbm>>) target(%dma_start3A_41 : memref<128x128xf32, #tpu.memory_space<vmem>>) offsets(%dma_start3A_42 : memref<128xi32, #tpu.memory_space<vmem>>) semaphore(%arg7 : memref<!tpu.dma_semaphore, #tpu.memory_space<semaphore_mem>>)
      %dma_wait3A = arith.constant 0 : i32
      %dma_wait3A_46 = arith.constant 0 : i32
      %dma_wait3A_47 = tpu.memref_slice %arg6[%dma_wait3A, %dma_wait3A_46] : memref<512x128xf32, #tpu.memory_space<vmem>> -> memref<128x128xf32, #tpu.memory_space<vmem>>
      %dma_wait3A_48 = tpu.memref_slice %arg5[%add3A_12] : memref<5120xi32, #tpu.memory_space<vmem>> -> memref<128xi32, #tpu.memory_space<vmem>>
      %dma_wait3A_49 = arith.constant 0 : i32
      %dma_wait3A_50 = arith.constant 0 : i32
      %dma_wait3A_51 = tpu.memref_slice %arg2[%dma_wait3A_49, %dma_wait3A_50] : memref<10240x128xf32, #tpu.memory_space<hbm>> -> memref<10240x128xf32, #tpu.memory_space<hbm>>
      tpu.wait_indirect_dma semaphore(%arg7 : memref<!tpu.dma_semaphore, #tpu.memory_space<semaphore_mem>>) src(%dma_wait3A_51 : memref<10240x128xf32, #tpu.memory_space<hbm>>) dst(%dma_wait3A_47 : memref<128x128xf32, #tpu.memory_space<vmem>>)
      %dma_wait3A_52 = arith.constant 128 : i32
      %dma_wait3A_53 = arith.constant 0 : i32
      %dma_wait3A_54 = tpu.memref_slice %arg6[%dma_wait3A_52, %dma_wait3A_53] : memref<512x128xf32, #tpu.memory_space<vmem>> -> memref<128x128xf32, #tpu.memory_space<vmem>>
      %dma_wait3A_55 = tpu.memref_slice %arg5[%add3A_20] : memref<5120xi32, #tpu.memory_space<vmem>> -> memref<128xi32, #tpu.memory_space<vmem>>
      %dma_wait3A_56 = arith.constant 0 : i32
      %dma_wait3A_57 = arith.constant 0 : i32
      %dma_wait3A_58 = tpu.memref_slice %arg2[%dma_wait3A_56, %dma_wait3A_57] : memref<10240x128xf32, #tpu.memory_space<hbm>> -> memref<10240x128xf32, #tpu.memory_space<hbm>>
      tpu.wait_indirect_dma semaphore(%arg7 : memref<!tpu.dma_semaphore, #tpu.memory_space<semaphore_mem>>) src(%dma_wait3A_58 : memref<10240x128xf32, #tpu.memory_space<hbm>>) dst(%dma_wait3A_54 : memref<128x128xf32, #tpu.memory_space<vmem>>)
      %dma_wait3A_59 = arith.constant 256 : i32
      %dma_wait3A_60 = arith.constant 0 : i32
      %dma_wait3A_61 = tpu.memref_slice %arg6[%dma_wait3A_59, %dma_wait3A_60] : memref<512x128xf32, #tpu.memory_space<vmem>> -> memref<128x128xf32, #tpu.memory_space<vmem>>
      %dma_wait3A_62 = tpu.memref_slice %arg5[%add3A_29] : memref<5120xi32, #tpu.memory_space<vmem>> -> memref<128xi32, #tpu.memory_space<vmem>>
      %dma_wait3A_63 = arith.constant 0 : i32
      %dma_wait3A_64 = arith.constant 0 : i32
      %dma_wait3A_65 = tpu.memref_slice %arg2[%dma_wait3A_63, %dma_wait3A_64] : memref<10240x128xf32, #tpu.memory_space<hbm>> -> memref<10240x128xf32, #tpu.memory_space<hbm>>
      tpu.wait_indirect_dma semaphore(%arg7 : memref<!tpu.dma_semaphore, #tpu.memory_space<semaphore_mem>>) src(%dma_wait3A_65 : memref<10240x128xf32, #tpu.memory_space<hbm>>) dst(%dma_wait3A_61 : memref<128x128xf32, #tpu.memory_space<vmem>>)
      %dma_wait3A_66 = arith.constant 384 : i32
      %dma_wait3A_67 = arith.constant 0 : i32
      %dma_wait3A_68 = tpu.memref_slice %arg6[%dma_wait3A_66, %dma_wait3A_67] : memref<512x128xf32, #tpu.memory_space<vmem>> -> memref<128x128xf32, #tpu.memory_space<vmem>>
      %dma_wait3A_69 = tpu.memref_slice %arg5[%add3A_38] : memref<5120xi32, #tpu.memory_space<vmem>> -> memref<128xi32, #tpu.memory_space<vmem>>
      %dma_wait3A_70 = arith.constant 0 : i32
      %dma_wait3A_71 = arith.constant 0 : i32
      %dma_wait3A_72 = tpu.memref_slice %arg2[%dma_wait3A_70, %dma_wait3A_71] : memref<10240x128xf32, #tpu.memory_space<hbm>> -> memref<10240x128xf32, #tpu.memory_space<hbm>>
      tpu.wait_indirect_dma semaphore(%arg7 : memref<!tpu.dma_semaphore, #tpu.memory_space<semaphore_mem>>) src(%dma_wait3A_72 : memref<10240x128xf32, #tpu.memory_space<hbm>>) dst(%dma_wait3A_68 : memref<128x128xf32, #tpu.memory_space<vmem>>)
      %add3A_73 = arith.addi %mul3A_2, %mul3A_10 : i32
      "tpu.region"() ({
        %run_scoped3A = tpu.sem_alloc : memref<!tpu.dma_semaphore, #tpu.memory_space<semaphore_mem>>
        %dma_start3A_74 = arith.constant 0 : i32
        %dma_start3A_75 = tpu.memref_slice %arg4[%add3A_73, %dma_start3A_74] : memref<163840x128xf32, #tpu.memory_space<hbm>> -> memref<512x128xf32, #tpu.memory_space<hbm>>
        %dma_start3A_76 = arith.constant 0 : i32
        %dma_start3A_77 = tpu.memref_slice %arg4[%add3A_73, %dma_start3A_76] : memref<163840x128xf32, #tpu.memory_space<hbm>> -> memref<512x128xf32, #tpu.memory_space<hbm>>
        tpu.enqueue_dma source(%arg6 : memref<512x128xf32, #tpu.memory_space<vmem>>) target(%dma_start3A_77 : memref<512x128xf32, #tpu.memory_space<hbm>>) target_semaphore(%run_scoped3A : memref<!tpu.dma_semaphore, #tpu.memory_space<semaphore_mem>>)
        %dma_wait3A_78 = arith.constant 0 : i32
        %dma_wait3A_79 = tpu.memref_slice %arg4[%add3A_73, %dma_wait3A_78] : memref<163840x128xf32, #tpu.memory_space<hbm>> -> memref<512x128xf32, #tpu.memory_space<hbm>>
        %dma_wait3A_80 = arith.constant 0 : i32
        %dma_wait3A_81 = tpu.memref_slice %arg4[%add3A_73, %dma_wait3A_80] : memref<163840x128xf32, #tpu.memory_space<hbm>> -> memref<512x128xf32, #tpu.memory_space<hbm>>
        tpu.wait_dma2 semaphore(%run_scoped3A : memref<!tpu.dma_semaphore, #tpu.memory_space<semaphore_mem>>) src(%arg6 : memref<512x128xf32, #tpu.memory_space<vmem>>) dst(%dma_wait3A_81 : memref<512x128xf32, #tpu.memory_space<hbm>>)
        tpu.yield
      }) : () -> ()
    }
    %scan3A_7 = arith.constant 10 : i32
    return
  }
}

module attributes {stable_mosaic.version = 14 : i64} {
  func.func @_enc_body(%arg0: i32, %arg1: memref<1024x4xf32, #tpu.memory_space<vmem>>, %arg2: memref<4x32xf32, #tpu.memory_space<vmem>>, %arg3: memref<1x32xf32, #tpu.memory_space<vmem>>, %arg4: memref<32x64xf32, #tpu.memory_space<vmem>>, %arg5: memref<1x64xf32, #tpu.memory_space<vmem>>, %arg6: memref<1024x64xf32, #tpu.memory_space<vmem>>) attributes {dimension_semantics = [#tpu.dimension_semantics<arbitrary>], iteration_bounds = array<i64: 10>, scalar_prefetch = 0 : i64, scratch_operands = 0 : i64, tpu.core_type = #tpu.core_type<tc>, window_params = [{transform_indices = @transform_0, window_bounds = array<i64: 1024, 4>}, {pipeline_mode = #tpu.pipeline_mode<synchronous>, transform_indices = @transform_1, window_bounds = array<i64: 4, 32>}, {pipeline_mode = #tpu.pipeline_mode<synchronous>, transform_indices = @transform_2, window_bounds = array<i64: 1, 32>}, {pipeline_mode = #tpu.pipeline_mode<synchronous>, transform_indices = @transform_3, window_bounds = array<i64: 32, 64>}, {pipeline_mode = #tpu.pipeline_mode<synchronous>, transform_indices = @transform_4, window_bounds = array<i64: 1, 64>}, {transform_indices = @transform_5, window_bounds = array<i64: 1024, 64>}]} {
    %get3A = arith.constant 0 : index
    %get3A_0 = arith.constant 0 : index
    %get3A_1 = vector.load %arg1[%get3A, %get3A_0] : memref<1024x4xf32, #tpu.memory_space<vmem>>, vector<1024x4xf32>
    %get3A_2 = arith.constant 0 : index
    %get3A_3 = arith.constant 0 : index
    %get3A_4 = vector.load %arg2[%get3A_2, %get3A_3] : memref<4x32xf32, #tpu.memory_space<vmem>>, vector<4x32xf32>
    %dot_general3A = arith.constant dense<0.000000e+00> : vector<1024x32xf32>
    %dot_general3A_5 = tpu.matmul %get3A_1, %get3A_4, %dot_general3A {dimension_numbers = #tpu.dot_dimension_numbers<[1], [0], [0], [1], [0, 0, 1, 1], [], []>, transpose_lhs_hint = false} : vector<1024x4xf32>, vector<4x32xf32>, vector<1024x32xf32> -> vector<1024x32xf32>
    %get3A_6 = arith.constant 0 : index
    %get3A_7 = arith.constant 0 : index
    %get3A_8 = vector.load %arg3[%get3A_6, %get3A_7] : memref<1x32xf32, #tpu.memory_space<vmem>>, vector<1x32xf32>
    %add3A = vector.broadcast %get3A_8 : vector<1x32xf32> to vector<1024x32xf32>
    %add3A_9 = arith.addf %dot_general3A_5, %add3A : vector<1024x32xf32>
    %max3A = arith.constant 0.000000e+00 : f32
    %max3A_10 = vector.broadcast %max3A : f32 to vector<1024x32xf32>
    %max3A_11 = arith.maximumf %add3A_9, %max3A_10 : vector<1024x32xf32>
    %get3A_12 = arith.constant 0 : index
    %get3A_13 = arith.constant 0 : index
    %get3A_14 = vector.load %arg4[%get3A_12, %get3A_13] : memref<32x64xf32, #tpu.memory_space<vmem>>, vector<32x64xf32>
    %dot_general3A_15 = arith.constant dense<0.000000e+00> : vector<1024x64xf32>
    %dot_general3A_16 = tpu.matmul %max3A_11, %get3A_14, %dot_general3A_15 {dimension_numbers = #tpu.dot_dimension_numbers<[1], [0], [0], [1], [0, 0, 1, 1], [], []>, transpose_lhs_hint = false} : vector<1024x32xf32>, vector<32x64xf32>, vector<1024x64xf32> -> vector<1024x64xf32>
    %get3A_17 = arith.constant 0 : index
    %get3A_18 = arith.constant 0 : index
    %get3A_19 = vector.load %arg5[%get3A_17, %get3A_18] : memref<1x64xf32, #tpu.memory_space<vmem>>, vector<1x64xf32>
    %add3A_20 = vector.broadcast %get3A_19 : vector<1x64xf32> to vector<1024x64xf32>
    %add3A_21 = arith.addf %dot_general3A_16, %add3A_20 : vector<1024x64xf32>
    %max3A_22 = arith.constant 0.000000e+00 : f32
    %max3A_23 = vector.broadcast %max3A_22 : f32 to vector<1024x64xf32>
    %max3A_24 = arith.maximumf %add3A_21, %max3A_23 : vector<1024x64xf32>
    %swap3A = arith.constant 0 : index
    %swap3A_25 = arith.constant 0 : index
    %swap3A_26 = vector.load %arg6[%swap3A, %swap3A_25] : memref<1024x64xf32, #tpu.memory_space<vmem>>, vector<1024x64xf32>
    tpu.vector_store %arg6[%swap3A, %swap3A_25], %max3A_24 {strides = array<i32>} : memref<1024x64xf32, #tpu.memory_space<vmem>>, vector<1024x64xf32>,
    return
  }
  func.func @transform_0(%arg0: i32) -> (i32, i32) {
    %c0_i32 = arith.constant 0 : i32
    %c0_i32_0 = arith.constant 0 : i32
    return %arg0, %c0_i32 : i32, i32
  }
  func.func @transform_1(%arg0: i32) -> (i32, i32) {
    %c0_i32 = arith.constant 0 : i32
    %c0_i32_0 = arith.constant 0 : i32
    %c0_i32_1 = arith.constant 0 : i32
    return %c0_i32, %c0_i32_0 : i32, i32
  }
  func.func @transform_2(%arg0: i32) -> (i32, i32) {
    %c0_i32 = arith.constant 0 : i32
    %c0_i32_0 = arith.constant 0 : i32
    %c0_i32_1 = arith.constant 0 : i32
    return %c0_i32, %c0_i32_0 : i32, i32
  }
  func.func @transform_3(%arg0: i32) -> (i32, i32) {
    %c0_i32 = arith.constant 0 : i32
    %c0_i32_0 = arith.constant 0 : i32
    %c0_i32_1 = arith.constant 0 : i32
    return %c0_i32, %c0_i32_0 : i32, i32
  }
  func.func @transform_4(%arg0: i32) -> (i32, i32) {
    %c0_i32 = arith.constant 0 : i32
    %c0_i32_0 = arith.constant 0 : i32
    %c0_i32_1 = arith.constant 0 : i32
    return %c0_i32, %c0_i32_0 : i32, i32
  }
  func.func @transform_5(%arg0: i32) -> (i32, i32) {
    %c0_i32 = arith.constant 0 : i32
    %c0_i32_0 = arith.constant 0 : i32
    return %arg0, %c0_i32 : i32, i32
  }
}

module attributes {stable_mosaic.version = 14 : i64} {
  func.func @_knn_body(%arg0: i32, %arg1: memref<10xi32, #tpu.memory_space<smem>>, %arg2: memref<10xi32, #tpu.memory_space<smem>>, %arg3: memref<10240x64xf32, #tpu.memory_space<vmem>>, %arg4: memref<10240x1xi32, #tpu.memory_space<vmem>>, %arg5: memref<1x10240xi32, #tpu.memory_space<vmem>>, %arg6: memref<16x1024xi32, #tpu.memory_space<vmem>>, %arg7: memref<10240x1xf32, #tpu.memory_space<vmem>>, %arg8: memref<1x10240xf32, #tpu.memory_space<vmem>>) attributes {dimension_semantics = [#tpu.dimension_semantics<arbitrary>], iteration_bounds = array<i64: 10>, scalar_prefetch = 2 : i64, scratch_operands = 2 : i64, tpu.core_type = #tpu.core_type<tc>, window_params = [{pipeline_mode = #tpu.pipeline_mode<synchronous>, transform_indices = @transform_0, window_bounds = array<i64: 10240, 64>}, {pipeline_mode = #tpu.pipeline_mode<synchronous>, transform_indices = @transform_1, window_bounds = array<i64: 10240, 1>}, {pipeline_mode = #tpu.pipeline_mode<synchronous>, transform_indices = @transform_2, window_bounds = array<i64: 1, 10240>}, {transform_indices = @transform_3, window_bounds = array<i64: 16, 1024>}]} {
    %mul3A = arith.constant 1024 : i32
    %mul3A_0 = arith.muli %arg0, %mul3A : i32
    %eq3A = arith.constant 0 : i32
    %eq3A_1 = arith.cmpi eq, %arg0, %eq3A : i32
    %convert_element_type3A = arith.extui %eq3A_1 : i1 to i32
    %cond3A = arith.constant 0 : i32
    %cond3A_2 = arith.cmpi ne, %convert_element_type3A, %cond3A : i32
    scf.if %cond3A_2 {
      %get3A_29 = arith.constant 0 : index
      %get3A_30 = arith.constant 0 : index
      %get3A_31 = vector.load %arg3[%get3A_29, %get3A_30] : memref<10240x64xf32, #tpu.memory_space<vmem>>, vector<10240x64xf32>
      %get3A_32 = arith.constant 0 : index
      %get3A_33 = arith.constant 0 : index
      %get3A_34 = vector.load %arg3[%get3A_32, %get3A_33] : memref<10240x64xf32, #tpu.memory_space<vmem>>, vector<10240x64xf32>
      %mul3A_35 = arith.mulf %get3A_31, %get3A_34 : vector<10240x64xf32>
      %reduce_sum3A = arith.constant dense<0.000000e+00> : vector<10240xf32>
      %reduce_sum3A_36 = vector.multi_reduction <add>, %mul3A_35, %reduce_sum3A [1] : vector<10240x64xf32> to vector<10240xf32>
      %broadcast_in_dim3A_37 = vector.shape_cast %reduce_sum3A_36 : vector<10240xf32> to vector<10240x1xf32>
      %swap3A_38 = arith.constant 0 : index
      %swap3A_39 = arith.constant 0 : index
      %swap3A_40 = vector.load %arg7[%swap3A_38, %swap3A_39] : memref<10240x1xf32, #tpu.memory_space<vmem>>, vector<10240x1xf32>
      tpu.vector_store %arg7[%swap3A_38, %swap3A_39], %broadcast_in_dim3A_37 {strides = array<i32>} : memref<10240x1xf32, #tpu.memory_space<vmem>>, vector<10240x1xf32>,
      %get3A_41 = arith.constant 0 : index
      %get3A_42 = arith.constant 0 : index
      %get3A_43 = vector.load %arg7[%get3A_41, %get3A_42] : memref<10240x1xf32, #tpu.memory_space<vmem>>, vector<10240x1xf32>
      %transpose3A = tpu.transpose %get3A_43, [1, 0] : vector<10240x1xf32> -> vector<1x10240xf32>
      %swap3A_44 = arith.constant 0 : index
      %swap3A_45 = arith.constant 0 : index
      %swap3A_46 = vector.load %arg8[%swap3A_44, %swap3A_45] : memref<1x10240xf32, #tpu.memory_space<vmem>>, vector<1x10240xf32>
      tpu.vector_store %arg8[%swap3A_44, %swap3A_45], %transpose3A {strides = array<i32>} : memref<1x10240xf32, #tpu.memory_space<vmem>>, vector<1x10240xf32>,
    } else {
    }
    %get3A = arith.index_cast %mul3A_0 : i32 to index
    %get3A_3 = arith.constant 0 : index
    %get3A_4 = vector.load %arg3[%get3A, %get3A_3] : memref<10240x64xf32, #tpu.memory_space<vmem>>, vector<1024x64xf32>
    %get3A_5 = arith.constant 0 : index
    %get3A_6 = arith.index_cast %mul3A_0 : i32 to index
    %get3A_7 = vector.load %arg8[%get3A_5, %get3A_6] : memref<1x10240xf32, #tpu.memory_space<vmem>>, vector<1x1024xf32>
    %get3A_8 = arith.constant 0 : index
    %get3A_9 = arith.index_cast %mul3A_0 : i32 to index
    %get3A_10 = vector.load %arg5[%get3A_8, %get3A_9] : memref<1x10240xi32, #tpu.memory_space<vmem>>, vector<1x1024xi32>
    %broadcast_in_dim3A = arith.constant 0x7F800000 : f32
    %broadcast_in_dim3A_11 = vector.broadcast %broadcast_in_dim3A : f32 to vector<16x1024xf32>
    %iota3A = tpu.iota {dimensions = array<i32: 0>} : vector<16x1024xi32>
    %get3A_12 = arith.index_cast %arg0 : i32 to index
    %get3A_13 = memref.load %arg1[%get3A_12] : memref<10xi32, #tpu.memory_space<smem>>
    %get3A_14 = arith.index_cast %arg0 : i32 to index
    %get3A_15 = memref.load %arg2[%get3A_14] : memref<10xi32, #tpu.memory_space<smem>>
    %while3A = arith.subi %get3A_15, %get3A_13 : i32
    %while3A_16 = arith.addi %get3A_13, %while3A : i32
    %while3A_17 = arith.constant 1 : i32
    %while3A_18 = arith.divsi %while3A, %while3A_17 : i32
    %while3A_19 = arith.muli %while3A_18, %while3A_17 : i32
    %while3A_20 = arith.addi %get3A_13, %while3A_19 : i32
    %while3A_21 = arith.constant 1 : i32
    %while3A_22:2 = scf.for %while3A_29 = %get3A_13 to %while3A_20 step %while3A_21 iter_args(%while3A_30 = %broadcast_in_dim3A_11, %while3A_31 = %iota3A) -> (vector<16x1024xf32>, vector<16x1024xi32>)  : i32 {
      %mul3A_32 = arith.constant 512 : i32
      %mul3A_33 = arith.muli %while3A_29, %mul3A_32 : i32
      %get3A_34 = arith.index_cast %mul3A_33 : i32 to index
      %get3A_35 = arith.constant 0 : index
      %get3A_36 = vector.load %arg3[%get3A_34, %get3A_35] : memref<10240x64xf32, #tpu.memory_space<vmem>>, vector<256x64xf32>
      %dot_general3A = arith.constant dense<0.000000e+00> : vector<256x1024xf32>
      %dot_general3A_37 = tpu.matmul %get3A_36, %get3A_4, %dot_general3A {dimension_numbers = #tpu.dot_dimension_numbers<[1], [1], [0], [0], [0, 0, 1, 0], [], []>, transpose_lhs_hint = false} : vector<256x64xf32>, vector<1024x64xf32>, vector<256x1024xf32> -> vector<256x1024xf32>
      %get3A_38 = arith.index_cast %mul3A_33 : i32 to index
      %get3A_39 = arith.constant 0 : index
      %get3A_40 = vector.load %arg7[%get3A_38, %get3A_39] : memref<10240x1xf32, #tpu.memory_space<vmem>>, vector<256x1xf32>
      %add3A = vector.broadcast %get3A_40 : vector<256x1xf32> to vector<256x1024xf32>
      %add3A_41 = vector.broadcast %get3A_7 : vector<1x1024xf32> to vector<256x1024xf32>
      %add3A_42 = arith.addf %add3A, %add3A_41 : vector<256x1024xf32>
      %mul3A_43 = arith.constant 2.000000e+00 : f32
      %mul3A_44 = vector.broadcast %mul3A_43 : f32 to vector<256x1024xf32>
      %mul3A_45 = arith.mulf %mul3A_44, %dot_general3A_37 : vector<256x1024xf32>
      %sub3A = arith.subf %add3A_42, %mul3A_45 : vector<256x1024xf32>
      %iota3A_46 = tpu.iota {dimensions = array<i32: 0>} : vector<256x1024xi32>
      %add3A_47 = vector.broadcast %mul3A_33 : i32 to vector<256x1024xi32>
      %add3A_48 = arith.addi %add3A_47, %iota3A_46 : vector<256x1024xi32>
      %iota3A_49 = tpu.iota {dimensions = array<i32: 1>} : vector<256x1024xi32>
      %add3A_50 = vector.broadcast %mul3A_0 : i32 to vector<256x1024xi32>
      %add3A_51 = arith.addi %add3A_50, %iota3A_49 : vector<256x1024xi32>
      %get3A_52 = arith.index_cast %mul3A_33 : i32 to index
      %get3A_53 = arith.constant 0 : index
      %get3A_54 = vector.load %arg4[%get3A_52, %get3A_53] : memref<10240x1xi32, #tpu.memory_space<vmem>>, vector<256x1xi32>
      %eq3A_55 = vector.broadcast %get3A_54 : vector<256x1xi32> to vector<256x1024xi32>
      %eq3A_56 = vector.broadcast %get3A_10 : vector<1x1024xi32> to vector<256x1024xi32>
      %eq3A_57 = arith.cmpi eq, %eq3A_55, %eq3A_56 : vector<256x1024xi32>
      %ne3A = arith.cmpi ne, %add3A_48, %add3A_51 : vector<256x1024xi32>
      %and3A = arith.andi %eq3A_57, %ne3A : vector<256x1024xi1>
      %jit3A = arith.constant 0x7F800000 : f32
      %broadcast_in_dim3A_58 = vector.broadcast %jit3A : f32 to vector<256x1024xf32>
      %select_n3A = arith.select %and3A, %sub3A, %broadcast_in_dim3A_58 : vector<256x1024xi1>, vector<256x1024xf32>
      %add3A_59 = arith.constant 256 : i32
      %add3A_60 = arith.addi %mul3A_33, %add3A_59 : i32
      %get3A_61 = arith.index_cast %add3A_60 : i32 to index
      %get3A_62 = arith.constant 0 : index
      %get3A_63 = vector.load %arg3[%get3A_61, %get3A_62] : memref<10240x64xf32, #tpu.memory_space<vmem>>, vector<256x64xf32>
      %dot_general3A_64 = arith.constant dense<0.000000e+00> : vector<256x1024xf32>
      %dot_general3A_65 = tpu.matmul %get3A_63, %get3A_4, %dot_general3A_64 {dimension_numbers = #tpu.dot_dimension_numbers<[1], [1], [0], [0], [0, 0, 1, 0], [], []>, transpose_lhs_hint = false} : vector<256x64xf32>, vector<1024x64xf32>, vector<256x1024xf32> -> vector<256x1024xf32>
      %get3A_66 = arith.index_cast %add3A_60 : i32 to index
      %get3A_67 = arith.constant 0 : index
      %get3A_68 = vector.load %arg7[%get3A_66, %get3A_67] : memref<10240x1xf32, #tpu.memory_space<vmem>>, vector<256x1xf32>
      %add3A_69 = vector.broadcast %get3A_68 : vector<256x1xf32> to vector<256x1024xf32>
      %add3A_70 = vector.broadcast %get3A_7 : vector<1x1024xf32> to vector<256x1024xf32>
      %add3A_71 = arith.addf %add3A_69, %add3A_70 : vector<256x1024xf32>
      %mul3A_72 = arith.constant 2.000000e+00 : f32
      %mul3A_73 = vector.broadcast %mul3A_72 : f32 to vector<256x1024xf32>
      %mul3A_74 = arith.mulf %mul3A_73, %dot_general3A_65 : vector<256x1024xf32>
      %sub3A_75 = arith.subf %add3A_71, %mul3A_74 : vector<256x1024xf32>
      %iota3A_76 = tpu.iota {dimensions = array<i32: 0>} : vector<256x1024xi32>
      %add3A_77 = vector.broadcast %add3A_60 : i32 to vector<256x1024xi32>
      %add3A_78 = arith.addi %add3A_77, %iota3A_76 : vector<256x1024xi32>
      %iota3A_79 = tpu.iota {dimensions = array<i32: 1>} : vector<256x1024xi32>
      %add3A_80 = vector.broadcast %mul3A_0 : i32 to vector<256x1024xi32>
      %add3A_81 = arith.addi %add3A_80, %iota3A_79 : vector<256x1024xi32>
      %get3A_82 = arith.index_cast %add3A_60 : i32 to index
      %get3A_83 = arith.constant 0 : index
      %get3A_84 = vector.load %arg4[%get3A_82, %get3A_83] : memref<10240x1xi32, #tpu.memory_space<vmem>>, vector<256x1xi32>
      %eq3A_85 = vector.broadcast %get3A_84 : vector<256x1xi32> to vector<256x1024xi32>
      %eq3A_86 = vector.broadcast %get3A_10 : vector<1x1024xi32> to vector<256x1024xi32>
      %eq3A_87 = arith.cmpi eq, %eq3A_85, %eq3A_86 : vector<256x1024xi32>
      %ne3A_88 = arith.cmpi ne, %add3A_78, %add3A_81 : vector<256x1024xi32>
      %and3A_89 = arith.andi %eq3A_87, %ne3A_88 : vector<256x1024xi1>
      %jit3A_90 = arith.constant 0x7F800000 : f32
      %broadcast_in_dim3A_91 = vector.broadcast %jit3A_90 : f32 to vector<256x1024xf32>
      %select_n3A_92 = arith.select %and3A_89, %sub3A_75, %broadcast_in_dim3A_91 : vector<256x1024xi1>, vector<256x1024xf32>
      %le3A = arith.cmpf ole, %select_n3A, %select_n3A_92 : vector<256x1024xf32>
      %min3A_93 = arith.minimumf %select_n3A, %select_n3A_92 : vector<256x1024xf32>
      %select_n3A_94 = arith.select %le3A, %add3A_48, %add3A_78 : vector<256x1024xi1>, vector<256x1024xi32>
      %broadcast_in_dim3A_95 = arith.constant 0x7F800000 : f32
      %broadcast_in_dim3A_96 = vector.broadcast %broadcast_in_dim3A_95 : f32 to vector<16x1024xf32>
      %broadcast_in_dim3A_97 = arith.constant 1073741824 : i32
      %broadcast_in_dim3A_98 = vector.broadcast %broadcast_in_dim3A_97 : i32 to vector<16x1024xi32>
      %concatenate3A = tpu.concatenate %while3A_30, %min3A_93 in 0 : vector<16x1024xf32>, vector<256x1024xf32> -> vector<272x1024xf32>
      %concatenate3A_99 = tpu.concatenate %while3A_31, %select_n3A_94 in 0 : vector<16x1024xi32>, vector<256x1024xi32> -> vector<272x1024xi32>
      %max3A = arith.maximumf %select_n3A, %select_n3A_92 : vector<256x1024xf32>
      %concatenate3A_100 = tpu.concatenate %broadcast_in_dim3A_96, %max3A in 0 : vector<16x1024xf32>, vector<256x1024xf32> -> vector<272x1024xf32>
      %select_n3A_101 = arith.select %le3A, %add3A_78, %add3A_48 : vector<256x1024xi1>, vector<256x1024xi32>
      %concatenate3A_102 = tpu.concatenate %broadcast_in_dim3A_98, %select_n3A_101 in 0 : vector<16x1024xi32>, vector<256x1024xi32> -> vector<272x1024xi32>
      %reduce_min3A = arith.constant dense<0x7F800000> : vector<1024xf32>
      %reduce_min3A_103 = vector.multi_reduction <minimumf>, %concatenate3A, %reduce_min3A [0] : vector<272x1024xf32> to vector<1024xf32>
      %broadcast_in_dim3A_104 = vector.shape_cast %reduce_min3A_103 : vector<1024xf32> to vector<1x1024xf32>
      %eq3A_105 = vector.broadcast %broadcast_in_dim3A_104 : vector<1x1024xf32> to vector<272x1024xf32>
      %eq3A_106 = arith.cmpf oeq, %concatenate3A, %eq3A_105 : vector<272x1024xf32>
      %jit3A_107 = arith.constant 1073741824 : i32
      %broadcast_in_dim3A_108 = vector.broadcast %jit3A_107 : i32 to vector<272x1024xi32>
      %select_n3A_109 = arith.select %eq3A_106, %concatenate3A_99, %broadcast_in_dim3A_108 : vector<272x1024xi1>, vector<272x1024xi32>
      %reduce_min3A_110 = arith.constant dense<2147483647> : vector<1024xi32>
      %reduce_min3A_111 = vector.multi_reduction <minsi>, %select_n3A_109, %reduce_min3A_110 [0] : vector<272x1024xi32> to vector<1024xi32>
      %broadcast_in_dim3A_112 = vector.shape_cast %reduce_min3A_111 : vector<1024xi32> to vector<1x1024xi32>
      %eq3A_113 = vector.broadcast %broadcast_in_dim3A_112 : vector<1x1024xi32> to vector<272x1024xi32>
      %eq3A_114 = arith.cmpi eq, %concatenate3A_99, %eq3A_113 : vector<272x1024xi32>
      %and3A_115 = arith.andi %eq3A_106, %eq3A_114 : vector<272x1024xi1>
      %select_n3A_116 = arith.select %and3A_115, %concatenate3A_100, %concatenate3A : vector<272x1024xi1>, vector<272x1024xf32>
      %select_n3A_117 = arith.select %and3A_115, %concatenate3A_102, %concatenate3A_99 : vector<272x1024xi1>, vector<272x1024xi32>
      %jit3A_118 = arith.constant 0x7F800000 : f32
      %broadcast_in_dim3A_119 = vector.broadcast %jit3A_118 : f32 to vector<272x1024xf32>
      %select_n3A_120 = arith.select %and3A_115, %broadcast_in_dim3A_119, %concatenate3A_100 : vector<272x1024xi1>, vector<272x1024xf32>
      %reduce_min3A_121 = arith.constant dense<0x7F800000> : vector<1024xf32>
      %reduce_min3A_122 = vector.multi_reduction <minimumf>, %select_n3A_116, %reduce_min3A_121 [0] : vector<272x1024xf32> to vector<1024xf32>
      %broadcast_in_dim3A_123 = vector.shape_cast %reduce_min3A_122 : vector<1024xf32> to vector<1x1024xf32>
      %eq3A_124 = vector.broadcast %broadcast_in_dim3A_123 : vector<1x1024xf32> to vector<272x1024xf32>
      %eq3A_125 = arith.cmpf oeq, %select_n3A_116, %eq3A_124 : vector<272x1024xf32>
      %jit3A_126 = arith.constant 1073741824 : i32
      %broadcast_in_dim3A_127 = vector.broadcast %jit3A_126 : i32 to vector<272x1024xi32>
      %select_n3A_128 = arith.select %eq3A_125, %select_n3A_117, %broadcast_in_dim3A_127 : vector<272x1024xi1>, vector<272x1024xi32>
      %reduce_min3A_129 = arith.constant dense<2147483647> : vector<1024xi32>
      %reduce_min3A_130 = vector.multi_reduction <minsi>, %select_n3A_128, %reduce_min3A_129 [0] : vector<272x1024xi32> to vector<1024xi32>
      %broadcast_in_dim3A_131 = vector.shape_cast %reduce_min3A_130 : vector<1024xi32> to vector<1x1024xi32>
      %eq3A_132 = vector.broadcast %broadcast_in_dim3A_131 : vector<1x1024xi32> to vector<272x1024xi32>
      %eq3A_133 = arith.cmpi eq, %select_n3A_117, %eq3A_132 : vector<272x1024xi32>
      %and3A_134 = arith.andi %eq3A_125, %eq3A_133 : vector<272x1024xi1>
      %select_n3A_135 = arith.select %and3A_134, %select_n3A_120, %select_n3A_116 : vector<272x1024xi1>, vector<272x1024xf32>
      %select_n3A_136 = arith.select %and3A_134, %concatenate3A_102, %select_n3A_117 : vector<272x1024xi1>, vector<272x1024xi32>
      %jit3A_137 = arith.constant 0x7F800000 : f32
      %broadcast_in_dim3A_138 = vector.broadcast %jit3A_137 : f32 to vector<272x1024xf32>
      %select_n3A_139 = arith.select %and3A_134, %broadcast_in_dim3A_138, %select_n3A_120 : vector<272x1024xi1>, vector<272x1024xf32>
      %reduce_min3A_140 = arith.constant dense<0x7F800000> : vector<1024xf32>
      %reduce_min3A_141 = vector.multi_reduction <minimumf>, %select_n3A_135, %reduce_min3A_140 [0] : vector<272x1024xf32> to vector<1024xf32>
      %broadcast_in_dim3A_142 = vector.shape_cast %reduce_min3A_141 : vector<1024xf32> to vector<1x1024xf32>
      %eq3A_143 = vector.broadcast %broadcast_in_dim3A_142 : vector<1x1024xf32> to vector<272x1024xf32>
      %eq3A_144 = arith.cmpf oeq, %select_n3A_135, %eq3A_143 : vector<272x1024xf32>
      %jit3A_145 = arith.constant 1073741824 : i32
      %broadcast_in_dim3A_146 = vector.broadcast %jit3A_145 : i32 to vector<272x1024xi32>
      %select_n3A_147 = arith.select %eq3A_144, %select_n3A_136, %broadcast_in_dim3A_146 : vector<272x1024xi1>, vector<272x1024xi32>
      %reduce_min3A_148 = arith.constant dense<2147483647> : vector<1024xi32>
      %reduce_min3A_149 = vector.multi_reduction <minsi>, %select_n3A_147, %reduce_min3A_148 [0] : vector<272x1024xi32> to vector<1024xi32>
      %broadcast_in_dim3A_150 = vector.shape_cast %reduce_min3A_149 : vector<1024xi32> to vector<1x1024xi32>
      %eq3A_151 = vector.broadcast %broadcast_in_dim3A_150 : vector<1x1024xi32> to vector<272x1024xi32>
      %eq3A_152 = arith.cmpi eq, %select_n3A_136, %eq3A_151 : vector<272x1024xi32>
      %and3A_153 = arith.andi %eq3A_144, %eq3A_152 : vector<272x1024xi1>
      %select_n3A_154 = arith.select %and3A_153, %select_n3A_139, %select_n3A_135 : vector<272x1024xi1>, vector<272x1024xf32>
      %select_n3A_155 = arith.select %and3A_153, %concatenate3A_102, %select_n3A_136 : vector<272x1024xi1>, vector<272x1024xi32>
      %jit3A_156 = arith.constant 0x7F800000 : f32
      %broadcast_in_dim3A_157 = vector.broadcast %jit3A_156 : f32 to vector<272x1024xf32>
      %select_n3A_158 = arith.select %and3A_153, %broadcast_in_dim3A_157, %select_n3A_139 : vector<272x1024xi1>, vector<272x1024xf32>
      %reduce_min3A_159 = arith.constant dense<0x7F800000> : vector<1024xf32>
      %reduce_min3A_160 = vector.multi_reduction <minimumf>, %select_n3A_154, %reduce_min3A_159 [0] : vector<272x1024xf32> to vector<1024xf32>
      %broadcast_in_dim3A_161 = vector.shape_cast %reduce_min3A_160 : vector<1024xf32> to vector<1x1024xf32>
      %eq3A_162 = vector.broadcast %broadcast_in_dim3A_161 : vector<1x1024xf32> to vector<272x1024xf32>
      %eq3A_163 = arith.cmpf oeq, %select_n3A_154, %eq3A_162 : vector<272x1024xf32>
      %jit3A_164 = arith.constant 1073741824 : i32
      %broadcast_in_dim3A_165 = vector.broadcast %jit3A_164 : i32 to vector<272x1024xi32>
      %select_n3A_166 = arith.select %eq3A_163, %select_n3A_155, %broadcast_in_dim3A_165 : vector<272x1024xi1>, vector<272x1024xi32>
      %reduce_min3A_167 = arith.constant dense<2147483647> : vector<1024xi32>
      %reduce_min3A_168 = vector.multi_reduction <minsi>, %select_n3A_166, %reduce_min3A_167 [0] : vector<272x1024xi32> to vector<1024xi32>
      %broadcast_in_dim3A_169 = vector.shape_cast %reduce_min3A_168 : vector<1024xi32> to vector<1x1024xi32>
      %eq3A_170 = vector.broadcast %broadcast_in_dim3A_169 : vector<1x1024xi32> to vector<272x1024xi32>
      %eq3A_171 = arith.cmpi eq, %select_n3A_155, %eq3A_170 : vector<272x1024xi32>
      %and3A_172 = arith.andi %eq3A_163, %eq3A_171 : vector<272x1024xi1>
      %select_n3A_173 = arith.select %and3A_172, %select_n3A_158, %select_n3A_154 : vector<272x1024xi1>, vector<272x1024xf32>
      %select_n3A_174 = arith.select %and3A_172, %concatenate3A_102, %select_n3A_155 : vector<272x1024xi1>, vector<272x1024xi32>
      %jit3A_175 = arith.constant 0x7F800000 : f32
      %broadcast_in_dim3A_176 = vector.broadcast %jit3A_175 : f32 to vector<272x1024xf32>
      %select_n3A_177 = arith.select %and3A_172, %broadcast_in_dim3A_176, %select_n3A_158 : vector<272x1024xi1>, vector<272x1024xf32>
      %reduce_min3A_178 = arith.constant dense<0x7F800000> : vector<1024xf32>
      %reduce_min3A_179 = vector.multi_reduction <minimumf>, %select_n3A_173, %reduce_min3A_178 [0] : vector<272x1024xf32> to vector<1024xf32>
      %broadcast_in_dim3A_180 = vector.shape_cast %reduce_min3A_179 : vector<1024xf32> to vector<1x1024xf32>
      %eq3A_181 = vector.broadcast %broadcast_in_dim3A_180 : vector<1x1024xf32> to vector<272x1024xf32>
      %eq3A_182 = arith.cmpf oeq, %select_n3A_173, %eq3A_181 : vector<272x1024xf32>
      %jit3A_183 = arith.constant 1073741824 : i32
      %broadcast_in_dim3A_184 = vector.broadcast %jit3A_183 : i32 to vector<272x1024xi32>
      %select_n3A_185 = arith.select %eq3A_182, %select_n3A_174, %broadcast_in_dim3A_184 : vector<272x1024xi1>, vector<272x1024xi32>
      %reduce_min3A_186 = arith.constant dense<2147483647> : vector<1024xi32>
      %reduce_min3A_187 = vector.multi_reduction <minsi>, %select_n3A_185, %reduce_min3A_186 [0] : vector<272x1024xi32> to vector<1024xi32>
      %broadcast_in_dim3A_188 = vector.shape_cast %reduce_min3A_187 : vector<1024xi32> to vector<1x1024xi32>
      %eq3A_189 = vector.broadcast %broadcast_in_dim3A_188 : vector<1x1024xi32> to vector<272x1024xi32>
      %eq3A_190 = arith.cmpi eq, %select_n3A_174, %eq3A_189 : vector<272x1024xi32>
      %and3A_191 = arith.andi %eq3A_182, %eq3A_190 : vector<272x1024xi1>
      %select_n3A_192 = arith.select %and3A_191, %select_n3A_177, %select_n3A_173 : vector<272x1024xi1>, vector<272x1024xf32>
      %select_n3A_193 = arith.select %and3A_191, %concatenate3A_102, %select_n3A_174 : vector<272x1024xi1>, vector<272x1024xi32>
      %jit3A_194 = arith.constant 0x7F800000 : f32
      %broadcast_in_dim3A_195 = vector.broadcast %jit3A_194 : f32 to vector<272x1024xf32>
      %select_n3A_196 = arith.select %and3A_191, %broadcast_in_dim3A_195, %select_n3A_177 : vector<272x1024xi1>, vector<272x1024xf32>
      %reduce_min3A_197 = arith.constant dense<0x7F800000> : vector<1024xf32>
      %reduce_min3A_198 = vector.multi_reduction <minimumf>, %select_n3A_192, %reduce_min3A_197 [0] : vector<272x1024xf32> to vector<1024xf32>
      %broadcast_in_dim3A_199 = vector.shape_cast %reduce_min3A_198 : vector<1024xf32> to vector<1x1024xf32>
      %eq3A_200 = vector.broadcast %broadcast_in_dim3A_199 : vector<1x1024xf32> to vector<272x1024xf32>
      %eq3A_201 = arith.cmpf oeq, %select_n3A_192, %eq3A_200 : vector<272x1024xf32>
      %jit3A_202 = arith.constant 1073741824 : i32
      %broadcast_in_dim3A_203 = vector.broadcast %jit3A_202 : i32 to vector<272x1024xi32>
      %select_n3A_204 = arith.select %eq3A_201, %select_n3A_193, %broadcast_in_dim3A_203 : vector<272x1024xi1>, vector<272x1024xi32>
      %reduce_min3A_205 = arith.constant dense<2147483647> : vector<1024xi32>
      %reduce_min3A_206 = vector.multi_reduction <minsi>, %select_n3A_204, %reduce_min3A_205 [0] : vector<272x1024xi32> to vector<1024xi32>
      %broadcast_in_dim3A_207 = vector.shape_cast %reduce_min3A_206 : vector<1024xi32> to vector<1x1024xi32>
      %eq3A_208 = vector.broadcast %broadcast_in_dim3A_207 : vector<1x1024xi32> to vector<272x1024xi32>
      %eq3A_209 = arith.cmpi eq, %select_n3A_193, %eq3A_208 : vector<272x1024xi32>
      %and3A_210 = arith.andi %eq3A_201, %eq3A_209 : vector<272x1024xi1>
      %select_n3A_211 = arith.select %and3A_210, %select_n3A_196, %select_n3A_192 : vector<272x1024xi1>, vector<272x1024xf32>
      %select_n3A_212 = arith.select %and3A_210, %concatenate3A_102, %select_n3A_193 : vector<272x1024xi1>, vector<272x1024xi32>
      %jit3A_213 = arith.constant 0x7F800000 : f32
      %broadcast_in_dim3A_214 = vector.broadcast %jit3A_213 : f32 to vector<272x1024xf32>
      %select_n3A_215 = arith.select %and3A_210, %broadcast_in_dim3A_214, %select_n3A_196 : vector<272x1024xi1>, vector<272x1024xf32>
      %reduce_min3A_216 = arith.constant dense<0x7F800000> : vector<1024xf32>
      %reduce_min3A_217 = vector.multi_reduction <minimumf>, %select_n3A_211, %reduce_min3A_216 [0] : vector<272x1024xf32> to vector<1024xf32>
      %broadcast_in_dim3A_218 = vector.shape_cast %reduce_min3A_217 : vector<1024xf32> to vector<1x1024xf32>
      %eq3A_219 = vector.broadcast %broadcast_in_dim3A_218 : vector<1x1024xf32> to vector<272x1024xf32>
      %eq3A_220 = arith.cmpf oeq, %select_n3A_211, %eq3A_219 : vector<272x1024xf32>
      %jit3A_221 = arith.constant 1073741824 : i32
      %broadcast_in_dim3A_222 = vector.broadcast %jit3A_221 : i32 to vector<272x1024xi32>
      %select_n3A_223 = arith.select %eq3A_220, %select_n3A_212, %broadcast_in_dim3A_222 : vector<272x1024xi1>, vector<272x1024xi32>
      %reduce_min3A_224 = arith.constant dense<2147483647> : vector<1024xi32>
      %reduce_min3A_225 = vector.multi_reduction <minsi>, %select_n3A_223, %reduce_min3A_224 [0] : vector<272x1024xi32> to vector<1024xi32>
      %broadcast_in_dim3A_226 = vector.shape_cast %reduce_min3A_225 : vector<1024xi32> to vector<1x1024xi32>
      %eq3A_227 = vector.broadcast %broadcast_in_dim3A_226 : vector<1x1024xi32> to vector<272x1024xi32>
      %eq3A_228 = arith.cmpi eq, %select_n3A_212, %eq3A_227 : vector<272x1024xi32>
      %and3A_229 = arith.andi %eq3A_220, %eq3A_228 : vector<272x1024xi1>
      %select_n3A_230 = arith.select %and3A_229, %select_n3A_215, %select_n3A_211 : vector<272x1024xi1>, vector<272x1024xf32>
      %select_n3A_231 = arith.select %and3A_229, %concatenate3A_102, %select_n3A_212 : vector<272x1024xi1>, vector<272x1024xi32>
      %jit3A_232 = arith.constant 0x7F800000 : f32
      %broadcast_in_dim3A_233 = vector.broadcast %jit3A_232 : f32 to vector<272x1024xf32>
      %select_n3A_234 = arith.select %and3A_229, %broadcast_in_dim3A_233, %select_n3A_215 : vector<272x1024xi1>, vector<272x1024xf32>
      %reduce_min3A_235 = arith.constant dense<0x7F800000> : vector<1024xf32>
      %reduce_min3A_236 = vector.multi_reduction <minimumf>, %select_n3A_230, %reduce_min3A_235 [0] : vector<272x1024xf32> to vector<1024xf32>
      %broadcast_in_dim3A_237 = vector.shape_cast %reduce_min3A_236 : vector<1024xf32> to vector<1x1024xf32>
      %eq3A_238 = vector.broadcast %broadcast_in_dim3A_237 : vector<1x1024xf32> to vector<272x1024xf32>
      %eq3A_239 = arith.cmpf oeq, %select_n3A_230, %eq3A_238 : vector<272x1024xf32>
      %jit3A_240 = arith.constant 1073741824 : i32
      %broadcast_in_dim3A_241 = vector.broadcast %jit3A_240 : i32 to vector<272x1024xi32>
      %select_n3A_242 = arith.select %eq3A_239, %select_n3A_231, %broadcast_in_dim3A_241 : vector<272x1024xi1>, vector<272x1024xi32>
      %reduce_min3A_243 = arith.constant dense<2147483647> : vector<1024xi32>
      %reduce_min3A_244 = vector.multi_reduction <minsi>, %select_n3A_242, %reduce_min3A_243 [0] : vector<272x1024xi32> to vector<1024xi32>
      %broadcast_in_dim3A_245 = vector.shape_cast %reduce_min3A_244 : vector<1024xi32> to vector<1x1024xi32>
      %eq3A_246 = vector.broadcast %broadcast_in_dim3A_245 : vector<1x1024xi32> to vector<272x1024xi32>
      %eq3A_247 = arith.cmpi eq, %select_n3A_231, %eq3A_246 : vector<272x1024xi32>
      %and3A_248 = arith.andi %eq3A_239, %eq3A_247 : vector<272x1024xi1>
      %select_n3A_249 = arith.select %and3A_248, %select_n3A_234, %select_n3A_230 : vector<272x1024xi1>, vector<272x1024xf32>
      %select_n3A_250 = arith.select %and3A_248, %concatenate3A_102, %select_n3A_231 : vector<272x1024xi1>, vector<272x1024xi32>
      %jit3A_251 = arith.constant 0x7F800000 : f32
      %broadcast_in_dim3A_252 = vector.broadcast %jit3A_251 : f32 to vector<272x1024xf32>
      %select_n3A_253 = arith.select %and3A_248, %broadcast_in_dim3A_252, %select_n3A_234 : vector<272x1024xi1>, vector<272x1024xf32>
      %reduce_min3A_254 = arith.constant dense<0x7F800000> : vector<1024xf32>
      %reduce_min3A_255 = vector.multi_reduction <minimumf>, %select_n3A_249, %reduce_min3A_254 [0] : vector<272x1024xf32> to vector<1024xf32>
      %broadcast_in_dim3A_256 = vector.shape_cast %reduce_min3A_255 : vector<1024xf32> to vector<1x1024xf32>
      %eq3A_257 = vector.broadcast %broadcast_in_dim3A_256 : vector<1x1024xf32> to vector<272x1024xf32>
      %eq3A_258 = arith.cmpf oeq, %select_n3A_249, %eq3A_257 : vector<272x1024xf32>
      %jit3A_259 = arith.constant 1073741824 : i32
      %broadcast_in_dim3A_260 = vector.broadcast %jit3A_259 : i32 to vector<272x1024xi32>
      %select_n3A_261 = arith.select %eq3A_258, %select_n3A_250, %broadcast_in_dim3A_260 : vector<272x1024xi1>, vector<272x1024xi32>
      %reduce_min3A_262 = arith.constant dense<2147483647> : vector<1024xi32>
      %reduce_min3A_263 = vector.multi_reduction <minsi>, %select_n3A_261, %reduce_min3A_262 [0] : vector<272x1024xi32> to vector<1024xi32>
      %broadcast_in_dim3A_264 = vector.shape_cast %reduce_min3A_263 : vector<1024xi32> to vector<1x1024xi32>
      %eq3A_265 = vector.broadcast %broadcast_in_dim3A_264 : vector<1x1024xi32> to vector<272x1024xi32>
      %eq3A_266 = arith.cmpi eq, %select_n3A_250, %eq3A_265 : vector<272x1024xi32>
      %and3A_267 = arith.andi %eq3A_258, %eq3A_266 : vector<272x1024xi1>
      %select_n3A_268 = arith.select %and3A_267, %select_n3A_253, %select_n3A_249 : vector<272x1024xi1>, vector<272x1024xf32>
      %select_n3A_269 = arith.select %and3A_267, %concatenate3A_102, %select_n3A_250 : vector<272x1024xi1>, vector<272x1024xi32>
      %jit3A_270 = arith.constant 0x7F800000 : f32
      %broadcast_in_dim3A_271 = vector.broadcast %jit3A_270 : f32 to vector<272x1024xf32>
      %select_n3A_272 = arith.select %and3A_267, %broadcast_in_dim3A_271, %select_n3A_253 : vector<272x1024xi1>, vector<272x1024xf32>
      %reduce_min3A_273 = arith.constant dense<0x7F800000> : vector<1024xf32>
      %reduce_min3A_274 = vector.multi_reduction <minimumf>, %select_n3A_268, %reduce_min3A_273 [0] : vector<272x1024xf32> to vector<1024xf32>
      %broadcast_in_dim3A_275 = vector.shape_cast %reduce_min3A_274 : vector<1024xf32> to vector<1x1024xf32>
      %eq3A_276 = vector.broadcast %broadcast_in_dim3A_275 : vector<1x1024xf32> to vector<272x1024xf32>
      %eq3A_277 = arith.cmpf oeq, %select_n3A_268, %eq3A_276 : vector<272x1024xf32>
      %jit3A_278 = arith.constant 1073741824 : i32
      %broadcast_in_dim3A_279 = vector.broadcast %jit3A_278 : i32 to vector<272x1024xi32>
      %select_n3A_280 = arith.select %eq3A_277, %select_n3A_269, %broadcast_in_dim3A_279 : vector<272x1024xi1>, vector<272x1024xi32>
      %reduce_min3A_281 = arith.constant dense<2147483647> : vector<1024xi32>
      %reduce_min3A_282 = vector.multi_reduction <minsi>, %select_n3A_280, %reduce_min3A_281 [0] : vector<272x1024xi32> to vector<1024xi32>
      %broadcast_in_dim3A_283 = vector.shape_cast %reduce_min3A_282 : vector<1024xi32> to vector<1x1024xi32>
      %eq3A_284 = vector.broadcast %broadcast_in_dim3A_283 : vector<1x1024xi32> to vector<272x1024xi32>
      %eq3A_285 = arith.cmpi eq, %select_n3A_269, %eq3A_284 : vector<272x1024xi32>
      %and3A_286 = arith.andi %eq3A_277, %eq3A_285 : vector<272x1024xi1>
      %select_n3A_287 = arith.select %and3A_286, %select_n3A_272, %select_n3A_268 : vector<272x1024xi1>, vector<272x1024xf32>
      %select_n3A_288 = arith.select %and3A_286, %concatenate3A_102, %select_n3A_269 : vector<272x1024xi1>, vector<272x1024xi32>
      %jit3A_289 = arith.constant 0x7F800000 : f32
      %broadcast_in_dim3A_290 = vector.broadcast %jit3A_289 : f32 to vector<272x1024xf32>
      %select_n3A_291 = arith.select %and3A_286, %broadcast_in_dim3A_290, %select_n3A_272 : vector<272x1024xi1>, vector<272x1024xf32>
      %reduce_min3A_292 = arith.constant dense<0x7F800000> : vector<1024xf32>
      %reduce_min3A_293 = vector.multi_reduction <minimumf>, %select_n3A_287, %reduce_min3A_292 [0] : vector<272x1024xf32> to vector<1024xf32>
      %broadcast_in_dim3A_294 = vector.shape_cast %reduce_min3A_293 : vector<1024xf32> to vector<1x1024xf32>
      %eq3A_295 = vector.broadcast %broadcast_in_dim3A_294 : vector<1x1024xf32> to vector<272x1024xf32>
      %eq3A_296 = arith.cmpf oeq, %select_n3A_287, %eq3A_295 : vector<272x1024xf32>
      %jit3A_297 = arith.constant 1073741824 : i32
      %broadcast_in_dim3A_298 = vector.broadcast %jit3A_297 : i32 to vector<272x1024xi32>
      %select_n3A_299 = arith.select %eq3A_296, %select_n3A_288, %broadcast_in_dim3A_298 : vector<272x1024xi1>, vector<272x1024xi32>
      %reduce_min3A_300 = arith.constant dense<2147483647> : vector<1024xi32>
      %reduce_min3A_301 = vector.multi_reduction <minsi>, %select_n3A_299, %reduce_min3A_300 [0] : vector<272x1024xi32> to vector<1024xi32>
      %broadcast_in_dim3A_302 = vector.shape_cast %reduce_min3A_301 : vector<1024xi32> to vector<1x1024xi32>
      %eq3A_303 = vector.broadcast %broadcast_in_dim3A_302 : vector<1x1024xi32> to vector<272x1024xi32>
      %eq3A_304 = arith.cmpi eq, %select_n3A_288, %eq3A_303 : vector<272x1024xi32>
      %and3A_305 = arith.andi %eq3A_296, %eq3A_304 : vector<272x1024xi1>
      %select_n3A_306 = arith.select %and3A_305, %select_n3A_291, %select_n3A_287 : vector<272x1024xi1>, vector<272x1024xf32>
      %select_n3A_307 = arith.select %and3A_305, %concatenate3A_102, %select_n3A_288 : vector<272x1024xi1>, vector<272x1024xi32>
      %jit3A_308 = arith.constant 0x7F800000 : f32
      %broadcast_in_dim3A_309 = vector.broadcast %jit3A_308 : f32 to vector<272x1024xf32>
      %select_n3A_310 = arith.select %and3A_305, %broadcast_in_dim3A_309, %select_n3A_291 : vector<272x1024xi1>, vector<272x1024xf32>
      %reduce_min3A_311 = arith.constant dense<0x7F800000> : vector<1024xf32>
      %reduce_min3A_312 = vector.multi_reduction <minimumf>, %select_n3A_306, %reduce_min3A_311 [0] : vector<272x1024xf32> to vector<1024xf32>
      %broadcast_in_dim3A_313 = vector.shape_cast %reduce_min3A_312 : vector<1024xf32> to vector<1x1024xf32>
      %eq3A_314 = vector.broadcast %broadcast_in_dim3A_313 : vector<1x1024xf32> to vector<272x1024xf32>
      %eq3A_315 = arith.cmpf oeq, %select_n3A_306, %eq3A_314 : vector<272x1024xf32>
      %jit3A_316 = arith.constant 1073741824 : i32
      %broadcast_in_dim3A_317 = vector.broadcast %jit3A_316 : i32 to vector<272x1024xi32>
      %select_n3A_318 = arith.select %eq3A_315, %select_n3A_307, %broadcast_in_dim3A_317 : vector<272x1024xi1>, vector<272x1024xi32>
      %reduce_min3A_319 = arith.constant dense<2147483647> : vector<1024xi32>
      %reduce_min3A_320 = vector.multi_reduction <minsi>, %select_n3A_318, %reduce_min3A_319 [0] : vector<272x1024xi32> to vector<1024xi32>
      %broadcast_in_dim3A_321 = vector.shape_cast %reduce_min3A_320 : vector<1024xi32> to vector<1x1024xi32>
      %eq3A_322 = vector.broadcast %broadcast_in_dim3A_321 : vector<1x1024xi32> to vector<272x1024xi32>
      %eq3A_323 = arith.cmpi eq, %select_n3A_307, %eq3A_322 : vector<272x1024xi32>
      %and3A_324 = arith.andi %eq3A_315, %eq3A_323 : vector<272x1024xi1>
      %select_n3A_325 = arith.select %and3A_324, %select_n3A_310, %select_n3A_306 : vector<272x1024xi1>, vector<272x1024xf32>
      %select_n3A_326 = arith.select %and3A_324, %concatenate3A_102, %select_n3A_307 : vector<272x1024xi1>, vector<272x1024xi32>
      %jit3A_327 = arith.constant 0x7F800000 : f32
      %broadcast_in_dim3A_328 = vector.broadcast %jit3A_327 : f32 to vector<272x1024xf32>
      %select_n3A_329 = arith.select %and3A_324, %broadcast_in_dim3A_328, %select_n3A_310 : vector<272x1024xi1>, vector<272x1024xf32>
      %reduce_min3A_330 = arith.constant dense<0x7F800000> : vector<1024xf32>
      %reduce_min3A_331 = vector.multi_reduction <minimumf>, %select_n3A_325, %reduce_min3A_330 [0] : vector<272x1024xf32> to vector<1024xf32>
      %broadcast_in_dim3A_332 = vector.shape_cast %reduce_min3A_331 : vector<1024xf32> to vector<1x1024xf32>
      %eq3A_333 = vector.broadcast %broadcast_in_dim3A_332 : vector<1x1024xf32> to vector<272x1024xf32>
      %eq3A_334 = arith.cmpf oeq, %select_n3A_325, %eq3A_333 : vector<272x1024xf32>
      %jit3A_335 = arith.constant 1073741824 : i32
      %broadcast_in_dim3A_336 = vector.broadcast %jit3A_335 : i32 to vector<272x1024xi32>
      %select_n3A_337 = arith.select %eq3A_334, %select_n3A_326, %broadcast_in_dim3A_336 : vector<272x1024xi1>, vector<272x1024xi32>
      %reduce_min3A_338 = arith.constant dense<2147483647> : vector<1024xi32>
      %reduce_min3A_339 = vector.multi_reduction <minsi>, %select_n3A_337, %reduce_min3A_338 [0] : vector<272x1024xi32> to vector<1024xi32>
      %broadcast_in_dim3A_340 = vector.shape_cast %reduce_min3A_339 : vector<1024xi32> to vector<1x1024xi32>
      %eq3A_341 = vector.broadcast %broadcast_in_dim3A_340 : vector<1x1024xi32> to vector<272x1024xi32>
      %eq3A_342 = arith.cmpi eq, %select_n3A_326, %eq3A_341 : vector<272x1024xi32>
      %and3A_343 = arith.andi %eq3A_334, %eq3A_342 : vector<272x1024xi1>
      %select_n3A_344 = arith.select %and3A_343, %select_n3A_329, %select_n3A_325 : vector<272x1024xi1>, vector<272x1024xf32>
      %select_n3A_345 = arith.select %and3A_343, %concatenate3A_102, %select_n3A_326 : vector<272x1024xi1>, vector<272x1024xi32>
      %jit3A_346 = arith.constant 0x7F800000 : f32
      %broadcast_in_dim3A_347 = vector.broadcast %jit3A_346 : f32 to vector<272x1024xf32>
      %select_n3A_348 = arith.select %and3A_343, %broadcast_in_dim3A_347, %select_n3A_329 : vector<272x1024xi1>, vector<272x1024xf32>
      %reduce_min3A_349 = arith.constant dense<0x7F800000> : vector<1024xf32>
      %reduce_min3A_350 = vector.multi_reduction <minimumf>, %select_n3A_344, %reduce_min3A_349 [0] : vector<272x1024xf32> to vector<1024xf32>
      %broadcast_in_dim3A_351 = vector.shape_cast %reduce_min3A_350 : vector<1024xf32> to vector<1x1024xf32>
      %eq3A_352 = vector.broadcast %broadcast_in_dim3A_351 : vector<1x1024xf32> to vector<272x1024xf32>
      %eq3A_353 = arith.cmpf oeq, %select_n3A_344, %eq3A_352 : vector<272x1024xf32>
      %jit3A_354 = arith.constant 1073741824 : i32
      %broadcast_in_dim3A_355 = vector.broadcast %jit3A_354 : i32 to vector<272x1024xi32>
      %select_n3A_356 = arith.select %eq3A_353, %select_n3A_345, %broadcast_in_dim3A_355 : vector<272x1024xi1>, vector<272x1024xi32>
      %reduce_min3A_357 = arith.constant dense<2147483647> : vector<1024xi32>
      %reduce_min3A_358 = vector.multi_reduction <minsi>, %select_n3A_356, %reduce_min3A_357 [0] : vector<272x1024xi32> to vector<1024xi32>
      %broadcast_in_dim3A_359 = vector.shape_cast %reduce_min3A_358 : vector<1024xi32> to vector<1x1024xi32>
      %eq3A_360 = vector.broadcast %broadcast_in_dim3A_359 : vector<1x1024xi32> to vector<272x1024xi32>
      %eq3A_361 = arith.cmpi eq, %select_n3A_345, %eq3A_360 : vector<272x1024xi32>
      %and3A_362 = arith.andi %eq3A_353, %eq3A_361 : vector<272x1024xi1>
      %select_n3A_363 = arith.select %and3A_362, %select_n3A_348, %select_n3A_344 : vector<272x1024xi1>, vector<272x1024xf32>
      %select_n3A_364 = arith.select %and3A_362, %concatenate3A_102, %select_n3A_345 : vector<272x1024xi1>, vector<272x1024xi32>
      %jit3A_365 = arith.constant 0x7F800000 : f32
      %broadcast_in_dim3A_366 = vector.broadcast %jit3A_365 : f32 to vector<272x1024xf32>
      %select_n3A_367 = arith.select %and3A_362, %broadcast_in_dim3A_366, %select_n3A_348 : vector<272x1024xi1>, vector<272x1024xf32>
      %reduce_min3A_368 = arith.constant dense<0x7F800000> : vector<1024xf32>
      %reduce_min3A_369 = vector.multi_reduction <minimumf>, %select_n3A_363, %reduce_min3A_368 [0] : vector<272x1024xf32> to vector<1024xf32>
      %broadcast_in_dim3A_370 = vector.shape_cast %reduce_min3A_369 : vector<1024xf32> to vector<1x1024xf32>
      %eq3A_371 = vector.broadcast %broadcast_in_dim3A_370 : vector<1x1024xf32> to vector<272x1024xf32>
      %eq3A_372 = arith.cmpf oeq, %select_n3A_363, %eq3A_371 : vector<272x1024xf32>
      %jit3A_373 = arith.constant 1073741824 : i32
      %broadcast_in_dim3A_374 = vector.broadcast %jit3A_373 : i32 to vector<272x1024xi32>
      %select_n3A_375 = arith.select %eq3A_372, %select_n3A_364, %broadcast_in_dim3A_374 : vector<272x1024xi1>, vector<272x1024xi32>
      %reduce_min3A_376 = arith.constant dense<2147483647> : vector<1024xi32>
      %reduce_min3A_377 = vector.multi_reduction <minsi>, %select_n3A_375, %reduce_min3A_376 [0] : vector<272x1024xi32> to vector<1024xi32>
      %broadcast_in_dim3A_378 = vector.shape_cast %reduce_min3A_377 : vector<1024xi32> to vector<1x1024xi32>
      %eq3A_379 = vector.broadcast %broadcast_in_dim3A_378 : vector<1x1024xi32> to vector<272x1024xi32>
      %eq3A_380 = arith.cmpi eq, %select_n3A_364, %eq3A_379 : vector<272x1024xi32>
      %and3A_381 = arith.andi %eq3A_372, %eq3A_380 : vector<272x1024xi1>
      %select_n3A_382 = arith.select %and3A_381, %select_n3A_367, %select_n3A_363 : vector<272x1024xi1>, vector<272x1024xf32>
      %select_n3A_383 = arith.select %and3A_381, %concatenate3A_102, %select_n3A_364 : vector<272x1024xi1>, vector<272x1024xi32>
      %jit3A_384 = arith.constant 0x7F800000 : f32
      %broadcast_in_dim3A_385 = vector.broadcast %jit3A_384 : f32 to vector<272x1024xf32>
      %select_n3A_386 = arith.select %and3A_381, %broadcast_in_dim3A_385, %select_n3A_367 : vector<272x1024xi1>, vector<272x1024xf32>
      %reduce_min3A_387 = arith.constant dense<0x7F800000> : vector<1024xf32>
      %reduce_min3A_388 = vector.multi_reduction <minimumf>, %select_n3A_382, %reduce_min3A_387 [0] : vector<272x1024xf32> to vector<1024xf32>
      %broadcast_in_dim3A_389 = vector.shape_cast %reduce_min3A_388 : vector<1024xf32> to vector<1x1024xf32>
      %eq3A_390 = vector.broadcast %broadcast_in_dim3A_389 : vector<1x1024xf32> to vector<272x1024xf32>
      %eq3A_391 = arith.cmpf oeq, %select_n3A_382, %eq3A_390 : vector<272x1024xf32>
      %jit3A_392 = arith.constant 1073741824 : i32
      %broadcast_in_dim3A_393 = vector.broadcast %jit3A_392 : i32 to vector<272x1024xi32>
      %select_n3A_394 = arith.select %eq3A_391, %select_n3A_383, %broadcast_in_dim3A_393 : vector<272x1024xi1>, vector<272x1024xi32>
      %reduce_min3A_395 = arith.constant dense<2147483647> : vector<1024xi32>
      %reduce_min3A_396 = vector.multi_reduction <minsi>, %select_n3A_394, %reduce_min3A_395 [0] : vector<272x1024xi32> to vector<1024xi32>
      %broadcast_in_dim3A_397 = vector.shape_cast %reduce_min3A_396 : vector<1024xi32> to vector<1x1024xi32>
      %eq3A_398 = vector.broadcast %broadcast_in_dim3A_397 : vector<1x1024xi32> to vector<272x1024xi32>
      %eq3A_399 = arith.cmpi eq, %select_n3A_383, %eq3A_398 : vector<272x1024xi32>
      %and3A_400 = arith.andi %eq3A_391, %eq3A_399 : vector<272x1024xi1>
      %select_n3A_401 = arith.select %and3A_400, %select_n3A_386, %select_n3A_382 : vector<272x1024xi1>, vector<272x1024xf32>
      %select_n3A_402 = arith.select %and3A_400, %concatenate3A_102, %select_n3A_383 : vector<272x1024xi1>, vector<272x1024xi32>
      %jit3A_403 = arith.constant 0x7F800000 : f32
      %broadcast_in_dim3A_404 = vector.broadcast %jit3A_403 : f32 to vector<272x1024xf32>
      %select_n3A_405 = arith.select %and3A_400, %broadcast_in_dim3A_404, %select_n3A_386 : vector<272x1024xi1>, vector<272x1024xf32>
      %concatenate3A_406 = tpu.concatenate %broadcast_in_dim3A_104, %broadcast_in_dim3A_123, %broadcast_in_dim3A_142, %broadcast_in_dim3A_161, %broadcast_in_dim3A_180, %broadcast_in_dim3A_199, %broadcast_in_dim3A_218, %broadcast_in_dim3A_237, %broadcast_in_dim3A_256, %broadcast_in_dim3A_275, %broadcast_in_dim3A_294, %broadcast_in_dim3A_313, %broadcast_in_dim3A_332, %broadcast_in_dim3A_351, %broadcast_in_dim3A_370, %broadcast_in_dim3A_389 in 0 : vector<1x1024xf32>, vector<1x1024xf32>, vector<1x1024xf32>, vector<1x1024xf32>, vector<1x1024xf32>, vector<1x1024xf32>, vector<1x1024xf32>, vector<1x1024xf32>, vector<1x1024xf32>, vector<1x1024xf32>, vector<1x1024xf32>, vector<1x1024xf32>, vector<1x1024xf32>, vector<1x1024xf32>, vector<1x1024xf32>, vector<1x1024xf32> -> vector<16x1024xf32>
      %concatenate3A_407 = tpu.concatenate %broadcast_in_dim3A_112, %broadcast_in_dim3A_131, %broadcast_in_dim3A_150, %broadcast_in_dim3A_169, %broadcast_in_dim3A_188, %broadcast_in_dim3A_207, %broadcast_in_dim3A_226, %broadcast_in_dim3A_245, %broadcast_in_dim3A_264, %broadcast_in_dim3A_283, %broadcast_in_dim3A_302, %broadcast_in_dim3A_321, %broadcast_in_dim3A_340, %broadcast_in_dim3A_359, %broadcast_in_dim3A_378, %broadcast_in_dim3A_397 in 0 : vector<1x1024xi32>, vector<1x1024xi32>, vector<1x1024xi32>, vector<1x1024xi32>, vector<1x1024xi32>, vector<1x1024xi32>, vector<1x1024xi32>, vector<1x1024xi32>, vector<1x1024xi32>, vector<1x1024xi32>, vector<1x1024xi32>, vector<1x1024xi32>, vector<1x1024xi32>, vector<1x1024xi32>, vector<1x1024xi32>, vector<1x1024xi32> -> vector<16x1024xi32>
      scf.yield %concatenate3A_406, %concatenate3A_407 : vector<16x1024xf32>, vector<16x1024xi32>
    }
    %while3A_23 = arith.constant 1 : i32
    %while3A_24:2 = scf.for %while3A_29 = %while3A_20 to %while3A_16 step %while3A_23 iter_args(%while3A_30 = %while3A_22#0, %while3A_31 = %while3A_22#1) -> (vector<16x1024xf32>, vector<16x1024xi32>)  : i32 {
      %mul3A_32 = arith.constant 512 : i32
      %mul3A_33 = arith.muli %while3A_29, %mul3A_32 : i32
      %get3A_34 = arith.index_cast %mul3A_33 : i32 to index
      %get3A_35 = arith.constant 0 : index
      %get3A_36 = vector.load %arg3[%get3A_34, %get3A_35] : memref<10240x64xf32, #tpu.memory_space<vmem>>, vector<256x64xf32>
      %dot_general3A = arith.constant dense<0.000000e+00> : vector<256x1024xf32>
      %dot_general3A_37 = tpu.matmul %get3A_36, %get3A_4, %dot_general3A {dimension_numbers = #tpu.dot_dimension_numbers<[1], [1], [0], [0], [0, 0, 1, 0], [], []>, transpose_lhs_hint = false} : vector<256x64xf32>, vector<1024x64xf32>, vector<256x1024xf32> -> vector<256x1024xf32>
      %get3A_38 = arith.index_cast %mul3A_33 : i32 to index
      %get3A_39 = arith.constant 0 : index
      %get3A_40 = vector.load %arg7[%get3A_38, %get3A_39] : memref<10240x1xf32, #tpu.memory_space<vmem>>, vector<256x1xf32>
      %add3A = vector.broadcast %get3A_40 : vector<256x1xf32> to vector<256x1024xf32>
      %add3A_41 = vector.broadcast %get3A_7 : vector<1x1024xf32> to vector<256x1024xf32>
      %add3A_42 = arith.addf %add3A, %add3A_41 : vector<256x1024xf32>
      %mul3A_43 = arith.constant 2.000000e+00 : f32
      %mul3A_44 = vector.broadcast %mul3A_43 : f32 to vector<256x1024xf32>
      %mul3A_45 = arith.mulf %mul3A_44, %dot_general3A_37 : vector<256x1024xf32>
      %sub3A = arith.subf %add3A_42, %mul3A_45 : vector<256x1024xf32>
      %iota3A_46 = tpu.iota {dimensions = array<i32: 0>} : vector<256x1024xi32>
      %add3A_47 = vector.broadcast %mul3A_33 : i32 to vector<256x1024xi32>
      %add3A_48 = arith.addi %add3A_47, %iota3A_46 : vector<256x1024xi32>
      %iota3A_49 = tpu.iota {dimensions = array<i32: 1>} : vector<256x1024xi32>
      %add3A_50 = vector.broadcast %mul3A_0 : i32 to vector<256x1024xi32>
      %add3A_51 = arith.addi %add3A_50, %iota3A_49 : vector<256x1024xi32>
      %get3A_52 = arith.index_cast %mul3A_33 : i32 to index
      %get3A_53 = arith.constant 0 : index
      %get3A_54 = vector.load %arg4[%get3A_52, %get3A_53] : memref<10240x1xi32, #tpu.memory_space<vmem>>, vector<256x1xi32>
      %eq3A_55 = vector.broadcast %get3A_54 : vector<256x1xi32> to vector<256x1024xi32>
      %eq3A_56 = vector.broadcast %get3A_10 : vector<1x1024xi32> to vector<256x1024xi32>
      %eq3A_57 = arith.cmpi eq, %eq3A_55, %eq3A_56 : vector<256x1024xi32>
      %ne3A = arith.cmpi ne, %add3A_48, %add3A_51 : vector<256x1024xi32>
      %and3A = arith.andi %eq3A_57, %ne3A : vector<256x1024xi1>
      %jit3A = arith.constant 0x7F800000 : f32
      %broadcast_in_dim3A_58 = vector.broadcast %jit3A : f32 to vector<256x1024xf32>
      %select_n3A = arith.select %and3A, %sub3A, %broadcast_in_dim3A_58 : vector<256x1024xi1>, vector<256x1024xf32>
      %add3A_59 = arith.constant 256 : i32
      %add3A_60 = arith.addi %mul3A_33, %add3A_59 : i32
      %get3A_61 = arith.index_cast %add3A_60 : i32 to index
      %get3A_62 = arith.constant 0 : index
      %get3A_63 = vector.load %arg3[%get3A_61, %get3A_62] : memref<10240x64xf32, #tpu.memory_space<vmem>>, vector<256x64xf32>
      %dot_general3A_64 = arith.constant dense<0.000000e+00> : vector<256x1024xf32>
      %dot_general3A_65 = tpu.matmul %get3A_63, %get3A_4, %dot_general3A_64 {dimension_numbers = #tpu.dot_dimension_numbers<[1], [1], [0], [0], [0, 0, 1, 0], [], []>, transpose_lhs_hint = false} : vector<256x64xf32>, vector<1024x64xf32>, vector<256x1024xf32> -> vector<256x1024xf32>
      %get3A_66 = arith.index_cast %add3A_60 : i32 to index
      %get3A_67 = arith.constant 0 : index
      %get3A_68 = vector.load %arg7[%get3A_66, %get3A_67] : memref<10240x1xf32, #tpu.memory_space<vmem>>, vector<256x1xf32>
      %add3A_69 = vector.broadcast %get3A_68 : vector<256x1xf32> to vector<256x1024xf32>
      %add3A_70 = vector.broadcast %get3A_7 : vector<1x1024xf32> to vector<256x1024xf32>
      %add3A_71 = arith.addf %add3A_69, %add3A_70 : vector<256x1024xf32>
      %mul3A_72 = arith.constant 2.000000e+00 : f32
      %mul3A_73 = vector.broadcast %mul3A_72 : f32 to vector<256x1024xf32>
      %mul3A_74 = arith.mulf %mul3A_73, %dot_general3A_65 : vector<256x1024xf32>
      %sub3A_75 = arith.subf %add3A_71, %mul3A_74 : vector<256x1024xf32>
      %iota3A_76 = tpu.iota {dimensions = array<i32: 0>} : vector<256x1024xi32>
      %add3A_77 = vector.broadcast %add3A_60 : i32 to vector<256x1024xi32>
      %add3A_78 = arith.addi %add3A_77, %iota3A_76 : vector<256x1024xi32>
      %iota3A_79 = tpu.iota {dimensions = array<i32: 1>} : vector<256x1024xi32>
      %add3A_80 = vector.broadcast %mul3A_0 : i32 to vector<256x1024xi32>
      %add3A_81 = arith.addi %add3A_80, %iota3A_79 : vector<256x1024xi32>
      %get3A_82 = arith.index_cast %add3A_60 : i32 to index
      %get3A_83 = arith.constant 0 : index
      %get3A_84 = vector.load %arg4[%get3A_82, %get3A_83] : memref<10240x1xi32, #tpu.memory_space<vmem>>, vector<256x1xi32>
      %eq3A_85 = vector.broadcast %get3A_84 : vector<256x1xi32> to vector<256x1024xi32>
      %eq3A_86 = vector.broadcast %get3A_10 : vector<1x1024xi32> to vector<256x1024xi32>
      %eq3A_87 = arith.cmpi eq, %eq3A_85, %eq3A_86 : vector<256x1024xi32>
      %ne3A_88 = arith.cmpi ne, %add3A_78, %add3A_81 : vector<256x1024xi32>
      %and3A_89 = arith.andi %eq3A_87, %ne3A_88 : vector<256x1024xi1>
      %jit3A_90 = arith.constant 0x7F800000 : f32
      %broadcast_in_dim3A_91 = vector.broadcast %jit3A_90 : f32 to vector<256x1024xf32>
      %select_n3A_92 = arith.select %and3A_89, %sub3A_75, %broadcast_in_dim3A_91 : vector<256x1024xi1>, vector<256x1024xf32>
      %le3A = arith.cmpf ole, %select_n3A, %select_n3A_92 : vector<256x1024xf32>
      %min3A_93 = arith.minimumf %select_n3A, %select_n3A_92 : vector<256x1024xf32>
      %select_n3A_94 = arith.select %le3A, %add3A_48, %add3A_78 : vector<256x1024xi1>, vector<256x1024xi32>
      %broadcast_in_dim3A_95 = arith.constant 0x7F800000 : f32
      %broadcast_in_dim3A_96 = vector.broadcast %broadcast_in_dim3A_95 : f32 to vector<16x1024xf32>
      %broadcast_in_dim3A_97 = arith.constant 1073741824 : i32
      %broadcast_in_dim3A_98 = vector.broadcast %broadcast_in_dim3A_97 : i32 to vector<16x1024xi32>
      %concatenate3A = tpu.concatenate %while3A_30, %min3A_93 in 0 : vector<16x1024xf32>, vector<256x1024xf32> -> vector<272x1024xf32>
      %concatenate3A_99 = tpu.concatenate %while3A_31, %select_n3A_94 in 0 : vector<16x1024xi32>, vector<256x1024xi32> -> vector<272x1024xi32>
      %max3A = arith.maximumf %select_n3A, %select_n3A_92 : vector<256x1024xf32>
      %concatenate3A_100 = tpu.concatenate %broadcast_in_dim3A_96, %max3A in 0 : vector<16x1024xf32>, vector<256x1024xf32> -> vector<272x1024xf32>
      %select_n3A_101 = arith.select %le3A, %add3A_78, %add3A_48 : vector<256x1024xi1>, vector<256x1024xi32>
      %concatenate3A_102 = tpu.concatenate %broadcast_in_dim3A_98, %select_n3A_101 in 0 : vector<16x1024xi32>, vector<256x1024xi32> -> vector<272x1024xi32>
      %reduce_min3A = arith.constant dense<0x7F800000> : vector<1024xf32>
      %reduce_min3A_103 = vector.multi_reduction <minimumf>, %concatenate3A, %reduce_min3A [0] : vector<272x1024xf32> to vector<1024xf32>
      %broadcast_in_dim3A_104 = vector.shape_cast %reduce_min3A_103 : vector<1024xf32> to vector<1x1024xf32>
      %eq3A_105 = vector.broadcast %broadcast_in_dim3A_104 : vector<1x1024xf32> to vector<272x1024xf32>
      %eq3A_106 = arith.cmpf oeq, %concatenate3A, %eq3A_105 : vector<272x1024xf32>
      %jit3A_107 = arith.constant 1073741824 : i32
      %broadcast_in_dim3A_108 = vector.broadcast %jit3A_107 : i32 to vector<272x1024xi32>
      %select_n3A_109 = arith.select %eq3A_106, %concatenate3A_99, %broadcast_in_dim3A_108 : vector<272x1024xi1>, vector<272x1024xi32>
      %reduce_min3A_110 = arith.constant dense<2147483647> : vector<1024xi32>
      %reduce_min3A_111 = vector.multi_reduction <minsi>, %select_n3A_109, %reduce_min3A_110 [0] : vector<272x1024xi32> to vector<1024xi32>
      %broadcast_in_dim3A_112 = vector.shape_cast %reduce_min3A_111 : vector<1024xi32> to vector<1x1024xi32>
      %eq3A_113 = vector.broadcast %broadcast_in_dim3A_112 : vector<1x1024xi32> to vector<272x1024xi32>
      %eq3A_114 = arith.cmpi eq, %concatenate3A_99, %eq3A_113 : vector<272x1024xi32>
      %and3A_115 = arith.andi %eq3A_106, %eq3A_114 : vector<272x1024xi1>
      %select_n3A_116 = arith.select %and3A_115, %concatenate3A_100, %concatenate3A : vector<272x1024xi1>, vector<272x1024xf32>
      %select_n3A_117 = arith.select %and3A_115, %concatenate3A_102, %concatenate3A_99 : vector<272x1024xi1>, vector<272x1024xi32>
      %jit3A_118 = arith.constant 0x7F800000 : f32
      %broadcast_in_dim3A_119 = vector.broadcast %jit3A_118 : f32 to vector<272x1024xf32>
      %select_n3A_120 = arith.select %and3A_115, %broadcast_in_dim3A_119, %concatenate3A_100 : vector<272x1024xi1>, vector<272x1024xf32>
      %reduce_min3A_121 = arith.constant dense<0x7F800000> : vector<1024xf32>
      %reduce_min3A_122 = vector.multi_reduction <minimumf>, %select_n3A_116, %reduce_min3A_121 [0] : vector<272x1024xf32> to vector<1024xf32>
      %broadcast_in_dim3A_123 = vector.shape_cast %reduce_min3A_122 : vector<1024xf32> to vector<1x1024xf32>
      %eq3A_124 = vector.broadcast %broadcast_in_dim3A_123 : vector<1x1024xf32> to vector<272x1024xf32>
      %eq3A_125 = arith.cmpf oeq, %select_n3A_116, %eq3A_124 : vector<272x1024xf32>
      %jit3A_126 = arith.constant 1073741824 : i32
      %broadcast_in_dim3A_127 = vector.broadcast %jit3A_126 : i32 to vector<272x1024xi32>
      %select_n3A_128 = arith.select %eq3A_125, %select_n3A_117, %broadcast_in_dim3A_127 : vector<272x1024xi1>, vector<272x1024xi32>
      %reduce_min3A_129 = arith.constant dense<2147483647> : vector<1024xi32>
      %reduce_min3A_130 = vector.multi_reduction <minsi>, %select_n3A_128, %reduce_min3A_129 [0] : vector<272x1024xi32> to vector<1024xi32>
      %broadcast_in_dim3A_131 = vector.shape_cast %reduce_min3A_130 : vector<1024xi32> to vector<1x1024xi32>
      %eq3A_132 = vector.broadcast %broadcast_in_dim3A_131 : vector<1x1024xi32> to vector<272x1024xi32>
      %eq3A_133 = arith.cmpi eq, %select_n3A_117, %eq3A_132 : vector<272x1024xi32>
      %and3A_134 = arith.andi %eq3A_125, %eq3A_133 : vector<272x1024xi1>
      %select_n3A_135 = arith.select %and3A_134, %select_n3A_120, %select_n3A_116 : vector<272x1024xi1>, vector<272x1024xf32>
      %select_n3A_136 = arith.select %and3A_134, %concatenate3A_102, %select_n3A_117 : vector<272x1024xi1>, vector<272x1024xi32>
      %jit3A_137 = arith.constant 0x7F800000 : f32
      %broadcast_in_dim3A_138 = vector.broadcast %jit3A_137 : f32 to vector<272x1024xf32>
      %select_n3A_139 = arith.select %and3A_134, %broadcast_in_dim3A_138, %select_n3A_120 : vector<272x1024xi1>, vector<272x1024xf32>
      %reduce_min3A_140 = arith.constant dense<0x7F800000> : vector<1024xf32>
      %reduce_min3A_141 = vector.multi_reduction <minimumf>, %select_n3A_135, %reduce_min3A_140 [0] : vector<272x1024xf32> to vector<1024xf32>
      %broadcast_in_dim3A_142 = vector.shape_cast %reduce_min3A_141 : vector<1024xf32> to vector<1x1024xf32>
      %eq3A_143 = vector.broadcast %broadcast_in_dim3A_142 : vector<1x1024xf32> to vector<272x1024xf32>
      %eq3A_144 = arith.cmpf oeq, %select_n3A_135, %eq3A_143 : vector<272x1024xf32>
      %jit3A_145 = arith.constant 1073741824 : i32
      %broadcast_in_dim3A_146 = vector.broadcast %jit3A_145 : i32 to vector<272x1024xi32>
      %select_n3A_147 = arith.select %eq3A_144, %select_n3A_136, %broadcast_in_dim3A_146 : vector<272x1024xi1>, vector<272x1024xi32>
      %reduce_min3A_148 = arith.constant dense<2147483647> : vector<1024xi32>
      %reduce_min3A_149 = vector.multi_reduction <minsi>, %select_n3A_147, %reduce_min3A_148 [0] : vector<272x1024xi32> to vector<1024xi32>
      %broadcast_in_dim3A_150 = vector.shape_cast %reduce_min3A_149 : vector<1024xi32> to vector<1x1024xi32>
      %eq3A_151 = vector.broadcast %broadcast_in_dim3A_150 : vector<1x1024xi32> to vector<272x1024xi32>
      %eq3A_152 = arith.cmpi eq, %select_n3A_136, %eq3A_151 : vector<272x1024xi32>
      %and3A_153 = arith.andi %eq3A_144, %eq3A_152 : vector<272x1024xi1>
      %select_n3A_154 = arith.select %and3A_153, %select_n3A_139, %select_n3A_135 : vector<272x1024xi1>, vector<272x1024xf32>
      %select_n3A_155 = arith.select %and3A_153, %concatenate3A_102, %select_n3A_136 : vector<272x1024xi1>, vector<272x1024xi32>
      %jit3A_156 = arith.constant 0x7F800000 : f32
      %broadcast_in_dim3A_157 = vector.broadcast %jit3A_156 : f32 to vector<272x1024xf32>
      %select_n3A_158 = arith.select %and3A_153, %broadcast_in_dim3A_157, %select_n3A_139 : vector<272x1024xi1>, vector<272x1024xf32>
      %reduce_min3A_159 = arith.constant dense<0x7F800000> : vector<1024xf32>
      %reduce_min3A_160 = vector.multi_reduction <minimumf>, %select_n3A_154, %reduce_min3A_159 [0] : vector<272x1024xf32> to vector<1024xf32>
      %broadcast_in_dim3A_161 = vector.shape_cast %reduce_min3A_160 : vector<1024xf32> to vector<1x1024xf32>
      %eq3A_162 = vector.broadcast %broadcast_in_dim3A_161 : vector<1x1024xf32> to vector<272x1024xf32>
      %eq3A_163 = arith.cmpf oeq, %select_n3A_154, %eq3A_162 : vector<272x1024xf32>
      %jit3A_164 = arith.constant 1073741824 : i32
      %broadcast_in_dim3A_165 = vector.broadcast %jit3A_164 : i32 to vector<272x1024xi32>
      %select_n3A_166 = arith.select %eq3A_163, %select_n3A_155, %broadcast_in_dim3A_165 : vector<272x1024xi1>, vector<272x1024xi32>
      %reduce_min3A_167 = arith.constant dense<2147483647> : vector<1024xi32>
      %reduce_min3A_168 = vector.multi_reduction <minsi>, %select_n3A_166, %reduce_min3A_167 [0] : vector<272x1024xi32> to vector<1024xi32>
      %broadcast_in_dim3A_169 = vector.shape_cast %reduce_min3A_168 : vector<1024xi32> to vector<1x1024xi32>
      %eq3A_170 = vector.broadcast %broadcast_in_dim3A_169 : vector<1x1024xi32> to vector<272x1024xi32>
      %eq3A_171 = arith.cmpi eq, %select_n3A_155, %eq3A_170 : vector<272x1024xi32>
      %and3A_172 = arith.andi %eq3A_163, %eq3A_171 : vector<272x1024xi1>
      %select_n3A_173 = arith.select %and3A_172, %select_n3A_158, %select_n3A_154 : vector<272x1024xi1>, vector<272x1024xf32>
      %select_n3A_174 = arith.select %and3A_172, %concatenate3A_102, %select_n3A_155 : vector<272x1024xi1>, vector<272x1024xi32>
      %jit3A_175 = arith.constant 0x7F800000 : f32
      %broadcast_in_dim3A_176 = vector.broadcast %jit3A_175 : f32 to vector<272x1024xf32>
      %select_n3A_177 = arith.select %and3A_172, %broadcast_in_dim3A_176, %select_n3A_158 : vector<272x1024xi1>, vector<272x1024xf32>
      %reduce_min3A_178 = arith.constant dense<0x7F800000> : vector<1024xf32>
      %reduce_min3A_179 = vector.multi_reduction <minimumf>, %select_n3A_173, %reduce_min3A_178 [0] : vector<272x1024xf32> to vector<1024xf32>
      %broadcast_in_dim3A_180 = vector.shape_cast %reduce_min3A_179 : vector<1024xf32> to vector<1x1024xf32>
      %eq3A_181 = vector.broadcast %broadcast_in_dim3A_180 : vector<1x1024xf32> to vector<272x1024xf32>
      %eq3A_182 = arith.cmpf oeq, %select_n3A_173, %eq3A_181 : vector<272x1024xf32>
      %jit3A_183 = arith.constant 1073741824 : i32
      %broadcast_in_dim3A_184 = vector.broadcast %jit3A_183 : i32 to vector<272x1024xi32>
      %select_n3A_185 = arith.select %eq3A_182, %select_n3A_174, %broadcast_in_dim3A_184 : vector<272x1024xi1>, vector<272x1024xi32>
      %reduce_min3A_186 = arith.constant dense<2147483647> : vector<1024xi32>
      %reduce_min3A_187 = vector.multi_reduction <minsi>, %select_n3A_185, %reduce_min3A_186 [0] : vector<272x1024xi32> to vector<1024xi32>
      %broadcast_in_dim3A_188 = vector.shape_cast %reduce_min3A_187 : vector<1024xi32> to vector<1x1024xi32>
      %eq3A_189 = vector.broadcast %broadcast_in_dim3A_188 : vector<1x1024xi32> to vector<272x1024xi32>
      %eq3A_190 = arith.cmpi eq, %select_n3A_174, %eq3A_189 : vector<272x1024xi32>
      %and3A_191 = arith.andi %eq3A_182, %eq3A_190 : vector<272x1024xi1>
      %select_n3A_192 = arith.select %and3A_191, %select_n3A_177, %select_n3A_173 : vector<272x1024xi1>, vector<272x1024xf32>
      %select_n3A_193 = arith.select %and3A_191, %concatenate3A_102, %select_n3A_174 : vector<272x1024xi1>, vector<272x1024xi32>
      %jit3A_194 = arith.constant 0x7F800000 : f32
      %broadcast_in_dim3A_195 = vector.broadcast %jit3A_194 : f32 to vector<272x1024xf32>
      %select_n3A_196 = arith.select %and3A_191, %broadcast_in_dim3A_195, %select_n3A_177 : vector<272x1024xi1>, vector<272x1024xf32>
      %reduce_min3A_197 = arith.constant dense<0x7F800000> : vector<1024xf32>
      %reduce_min3A_198 = vector.multi_reduction <minimumf>, %select_n3A_192, %reduce_min3A_197 [0] : vector<272x1024xf32> to vector<1024xf32>
      %broadcast_in_dim3A_199 = vector.shape_cast %reduce_min3A_198 : vector<1024xf32> to vector<1x1024xf32>
      %eq3A_200 = vector.broadcast %broadcast_in_dim3A_199 : vector<1x1024xf32> to vector<272x1024xf32>
      %eq3A_201 = arith.cmpf oeq, %select_n3A_192, %eq3A_200 : vector<272x1024xf32>
      %jit3A_202 = arith.constant 1073741824 : i32
      %broadcast_in_dim3A_203 = vector.broadcast %jit3A_202 : i32 to vector<272x1024xi32>
      %select_n3A_204 = arith.select %eq3A_201, %select_n3A_193, %broadcast_in_dim3A_203 : vector<272x1024xi1>, vector<272x1024xi32>
      %reduce_min3A_205 = arith.constant dense<2147483647> : vector<1024xi32>
      %reduce_min3A_206 = vector.multi_reduction <minsi>, %select_n3A_204, %reduce_min3A_205 [0] : vector<272x1024xi32> to vector<1024xi32>
      %broadcast_in_dim3A_207 = vector.shape_cast %reduce_min3A_206 : vector<1024xi32> to vector<1x1024xi32>
      %eq3A_208 = vector.broadcast %broadcast_in_dim3A_207 : vector<1x1024xi32> to vector<272x1024xi32>
      %eq3A_209 = arith.cmpi eq, %select_n3A_193, %eq3A_208 : vector<272x1024xi32>
      %and3A_210 = arith.andi %eq3A_201, %eq3A_209 : vector<272x1024xi1>
      %select_n3A_211 = arith.select %and3A_210, %select_n3A_196, %select_n3A_192 : vector<272x1024xi1>, vector<272x1024xf32>
      %select_n3A_212 = arith.select %and3A_210, %concatenate3A_102, %select_n3A_193 : vector<272x1024xi1>, vector<272x1024xi32>
      %jit3A_213 = arith.constant 0x7F800000 : f32
      %broadcast_in_dim3A_214 = vector.broadcast %jit3A_213 : f32 to vector<272x1024xf32>
      %select_n3A_215 = arith.select %and3A_210, %broadcast_in_dim3A_214, %select_n3A_196 : vector<272x1024xi1>, vector<272x1024xf32>
      %reduce_min3A_216 = arith.constant dense<0x7F800000> : vector<1024xf32>
      %reduce_min3A_217 = vector.multi_reduction <minimumf>, %select_n3A_211, %reduce_min3A_216 [0] : vector<272x1024xf32> to vector<1024xf32>
      %broadcast_in_dim3A_218 = vector.shape_cast %reduce_min3A_217 : vector<1024xf32> to vector<1x1024xf32>
      %eq3A_219 = vector.broadcast %broadcast_in_dim3A_218 : vector<1x1024xf32> to vector<272x1024xf32>
      %eq3A_220 = arith.cmpf oeq, %select_n3A_211, %eq3A_219 : vector<272x1024xf32>
      %jit3A_221 = arith.constant 1073741824 : i32
      %broadcast_in_dim3A_222 = vector.broadcast %jit3A_221 : i32 to vector<272x1024xi32>
      %select_n3A_223 = arith.select %eq3A_220, %select_n3A_212, %broadcast_in_dim3A_222 : vector<272x1024xi1>, vector<272x1024xi32>
      %reduce_min3A_224 = arith.constant dense<2147483647> : vector<1024xi32>
      %reduce_min3A_225 = vector.multi_reduction <minsi>, %select_n3A_223, %reduce_min3A_224 [0] : vector<272x1024xi32> to vector<1024xi32>
      %broadcast_in_dim3A_226 = vector.shape_cast %reduce_min3A_225 : vector<1024xi32> to vector<1x1024xi32>
      %eq3A_227 = vector.broadcast %broadcast_in_dim3A_226 : vector<1x1024xi32> to vector<272x1024xi32>
      %eq3A_228 = arith.cmpi eq, %select_n3A_212, %eq3A_227 : vector<272x1024xi32>
      %and3A_229 = arith.andi %eq3A_220, %eq3A_228 : vector<272x1024xi1>
      %select_n3A_230 = arith.select %and3A_229, %select_n3A_215, %select_n3A_211 : vector<272x1024xi1>, vector<272x1024xf32>
      %select_n3A_231 = arith.select %and3A_229, %concatenate3A_102, %select_n3A_212 : vector<272x1024xi1>, vector<272x1024xi32>
      %jit3A_232 = arith.constant 0x7F800000 : f32
      %broadcast_in_dim3A_233 = vector.broadcast %jit3A_232 : f32 to vector<272x1024xf32>
      %select_n3A_234 = arith.select %and3A_229, %broadcast_in_dim3A_233, %select_n3A_215 : vector<272x1024xi1>, vector<272x1024xf32>
      %reduce_min3A_235 = arith.constant dense<0x7F800000> : vector<1024xf32>
      %reduce_min3A_236 = vector.multi_reduction <minimumf>, %select_n3A_230, %reduce_min3A_235 [0] : vector<272x1024xf32> to vector<1024xf32>
      %broadcast_in_dim3A_237 = vector.shape_cast %reduce_min3A_236 : vector<1024xf32> to vector<1x1024xf32>
      %eq3A_238 = vector.broadcast %broadcast_in_dim3A_237 : vector<1x1024xf32> to vector<272x1024xf32>
      %eq3A_239 = arith.cmpf oeq, %select_n3A_230, %eq3A_238 : vector<272x1024xf32>
      %jit3A_240 = arith.constant 1073741824 : i32
      %broadcast_in_dim3A_241 = vector.broadcast %jit3A_240 : i32 to vector<272x1024xi32>
      %select_n3A_242 = arith.select %eq3A_239, %select_n3A_231, %broadcast_in_dim3A_241 : vector<272x1024xi1>, vector<272x1024xi32>
      %reduce_min3A_243 = arith.constant dense<2147483647> : vector<1024xi32>
      %reduce_min3A_244 = vector.multi_reduction <minsi>, %select_n3A_242, %reduce_min3A_243 [0] : vector<272x1024xi32> to vector<1024xi32>
      %broadcast_in_dim3A_245 = vector.shape_cast %reduce_min3A_244 : vector<1024xi32> to vector<1x1024xi32>
      %eq3A_246 = vector.broadcast %broadcast_in_dim3A_245 : vector<1x1024xi32> to vector<272x1024xi32>
      %eq3A_247 = arith.cmpi eq, %select_n3A_231, %eq3A_246 : vector<272x1024xi32>
      %and3A_248 = arith.andi %eq3A_239, %eq3A_247 : vector<272x1024xi1>
      %select_n3A_249 = arith.select %and3A_248, %select_n3A_234, %select_n3A_230 : vector<272x1024xi1>, vector<272x1024xf32>
      %select_n3A_250 = arith.select %and3A_248, %concatenate3A_102, %select_n3A_231 : vector<272x1024xi1>, vector<272x1024xi32>
      %jit3A_251 = arith.constant 0x7F800000 : f32
      %broadcast_in_dim3A_252 = vector.broadcast %jit3A_251 : f32 to vector<272x1024xf32>
      %select_n3A_253 = arith.select %and3A_248, %broadcast_in_dim3A_252, %select_n3A_234 : vector<272x1024xi1>, vector<272x1024xf32>
      %reduce_min3A_254 = arith.constant dense<0x7F800000> : vector<1024xf32>
      %reduce_min3A_255 = vector.multi_reduction <minimumf>, %select_n3A_249, %reduce_min3A_254 [0] : vector<272x1024xf32> to vector<1024xf32>
      %broadcast_in_dim3A_256 = vector.shape_cast %reduce_min3A_255 : vector<1024xf32> to vector<1x1024xf32>
      %eq3A_257 = vector.broadcast %broadcast_in_dim3A_256 : vector<1x1024xf32> to vector<272x1024xf32>
      %eq3A_258 = arith.cmpf oeq, %select_n3A_249, %eq3A_257 : vector<272x1024xf32>
      %jit3A_259 = arith.constant 1073741824 : i32
      %broadcast_in_dim3A_260 = vector.broadcast %jit3A_259 : i32 to vector<272x1024xi32>
      %select_n3A_261 = arith.select %eq3A_258, %select_n3A_250, %broadcast_in_dim3A_260 : vector<272x1024xi1>, vector<272x1024xi32>
      %reduce_min3A_262 = arith.constant dense<2147483647> : vector<1024xi32>
      %reduce_min3A_263 = vector.multi_reduction <minsi>, %select_n3A_261, %reduce_min3A_262 [0] : vector<272x1024xi32> to vector<1024xi32>
      %broadcast_in_dim3A_264 = vector.shape_cast %reduce_min3A_263 : vector<1024xi32> to vector<1x1024xi32>
      %eq3A_265 = vector.broadcast %broadcast_in_dim3A_264 : vector<1x1024xi32> to vector<272x1024xi32>
      %eq3A_266 = arith.cmpi eq, %select_n3A_250, %eq3A_265 : vector<272x1024xi32>
      %and3A_267 = arith.andi %eq3A_258, %eq3A_266 : vector<272x1024xi1>
      %select_n3A_268 = arith.select %and3A_267, %select_n3A_253, %select_n3A_249 : vector<272x1024xi1>, vector<272x1024xf32>
      %select_n3A_269 = arith.select %and3A_267, %concatenate3A_102, %select_n3A_250 : vector<272x1024xi1>, vector<272x1024xi32>
      %jit3A_270 = arith.constant 0x7F800000 : f32
      %broadcast_in_dim3A_271 = vector.broadcast %jit3A_270 : f32 to vector<272x1024xf32>
      %select_n3A_272 = arith.select %and3A_267, %broadcast_in_dim3A_271, %select_n3A_253 : vector<272x1024xi1>, vector<272x1024xf32>
      %reduce_min3A_273 = arith.constant dense<0x7F800000> : vector<1024xf32>
      %reduce_min3A_274 = vector.multi_reduction <minimumf>, %select_n3A_268, %reduce_min3A_273 [0] : vector<272x1024xf32> to vector<1024xf32>
      %broadcast_in_dim3A_275 = vector.shape_cast %reduce_min3A_274 : vector<1024xf32> to vector<1x1024xf32>
      %eq3A_276 = vector.broadcast %broadcast_in_dim3A_275 : vector<1x1024xf32> to vector<272x1024xf32>
      %eq3A_277 = arith.cmpf oeq, %select_n3A_268, %eq3A_276 : vector<272x1024xf32>
      %jit3A_278 = arith.constant 1073741824 : i32
      %broadcast_in_dim3A_279 = vector.broadcast %jit3A_278 : i32 to vector<272x1024xi32>
      %select_n3A_280 = arith.select %eq3A_277, %select_n3A_269, %broadcast_in_dim3A_279 : vector<272x1024xi1>, vector<272x1024xi32>
      %reduce_min3A_281 = arith.constant dense<2147483647> : vector<1024xi32>
      %reduce_min3A_282 = vector.multi_reduction <minsi>, %select_n3A_280, %reduce_min3A_281 [0] : vector<272x1024xi32> to vector<1024xi32>
      %broadcast_in_dim3A_283 = vector.shape_cast %reduce_min3A_282 : vector<1024xi32> to vector<1x1024xi32>
      %eq3A_284 = vector.broadcast %broadcast_in_dim3A_283 : vector<1x1024xi32> to vector<272x1024xi32>
      %eq3A_285 = arith.cmpi eq, %select_n3A_269, %eq3A_284 : vector<272x1024xi32>
      %and3A_286 = arith.andi %eq3A_277, %eq3A_285 : vector<272x1024xi1>
      %select_n3A_287 = arith.select %and3A_286, %select_n3A_272, %select_n3A_268 : vector<272x1024xi1>, vector<272x1024xf32>
      %select_n3A_288 = arith.select %and3A_286, %concatenate3A_102, %select_n3A_269 : vector<272x1024xi1>, vector<272x1024xi32>
      %jit3A_289 = arith.constant 0x7F800000 : f32
      %broadcast_in_dim3A_290 = vector.broadcast %jit3A_289 : f32 to vector<272x1024xf32>
      %select_n3A_291 = arith.select %and3A_286, %broadcast_in_dim3A_290, %select_n3A_272 : vector<272x1024xi1>, vector<272x1024xf32>
      %reduce_min3A_292 = arith.constant dense<0x7F800000> : vector<1024xf32>
      %reduce_min3A_293 = vector.multi_reduction <minimumf>, %select_n3A_287, %reduce_min3A_292 [0] : vector<272x1024xf32> to vector<1024xf32>
      %broadcast_in_dim3A_294 = vector.shape_cast %reduce_min3A_293 : vector<1024xf32> to vector<1x1024xf32>
      %eq3A_295 = vector.broadcast %broadcast_in_dim3A_294 : vector<1x1024xf32> to vector<272x1024xf32>
      %eq3A_296 = arith.cmpf oeq, %select_n3A_287, %eq3A_295 : vector<272x1024xf32>
      %jit3A_297 = arith.constant 1073741824 : i32
      %broadcast_in_dim3A_298 = vector.broadcast %jit3A_297 : i32 to vector<272x1024xi32>
      %select_n3A_299 = arith.select %eq3A_296, %select_n3A_288, %broadcast_in_dim3A_298 : vector<272x1024xi1>, vector<272x1024xi32>
      %reduce_min3A_300 = arith.constant dense<2147483647> : vector<1024xi32>
      %reduce_min3A_301 = vector.multi_reduction <minsi>, %select_n3A_299, %reduce_min3A_300 [0] : vector<272x1024xi32> to vector<1024xi32>
      %broadcast_in_dim3A_302 = vector.shape_cast %reduce_min3A_301 : vector<1024xi32> to vector<1x1024xi32>
      %eq3A_303 = vector.broadcast %broadcast_in_dim3A_302 : vector<1x1024xi32> to vector<272x1024xi32>
      %eq3A_304 = arith.cmpi eq, %select_n3A_288, %eq3A_303 : vector<272x1024xi32>
      %and3A_305 = arith.andi %eq3A_296, %eq3A_304 : vector<272x1024xi1>
      %select_n3A_306 = arith.select %and3A_305, %select_n3A_291, %select_n3A_287 : vector<272x1024xi1>, vector<272x1024xf32>
      %select_n3A_307 = arith.select %and3A_305, %concatenate3A_102, %select_n3A_288 : vector<272x1024xi1>, vector<272x1024xi32>
      %jit3A_308 = arith.constant 0x7F800000 : f32
      %broadcast_in_dim3A_309 = vector.broadcast %jit3A_308 : f32 to vector<272x1024xf32>
      %select_n3A_310 = arith.select %and3A_305, %broadcast_in_dim3A_309, %select_n3A_291 : vector<272x1024xi1>, vector<272x1024xf32>
      %reduce_min3A_311 = arith.constant dense<0x7F800000> : vector<1024xf32>
      %reduce_min3A_312 = vector.multi_reduction <minimumf>, %select_n3A_306, %reduce_min3A_311 [0] : vector<272x1024xf32> to vector<1024xf32>
      %broadcast_in_dim3A_313 = vector.shape_cast %reduce_min3A_312 : vector<1024xf32> to vector<1x1024xf32>
      %eq3A_314 = vector.broadcast %broadcast_in_dim3A_313 : vector<1x1024xf32> to vector<272x1024xf32>
      %eq3A_315 = arith.cmpf oeq, %select_n3A_306, %eq3A_314 : vector<272x1024xf32>
      %jit3A_316 = arith.constant 1073741824 : i32
      %broadcast_in_dim3A_317 = vector.broadcast %jit3A_316 : i32 to vector<272x1024xi32>
      %select_n3A_318 = arith.select %eq3A_315, %select_n3A_307, %broadcast_in_dim3A_317 : vector<272x1024xi1>, vector<272x1024xi32>
      %reduce_min3A_319 = arith.constant dense<2147483647> : vector<1024xi32>
      %reduce_min3A_320 = vector.multi_reduction <minsi>, %select_n3A_318, %reduce_min3A_319 [0] : vector<272x1024xi32> to vector<1024xi32>
      %broadcast_in_dim3A_321 = vector.shape_cast %reduce_min3A_320 : vector<1024xi32> to vector<1x1024xi32>
      %eq3A_322 = vector.broadcast %broadcast_in_dim3A_321 : vector<1x1024xi32> to vector<272x1024xi32>
      %eq3A_323 = arith.cmpi eq, %select_n3A_307, %eq3A_322 : vector<272x1024xi32>
      %and3A_324 = arith.andi %eq3A_315, %eq3A_323 : vector<272x1024xi1>
      %select_n3A_325 = arith.select %and3A_324, %select_n3A_310, %select_n3A_306 : vector<272x1024xi1>, vector<272x1024xf32>
      %select_n3A_326 = arith.select %and3A_324, %concatenate3A_102, %select_n3A_307 : vector<272x1024xi1>, vector<272x1024xi32>
      %jit3A_327 = arith.constant 0x7F800000 : f32
      %broadcast_in_dim3A_328 = vector.broadcast %jit3A_327 : f32 to vector<272x1024xf32>
      %select_n3A_329 = arith.select %and3A_324, %broadcast_in_dim3A_328, %select_n3A_310 : vector<272x1024xi1>, vector<272x1024xf32>
      %reduce_min3A_330 = arith.constant dense<0x7F800000> : vector<1024xf32>
      %reduce_min3A_331 = vector.multi_reduction <minimumf>, %select_n3A_325, %reduce_min3A_330 [0] : vector<272x1024xf32> to vector<1024xf32>
      %broadcast_in_dim3A_332 = vector.shape_cast %reduce_min3A_331 : vector<1024xf32> to vector<1x1024xf32>
      %eq3A_333 = vector.broadcast %broadcast_in_dim3A_332 : vector<1x1024xf32> to vector<272x1024xf32>
      %eq3A_334 = arith.cmpf oeq, %select_n3A_325, %eq3A_333 : vector<272x1024xf32>
      %jit3A_335 = arith.constant 1073741824 : i32
      %broadcast_in_dim3A_336 = vector.broadcast %jit3A_335 : i32 to vector<272x1024xi32>
      %select_n3A_337 = arith.select %eq3A_334, %select_n3A_326, %broadcast_in_dim3A_336 : vector<272x1024xi1>, vector<272x1024xi32>
      %reduce_min3A_338 = arith.constant dense<2147483647> : vector<1024xi32>
      %reduce_min3A_339 = vector.multi_reduction <minsi>, %select_n3A_337, %reduce_min3A_338 [0] : vector<272x1024xi32> to vector<1024xi32>
      %broadcast_in_dim3A_340 = vector.shape_cast %reduce_min3A_339 : vector<1024xi32> to vector<1x1024xi32>
      %eq3A_341 = vector.broadcast %broadcast_in_dim3A_340 : vector<1x1024xi32> to vector<272x1024xi32>
      %eq3A_342 = arith.cmpi eq, %select_n3A_326, %eq3A_341 : vector<272x1024xi32>
      %and3A_343 = arith.andi %eq3A_334, %eq3A_342 : vector<272x1024xi1>
      %select_n3A_344 = arith.select %and3A_343, %select_n3A_329, %select_n3A_325 : vector<272x1024xi1>, vector<272x1024xf32>
      %select_n3A_345 = arith.select %and3A_343, %concatenate3A_102, %select_n3A_326 : vector<272x1024xi1>, vector<272x1024xi32>
      %jit3A_346 = arith.constant 0x7F800000 : f32
      %broadcast_in_dim3A_347 = vector.broadcast %jit3A_346 : f32 to vector<272x1024xf32>
      %select_n3A_348 = arith.select %and3A_343, %broadcast_in_dim3A_347, %select_n3A_329 : vector<272x1024xi1>, vector<272x1024xf32>
      %reduce_min3A_349 = arith.constant dense<0x7F800000> : vector<1024xf32>
      %reduce_min3A_350 = vector.multi_reduction <minimumf>, %select_n3A_344, %reduce_min3A_349 [0] : vector<272x1024xf32> to vector<1024xf32>
      %broadcast_in_dim3A_351 = vector.shape_cast %reduce_min3A_350 : vector<1024xf32> to vector<1x1024xf32>
      %eq3A_352 = vector.broadcast %broadcast_in_dim3A_351 : vector<1x1024xf32> to vector<272x1024xf32>
      %eq3A_353 = arith.cmpf oeq, %select_n3A_344, %eq3A_352 : vector<272x1024xf32>
      %jit3A_354 = arith.constant 1073741824 : i32
      %broadcast_in_dim3A_355 = vector.broadcast %jit3A_354 : i32 to vector<272x1024xi32>
      %select_n3A_356 = arith.select %eq3A_353, %select_n3A_345, %broadcast_in_dim3A_355 : vector<272x1024xi1>, vector<272x1024xi32>
      %reduce_min3A_357 = arith.constant dense<2147483647> : vector<1024xi32>
      %reduce_min3A_358 = vector.multi_reduction <minsi>, %select_n3A_356, %reduce_min3A_357 [0] : vector<272x1024xi32> to vector<1024xi32>
      %broadcast_in_dim3A_359 = vector.shape_cast %reduce_min3A_358 : vector<1024xi32> to vector<1x1024xi32>
      %eq3A_360 = vector.broadcast %broadcast_in_dim3A_359 : vector<1x1024xi32> to vector<272x1024xi32>
      %eq3A_361 = arith.cmpi eq, %select_n3A_345, %eq3A_360 : vector<272x1024xi32>
      %and3A_362 = arith.andi %eq3A_353, %eq3A_361 : vector<272x1024xi1>
      %select_n3A_363 = arith.select %and3A_362, %select_n3A_348, %select_n3A_344 : vector<272x1024xi1>, vector<272x1024xf32>
      %select_n3A_364 = arith.select %and3A_362, %concatenate3A_102, %select_n3A_345 : vector<272x1024xi1>, vector<272x1024xi32>
      %jit3A_365 = arith.constant 0x7F800000 : f32
      %broadcast_in_dim3A_366 = vector.broadcast %jit3A_365 : f32 to vector<272x1024xf32>
      %select_n3A_367 = arith.select %and3A_362, %broadcast_in_dim3A_366, %select_n3A_348 : vector<272x1024xi1>, vector<272x1024xf32>
      %reduce_min3A_368 = arith.constant dense<0x7F800000> : vector<1024xf32>
      %reduce_min3A_369 = vector.multi_reduction <minimumf>, %select_n3A_363, %reduce_min3A_368 [0] : vector<272x1024xf32> to vector<1024xf32>
      %broadcast_in_dim3A_370 = vector.shape_cast %reduce_min3A_369 : vector<1024xf32> to vector<1x1024xf32>
      %eq3A_371 = vector.broadcast %broadcast_in_dim3A_370 : vector<1x1024xf32> to vector<272x1024xf32>
      %eq3A_372 = arith.cmpf oeq, %select_n3A_363, %eq3A_371 : vector<272x1024xf32>
      %jit3A_373 = arith.constant 1073741824 : i32
      %broadcast_in_dim3A_374 = vector.broadcast %jit3A_373 : i32 to vector<272x1024xi32>
      %select_n3A_375 = arith.select %eq3A_372, %select_n3A_364, %broadcast_in_dim3A_374 : vector<272x1024xi1>, vector<272x1024xi32>
      %reduce_min3A_376 = arith.constant dense<2147483647> : vector<1024xi32>
      %reduce_min3A_377 = vector.multi_reduction <minsi>, %select_n3A_375, %reduce_min3A_376 [0] : vector<272x1024xi32> to vector<1024xi32>
      %broadcast_in_dim3A_378 = vector.shape_cast %reduce_min3A_377 : vector<1024xi32> to vector<1x1024xi32>
      %eq3A_379 = vector.broadcast %broadcast_in_dim3A_378 : vector<1x1024xi32> to vector<272x1024xi32>
      %eq3A_380 = arith.cmpi eq, %select_n3A_364, %eq3A_379 : vector<272x1024xi32>
      %and3A_381 = arith.andi %eq3A_372, %eq3A_380 : vector<272x1024xi1>
      %select_n3A_382 = arith.select %and3A_381, %select_n3A_367, %select_n3A_363 : vector<272x1024xi1>, vector<272x1024xf32>
      %select_n3A_383 = arith.select %and3A_381, %concatenate3A_102, %select_n3A_364 : vector<272x1024xi1>, vector<272x1024xi32>
      %jit3A_384 = arith.constant 0x7F800000 : f32
      %broadcast_in_dim3A_385 = vector.broadcast %jit3A_384 : f32 to vector<272x1024xf32>
      %select_n3A_386 = arith.select %and3A_381, %broadcast_in_dim3A_385, %select_n3A_367 : vector<272x1024xi1>, vector<272x1024xf32>
      %reduce_min3A_387 = arith.constant dense<0x7F800000> : vector<1024xf32>
      %reduce_min3A_388 = vector.multi_reduction <minimumf>, %select_n3A_382, %reduce_min3A_387 [0] : vector<272x1024xf32> to vector<1024xf32>
      %broadcast_in_dim3A_389 = vector.shape_cast %reduce_min3A_388 : vector<1024xf32> to vector<1x1024xf32>
      %eq3A_390 = vector.broadcast %broadcast_in_dim3A_389 : vector<1x1024xf32> to vector<272x1024xf32>
      %eq3A_391 = arith.cmpf oeq, %select_n3A_382, %eq3A_390 : vector<272x1024xf32>
      %jit3A_392 = arith.constant 1073741824 : i32
      %broadcast_in_dim3A_393 = vector.broadcast %jit3A_392 : i32 to vector<272x1024xi32>
      %select_n3A_394 = arith.select %eq3A_391, %select_n3A_383, %broadcast_in_dim3A_393 : vector<272x1024xi1>, vector<272x1024xi32>
      %reduce_min3A_395 = arith.constant dense<2147483647> : vector<1024xi32>
      %reduce_min3A_396 = vector.multi_reduction <minsi>, %select_n3A_394, %reduce_min3A_395 [0] : vector<272x1024xi32> to vector<1024xi32>
      %broadcast_in_dim3A_397 = vector.shape_cast %reduce_min3A_396 : vector<1024xi32> to vector<1x1024xi32>
      %eq3A_398 = vector.broadcast %broadcast_in_dim3A_397 : vector<1x1024xi32> to vector<272x1024xi32>
      %eq3A_399 = arith.cmpi eq, %select_n3A_383, %eq3A_398 : vector<272x1024xi32>
      %and3A_400 = arith.andi %eq3A_391, %eq3A_399 : vector<272x1024xi1>
      %select_n3A_401 = arith.select %and3A_400, %select_n3A_386, %select_n3A_382 : vector<272x1024xi1>, vector<272x1024xf32>
      %select_n3A_402 = arith.select %and3A_400, %concatenate3A_102, %select_n3A_383 : vector<272x1024xi1>, vector<272x1024xi32>
      %jit3A_403 = arith.constant 0x7F800000 : f32
      %broadcast_in_dim3A_404 = vector.broadcast %jit3A_403 : f32 to vector<272x1024xf32>
      %select_n3A_405 = arith.select %and3A_400, %broadcast_in_dim3A_404, %select_n3A_386 : vector<272x1024xi1>, vector<272x1024xf32>
      %concatenate3A_406 = tpu.concatenate %broadcast_in_dim3A_104, %broadcast_in_dim3A_123, %broadcast_in_dim3A_142, %broadcast_in_dim3A_161, %broadcast_in_dim3A_180, %broadcast_in_dim3A_199, %broadcast_in_dim3A_218, %broadcast_in_dim3A_237, %broadcast_in_dim3A_256, %broadcast_in_dim3A_275, %broadcast_in_dim3A_294, %broadcast_in_dim3A_313, %broadcast_in_dim3A_332, %broadcast_in_dim3A_351, %broadcast_in_dim3A_370, %broadcast_in_dim3A_389 in 0 : vector<1x1024xf32>, vector<1x1024xf32>, vector<1x1024xf32>, vector<1x1024xf32>, vector<1x1024xf32>, vector<1x1024xf32>, vector<1x1024xf32>, vector<1x1024xf32>, vector<1x1024xf32>, vector<1x1024xf32>, vector<1x1024xf32>, vector<1x1024xf32>, vector<1x1024xf32>, vector<1x1024xf32>, vector<1x1024xf32>, vector<1x1024xf32> -> vector<16x1024xf32>
      %concatenate3A_407 = tpu.concatenate %broadcast_in_dim3A_112, %broadcast_in_dim3A_131, %broadcast_in_dim3A_150, %broadcast_in_dim3A_169, %broadcast_in_dim3A_188, %broadcast_in_dim3A_207, %broadcast_in_dim3A_226, %broadcast_in_dim3A_245, %broadcast_in_dim3A_264, %broadcast_in_dim3A_283, %broadcast_in_dim3A_302, %broadcast_in_dim3A_321, %broadcast_in_dim3A_340, %broadcast_in_dim3A_359, %broadcast_in_dim3A_378, %broadcast_in_dim3A_397 in 0 : vector<1x1024xi32>, vector<1x1024xi32>, vector<1x1024xi32>, vector<1x1024xi32>, vector<1x1024xi32>, vector<1x1024xi32>, vector<1x1024xi32>, vector<1x1024xi32>, vector<1x1024xi32>, vector<1x1024xi32>, vector<1x1024xi32>, vector<1x1024xi32>, vector<1x1024xi32>, vector<1x1024xi32>, vector<1x1024xi32>, vector<1x1024xi32> -> vector<16x1024xi32>
      scf.yield %concatenate3A_406, %concatenate3A_407 : vector<16x1024xf32>, vector<16x1024xi32>
    }
    %min3A = arith.constant 10239 : i32
    %min3A_25 = vector.broadcast %min3A : i32 to vector<16x1024xi32>
    %min3A_26 = arith.minsi %while3A_24#1, %min3A_25 : vector<16x1024xi32>
    %swap3A = arith.constant 0 : index
    %swap3A_27 = arith.constant 0 : index
    %swap3A_28 = vector.load %arg6[%swap3A, %swap3A_27] : memref<16x1024xi32, #tpu.memory_space<vmem>>, vector<16x1024xi32>
    tpu.vector_store %arg6[%swap3A, %swap3A_27], %min3A_26 {strides = array<i32>} : memref<16x1024xi32, #tpu.memory_space<vmem>>, vector<16x1024xi32>,
    return
  }
  func.func @transform_0(%arg0: i32, %arg1: memref<10xi32, #tpu.memory_space<smem>>, %arg2: memref<10xi32, #tpu.memory_space<smem>>) -> (i32, i32) {
    %c0_i32 = arith.constant 0 : i32
    %c0_i32_0 = arith.constant 0 : i32
    %c0_i32_1 = arith.constant 0 : i32
    return %c0_i32, %c0_i32_0 : i32, i32
  }
  func.func @transform_1(%arg0: i32, %arg1: memref<10xi32, #tpu.memory_space<smem>>, %arg2: memref<10xi32, #tpu.memory_space<smem>>) -> (i32, i32) {
    %c0_i32 = arith.constant 0 : i32
    %c0_i32_0 = arith.constant 0 : i32
    %c0_i32_1 = arith.constant 0 : i32
    return %c0_i32, %c0_i32_0 : i32, i32
  }
  func.func @transform_2(%arg0: i32, %arg1: memref<10xi32, #tpu.memory_space<smem>>, %arg2: memref<10xi32, #tpu.memory_space<smem>>) -> (i32, i32) {
    %c0_i32 = arith.constant 0 : i32
    %c0_i32_0 = arith.constant 0 : i32
    %c0_i32_1 = arith.constant 0 : i32
    return %c0_i32, %c0_i32_0 : i32, i32
  }
  func.func @transform_3(%arg0: i32, %arg1: memref<10xi32, #tpu.memory_space<smem>>, %arg2: memref<10xi32, #tpu.memory_space<smem>>) -> (i32, i32) {
    %c0_i32 = arith.constant 0 : i32
    %c0_i32_0 = arith.constant 0 : i32
    return %c0_i32, %arg0 : i32, i32
  }
}

module attributes {stable_mosaic.version = 14 : i64} {
  func.func @_conv_body(%arg0: i32, %arg1: i32, %arg2: memref<1x1024x128xf32, #tpu.memory_space<vmem>>, %arg3: memref<1024x64xf32, #tpu.memory_space<vmem>>, %arg4: memref<128x64xf32, #tpu.memory_space<vmem>>, %arg5: memref<1x64xf32, #tpu.memory_space<vmem>>, %arg6: memref<64x64xf32, #tpu.memory_space<vmem>>, %arg7: memref<1x64xf32, #tpu.memory_space<vmem>>, %arg8: memref<1024x64xf32, #tpu.memory_space<vmem>>) attributes {dimension_semantics = [#tpu.dimension_semantics<arbitrary>, #tpu.dimension_semantics<arbitrary>], iteration_bounds = array<i64: 10, 16>, scalar_prefetch = 0 : i64, scratch_operands = 0 : i64, tpu.core_type = #tpu.core_type<tc>, window_params = [{transform_indices = @transform_0, window_bounds = array<i64: 1, 1024, 128>}, {transform_indices = @transform_1, window_bounds = array<i64: 1024, 64>}, {pipeline_mode = #tpu.pipeline_mode<synchronous>, transform_indices = @transform_2, window_bounds = array<i64: 128, 64>}, {pipeline_mode = #tpu.pipeline_mode<synchronous>, transform_indices = @transform_3, window_bounds = array<i64: 1, 64>}, {pipeline_mode = #tpu.pipeline_mode<synchronous>, transform_indices = @transform_4, window_bounds = array<i64: 64, 64>}, {pipeline_mode = #tpu.pipeline_mode<synchronous>, transform_indices = @transform_5, window_bounds = array<i64: 1, 64>}, {transform_indices = @transform_6, window_bounds = array<i64: 1024, 64>}]} {
    %get3A = arith.constant 0 : index
    %get3A_0 = arith.constant 0 : index
    %get3A_1 = vector.load %arg3[%get3A, %get3A_0] : memref<1024x64xf32, #tpu.memory_space<vmem>>, vector<1024x64xf32>
    %get3A_2 = arith.constant 0 : index
    %get3A_3 = arith.constant 0 : index
    %get3A_4 = arith.constant 0 : index
    %get3A_5 = vector.load %arg2[%get3A_2, %get3A_3, %get3A_4] : memref<1x1024x128xf32, #tpu.memory_space<vmem>>, vector<1x1024x128xf32>
    %get3A_6 = vector.shape_cast %get3A_5 : vector<1x1024x128xf32> to vector<1024x128xf32>
    %slice3A = vector.extract_strided_slice %get3A_6 {offsets = [0, 0], sizes = [1024, 64], strides = [1, 1]} : vector<1024x128xf32> to vector<1024x64xf32>
    %sub3A = arith.subf %slice3A, %get3A_1 : vector<1024x64xf32>
    %concatenate3A = tpu.concatenate %get3A_1, %sub3A in 1 : vector<1024x64xf32>, vector<1024x64xf32> -> vector<1024x128xf32>
    %get3A_7 = arith.constant 0 : index
    %get3A_8 = arith.constant 0 : index
    %get3A_9 = vector.load %arg4[%get3A_7, %get3A_8] : memref<128x64xf32, #tpu.memory_space<vmem>>, vector<128x64xf32>
    %dot_general3A = arith.constant dense<0.000000e+00> : vector<1024x64xf32>
    %dot_general3A_10 = tpu.matmul %concatenate3A, %get3A_9, %dot_general3A {dimension_numbers = #tpu.dot_dimension_numbers<[1], [0], [0], [1], [0, 0, 1, 1], [], []>, transpose_lhs_hint = false} : vector<1024x128xf32>, vector<128x64xf32>, vector<1024x64xf32> -> vector<1024x64xf32>
    %get3A_11 = arith.constant 0 : index
    %get3A_12 = arith.constant 0 : index
    %get3A_13 = vector.load %arg5[%get3A_11, %get3A_12] : memref<1x64xf32, #tpu.memory_space<vmem>>, vector<1x64xf32>
    %add3A = vector.broadcast %get3A_13 : vector<1x64xf32> to vector<1024x64xf32>
    %add3A_14 = arith.addf %dot_general3A_10, %add3A : vector<1024x64xf32>
    %max3A = arith.constant 0.000000e+00 : f32
    %max3A_15 = vector.broadcast %max3A : f32 to vector<1024x64xf32>
    %max3A_16 = arith.maximumf %add3A_14, %max3A_15 : vector<1024x64xf32>
    %get3A_17 = arith.constant 0 : index
    %get3A_18 = arith.constant 0 : index
    %get3A_19 = vector.load %arg6[%get3A_17, %get3A_18] : memref<64x64xf32, #tpu.memory_space<vmem>>, vector<64x64xf32>
    %dot_general3A_20 = arith.constant dense<0.000000e+00> : vector<1024x64xf32>
    %dot_general3A_21 = tpu.matmul %max3A_16, %get3A_19, %dot_general3A_20 {dimension_numbers = #tpu.dot_dimension_numbers<[1], [0], [0], [1], [0, 0, 1, 1], [], []>, transpose_lhs_hint = false} : vector<1024x64xf32>, vector<64x64xf32>, vector<1024x64xf32> -> vector<1024x64xf32>
    %eq3A = arith.constant 0 : i32
    %eq3A_22 = arith.cmpi eq, %arg1, %eq3A : i32
    %convert_element_type3A = arith.extui %eq3A_22 : i1 to i32
    %cond3A = arith.constant 0 : i32
    %cond3A_23 = arith.cmpi ne, %convert_element_type3A, %cond3A : i32
    scf.if %cond3A_23 {
      %swap3A = arith.constant 0 : index
      %swap3A_33 = arith.constant 0 : index
      %swap3A_34 = vector.load %arg8[%swap3A, %swap3A_33] : memref<1024x64xf32, #tpu.memory_space<vmem>>, vector<1024x64xf32>
      tpu.vector_store %arg8[%swap3A, %swap3A_33], %dot_general3A_21 {strides = array<i32>} : memref<1024x64xf32, #tpu.memory_space<vmem>>, vector<1024x64xf32>,
    } else {
    }
    %gt3A = arith.constant 0 : i32
    %gt3A_24 = arith.cmpi sgt, %arg1, %gt3A : i32
    %convert_element_type3A_25 = arith.extui %gt3A_24 : i1 to i32
    %cond3A_26 = arith.constant 0 : i32
    %cond3A_27 = arith.cmpi ne, %convert_element_type3A_25, %cond3A_26 : i32
    scf.if %cond3A_27 {
      %get3A_33 = arith.constant 0 : index
      %get3A_34 = arith.constant 0 : index
      %get3A_35 = vector.load %arg8[%get3A_33, %get3A_34] : memref<1024x64xf32, #tpu.memory_space<vmem>>, vector<1024x64xf32>
      %max3A_36 = arith.maximumf %get3A_35, %dot_general3A_21 : vector<1024x64xf32>
      %swap3A = arith.constant 0 : index
      %swap3A_37 = arith.constant 0 : index
      %swap3A_38 = vector.load %arg8[%swap3A, %swap3A_37] : memref<1024x64xf32, #tpu.memory_space<vmem>>, vector<1024x64xf32>
      tpu.vector_store %arg8[%swap3A, %swap3A_37], %max3A_36 {strides = array<i32>} : memref<1024x64xf32, #tpu.memory_space<vmem>>, vector<1024x64xf32>,
    } else {
    }
    %eq3A_28 = arith.constant 15 : i32
    %eq3A_29 = arith.cmpi eq, %arg1, %eq3A_28 : i32
    %convert_element_type3A_30 = arith.extui %eq3A_29 : i1 to i32
    %cond3A_31 = arith.constant 0 : i32
    %cond3A_32 = arith.cmpi ne, %convert_element_type3A_30, %cond3A_31 : i32
    scf.if %cond3A_32 {
      %get3A_33 = arith.constant 0 : index
      %get3A_34 = arith.constant 0 : index
      %get3A_35 = vector.load %arg8[%get3A_33, %get3A_34] : memref<1024x64xf32, #tpu.memory_space<vmem>>, vector<1024x64xf32>
      %get3A_36 = arith.constant 0 : index
      %get3A_37 = arith.constant 0 : index
      %get3A_38 = vector.load %arg7[%get3A_36, %get3A_37] : memref<1x64xf32, #tpu.memory_space<vmem>>, vector<1x64xf32>
      %add3A_39 = vector.broadcast %get3A_38 : vector<1x64xf32> to vector<1024x64xf32>
      %add3A_40 = arith.addf %get3A_35, %add3A_39 : vector<1024x64xf32>
      %swap3A = arith.constant 0 : index
      %swap3A_41 = arith.constant 0 : index
      %swap3A_42 = vector.load %arg8[%swap3A, %swap3A_41] : memref<1024x64xf32, #tpu.memory_space<vmem>>, vector<1024x64xf32>
      tpu.vector_store %arg8[%swap3A, %swap3A_41], %add3A_40 {strides = array<i32>} : memref<1024x64xf32, #tpu.memory_space<vmem>>, vector<1024x64xf32>,
    } else {
    }
    return
  }
  func.func @transform_0(%arg0: i32, %arg1: i32) -> (i32, i32, i32) {
    %c0_i32 = arith.constant 0 : i32
    %c0_i32_0 = arith.constant 0 : i32
    return %arg1, %arg0, %c0_i32 : i32, i32, i32
  }
  func.func @transform_1(%arg0: i32, %arg1: i32) -> (i32, i32) {
    %c0_i32 = arith.constant 0 : i32
    %c0_i32_0 = arith.constant 0 : i32
    return %arg0, %c0_i32 : i32, i32
  }
  func.func @transform_2(%arg0: i32, %arg1: i32) -> (i32, i32) {
    %c0_i32 = arith.constant 0 : i32
    %c0_i32_0 = arith.constant 0 : i32
    %c0_i32_1 = arith.constant 0 : i32
    return %c0_i32, %c0_i32_0 : i32, i32
  }
  func.func @transform_3(%arg0: i32, %arg1: i32) -> (i32, i32) {
    %c0_i32 = arith.constant 0 : i32
    %c0_i32_0 = arith.constant 0 : i32
    %c0_i32_1 = arith.constant 0 : i32
    return %c0_i32, %c0_i32_0 : i32, i32
  }
  func.func @transform_4(%arg0: i32, %arg1: i32) -> (i32, i32) {
    %c0_i32 = arith.constant 0 : i32
    %c0_i32_0 = arith.constant 0 : i32
    %c0_i32_1 = arith.constant 0 : i32
    return %c0_i32, %c0_i32_0 : i32, i32
  }
  func.func @transform_5(%arg0: i32, %arg1: i32) -> (i32, i32) {
    %c0_i32 = arith.constant 0 : i32
    %c0_i32_0 = arith.constant 0 : i32
    %c0_i32_1 = arith.constant 0 : i32
    return %c0_i32, %c0_i32_0 : i32, i32
  }
  func.func @transform_6(%arg0: i32, %arg1: i32) -> (i32, i32) {
    %c0_i32 = arith.constant 0 : i32
    %c0_i32_0 = arith.constant 0 : i32
    return %arg0, %c0_i32 : i32, i32
  }
}

module attributes {stable_mosaic.version = 14 : i64} {
  func.func @_pool_body(%arg0: i32, %arg1: memref<1024x64xf32, #tpu.memory_space<vmem>>, %arg2: memref<1024x1xi32, #tpu.memory_space<vmem>>, %arg3: memref<64x32xf32, #tpu.memory_space<vmem>>, %arg4: memref<1x32xf32, #tpu.memory_space<vmem>>, %arg5: memref<32x1xf32, #tpu.memory_space<vmem>>, %arg6: memref<1x1xf32, #tpu.memory_space<vmem>>, %arg7: memref<16x1xf32, #tpu.memory_space<vmem>>, %arg8: memref<16x64xf32, #tpu.memory_space<vmem>>, %arg9: memref<16x1xf32, #tpu.memory_space<vmem>>) attributes {dimension_semantics = [#tpu.dimension_semantics<arbitrary>], iteration_bounds = array<i64: 10>, scalar_prefetch = 0 : i64, scratch_operands = 2 : i64, tpu.core_type = #tpu.core_type<tc>, window_params = [{transform_indices = @transform_0, window_bounds = array<i64: 1024, 64>}, {transform_indices = @transform_1, window_bounds = array<i64: 1024, 1>}, {pipeline_mode = #tpu.pipeline_mode<synchronous>, transform_indices = @transform_2, window_bounds = array<i64: 64, 32>}, {pipeline_mode = #tpu.pipeline_mode<synchronous>, transform_indices = @transform_3, window_bounds = array<i64: 1, 32>}, {pipeline_mode = #tpu.pipeline_mode<synchronous>, transform_indices = @transform_4, window_bounds = array<i64: 32, 1>}, {pipeline_mode = #tpu.pipeline_mode<synchronous>, transform_indices = @transform_5, window_bounds = array<i64: 1, 1>}, {pipeline_mode = #tpu.pipeline_mode<synchronous>, transform_indices = @transform_6, window_bounds = array<i64: 16, 1>}]} {
    %eq3A = arith.constant 0 : i32
    %eq3A_0 = arith.cmpi eq, %arg0, %eq3A : i32
    %convert_element_type3A = arith.extui %eq3A_0 : i1 to i32
    %cond3A = arith.constant 0 : i32
    %cond3A_1 = arith.cmpi ne, %convert_element_type3A, %cond3A : i32
    scf.if %cond3A_1 {
      %broadcast_in_dim3A_534 = arith.constant 0.000000e+00 : f32
      %broadcast_in_dim3A_535 = vector.broadcast %broadcast_in_dim3A_534 : f32 to vector<16x64xf32>
      %swap3A_536 = arith.constant 0 : index
      %swap3A_537 = arith.constant 0 : index
      %swap3A_538 = vector.load %arg8[%swap3A_536, %swap3A_537] : memref<16x64xf32, #tpu.memory_space<vmem>>, vector<16x64xf32>
      tpu.vector_store %arg8[%swap3A_536, %swap3A_537], %broadcast_in_dim3A_535 {strides = array<i32>} : memref<16x64xf32, #tpu.memory_space<vmem>>, vector<16x64xf32>,
      %broadcast_in_dim3A_539 = arith.constant 0.000000e+00 : f32
      %broadcast_in_dim3A_540 = vector.broadcast %broadcast_in_dim3A_539 : f32 to vector<16x1xf32>
      %swap3A_541 = arith.constant 0 : index
      %swap3A_542 = arith.constant 0 : index
      %swap3A_543 = vector.load %arg9[%swap3A_541, %swap3A_542] : memref<16x1xf32, #tpu.memory_space<vmem>>, vector<16x1xf32>
      tpu.vector_store %arg9[%swap3A_541, %swap3A_542], %broadcast_in_dim3A_540 {strides = array<i32>} : memref<16x1xf32, #tpu.memory_space<vmem>>, vector<16x1xf32>,
    } else {
    }
    %get3A = arith.constant 0 : index
    %get3A_2 = arith.constant 0 : index
    %get3A_3 = vector.load %arg1[%get3A, %get3A_2] : memref<1024x64xf32, #tpu.memory_space<vmem>>, vector<1024x64xf32>
    %get3A_4 = arith.constant 0 : index
    %get3A_5 = arith.constant 0 : index
    %get3A_6 = vector.load %arg2[%get3A_4, %get3A_5] : memref<1024x1xi32, #tpu.memory_space<vmem>>, vector<1024x1xi32>
    %eq3A_7 = arith.constant 0 : i32
    %eq3A_8 = vector.broadcast %eq3A_7 : i32 to vector<1024x1xi32>
    %eq3A_9 = arith.cmpi eq, %get3A_6, %eq3A_8 : vector<1024x1xi32>
    %get3A_10 = arith.constant 0 : index
    %get3A_11 = arith.constant 0 : index
    %get3A_12 = vector.load %arg8[%get3A_10, %get3A_11] : memref<16x64xf32, #tpu.memory_space<vmem>>, vector<1x64xf32>
    %jit3A = arith.constant 0.000000e+00 : f32
    %broadcast_in_dim3A = vector.shape_cast %eq3A_9 : vector<1024x1xi1> to vector<1024x1xi1>
    %broadcast_in_dim3A_13 = vector.broadcast %broadcast_in_dim3A : vector<1024x1xi1> to vector<1024x64xi1>
    %broadcast_in_dim3A_14 = vector.broadcast %jit3A : f32 to vector<1024x64xf32>
    %select_n3A = arith.select %broadcast_in_dim3A_13, %get3A_3, %broadcast_in_dim3A_14 : vector<1024x64xi1>, vector<1024x64xf32>
    %reduce_sum3A = arith.constant dense<0.000000e+00> : vector<64xf32>
    %reduce_sum3A_15 = vector.multi_reduction <add>, %select_n3A, %reduce_sum3A [0] : vector<1024x64xf32> to vector<64xf32>
    %broadcast_in_dim3A_16 = vector.shape_cast %reduce_sum3A_15 : vector<64xf32> to vector<1x64xf32>
    %add3A = arith.addf %get3A_12, %broadcast_in_dim3A_16 : vector<1x64xf32>
    %swap3A = arith.constant 0 : index
    %swap3A_17 = arith.constant 0 : index
    %swap3A_18 = vector.load %arg8[%swap3A, %swap3A_17] : memref<16x64xf32, #tpu.memory_space<vmem>>, vector<1x64xf32>
    tpu.vector_store %arg8[%swap3A, %swap3A_17], %add3A {strides = array<i32>} : memref<16x64xf32, #tpu.memory_space<vmem>>, vector<1x64xf32>,
    %get3A_19 = arith.constant 0 : index
    %get3A_20 = arith.constant 0 : index
    %get3A_21 = vector.load %arg9[%get3A_19, %get3A_20] : memref<16x1xf32, #tpu.memory_space<vmem>>, vector<1x1xf32>
    %jit3A_22 = arith.constant 1.000000e+00 : f32
    %jit3A_23 = arith.constant 0.000000e+00 : f32
    %broadcast_in_dim3A_24 = vector.broadcast %jit3A_22 : f32 to vector<1024x1xf32>
    %broadcast_in_dim3A_25 = vector.broadcast %jit3A_23 : f32 to vector<1024x1xf32>
    %select_n3A_26 = arith.select %eq3A_9, %broadcast_in_dim3A_24, %broadcast_in_dim3A_25 : vector<1024x1xi1>, vector<1024x1xf32>
    %reduce_sum3A_27 = arith.constant dense<0.000000e+00> : vector<1xf32>
    %reduce_sum3A_28 = vector.multi_reduction <add>, %select_n3A_26, %reduce_sum3A_27 [0] : vector<1024x1xf32> to vector<1xf32>
    %broadcast_in_dim3A_29 = vector.shape_cast %reduce_sum3A_28 : vector<1xf32> to vector<1x1xf32>
    %add3A_30 = arith.addf %get3A_21, %broadcast_in_dim3A_29 : vector<1x1xf32>
    %swap3A_31 = arith.constant 0 : index
    %swap3A_32 = arith.constant 0 : index
    %swap3A_33 = vector.load %arg9[%swap3A_31, %swap3A_32] : memref<16x1xf32, #tpu.memory_space<vmem>>, vector<1x1xf32>
    tpu.vector_store %arg9[%swap3A_31, %swap3A_32], %add3A_30 {strides = array<i32>} : memref<16x1xf32, #tpu.memory_space<vmem>>, vector<1x1xf32>,
    %eq3A_34 = arith.constant 1 : i32
    %eq3A_35 = vector.broadcast %eq3A_34 : i32 to vector<1024x1xi32>
    %eq3A_36 = arith.cmpi eq, %get3A_6, %eq3A_35 : vector<1024x1xi32>
    %get3A_37 = arith.constant 1 : index
    %get3A_38 = arith.constant 0 : index
    %get3A_39 = vector.load %arg8[%get3A_37, %get3A_38] : memref<16x64xf32, #tpu.memory_space<vmem>>, vector<1x64xf32>
    %jit3A_40 = arith.constant 0.000000e+00 : f32
    %broadcast_in_dim3A_41 = vector.shape_cast %eq3A_36 : vector<1024x1xi1> to vector<1024x1xi1>
    %broadcast_in_dim3A_42 = vector.broadcast %broadcast_in_dim3A_41 : vector<1024x1xi1> to vector<1024x64xi1>
    %broadcast_in_dim3A_43 = vector.broadcast %jit3A_40 : f32 to vector<1024x64xf32>
    %select_n3A_44 = arith.select %broadcast_in_dim3A_42, %get3A_3, %broadcast_in_dim3A_43 : vector<1024x64xi1>, vector<1024x64xf32>
    %reduce_sum3A_45 = arith.constant dense<0.000000e+00> : vector<64xf32>
    %reduce_sum3A_46 = vector.multi_reduction <add>, %select_n3A_44, %reduce_sum3A_45 [0] : vector<1024x64xf32> to vector<64xf32>
    %broadcast_in_dim3A_47 = vector.shape_cast %reduce_sum3A_46 : vector<64xf32> to vector<1x64xf32>
    %add3A_48 = arith.addf %get3A_39, %broadcast_in_dim3A_47 : vector<1x64xf32>
    %swap3A_49 = arith.constant 1 : index
    %swap3A_50 = arith.constant 0 : index
    %swap3A_51 = vector.load %arg8[%swap3A_49, %swap3A_50] : memref<16x64xf32, #tpu.memory_space<vmem>>, vector<1x64xf32>
    tpu.vector_store %arg8[%swap3A_49, %swap3A_50], %add3A_48 {strides = array<i32>} : memref<16x64xf32, #tpu.memory_space<vmem>>, vector<1x64xf32>,
    %get3A_52 = arith.constant 1 : index
    %get3A_53 = arith.constant 0 : index
    %get3A_54 = vector.load %arg9[%get3A_52, %get3A_53] : memref<16x1xf32, #tpu.memory_space<vmem>>, vector<1x1xf32>
    %jit3A_55 = arith.constant 1.000000e+00 : f32
    %jit3A_56 = arith.constant 0.000000e+00 : f32
    %broadcast_in_dim3A_57 = vector.broadcast %jit3A_55 : f32 to vector<1024x1xf32>
    %broadcast_in_dim3A_58 = vector.broadcast %jit3A_56 : f32 to vector<1024x1xf32>
    %select_n3A_59 = arith.select %eq3A_36, %broadcast_in_dim3A_57, %broadcast_in_dim3A_58 : vector<1024x1xi1>, vector<1024x1xf32>
    %reduce_sum3A_60 = arith.constant dense<0.000000e+00> : vector<1xf32>
    %reduce_sum3A_61 = vector.multi_reduction <add>, %select_n3A_59, %reduce_sum3A_60 [0] : vector<1024x1xf32> to vector<1xf32>
    %broadcast_in_dim3A_62 = vector.shape_cast %reduce_sum3A_61 : vector<1xf32> to vector<1x1xf32>
    %add3A_63 = arith.addf %get3A_54, %broadcast_in_dim3A_62 : vector<1x1xf32>
    %swap3A_64 = arith.constant 1 : index
    %swap3A_65 = arith.constant 0 : index
    %swap3A_66 = vector.load %arg9[%swap3A_64, %swap3A_65] : memref<16x1xf32, #tpu.memory_space<vmem>>, vector<1x1xf32>
    tpu.vector_store %arg9[%swap3A_64, %swap3A_65], %add3A_63 {strides = array<i32>} : memref<16x1xf32, #tpu.memory_space<vmem>>, vector<1x1xf32>,
    %eq3A_67 = arith.constant 2 : i32
    %eq3A_68 = vector.broadcast %eq3A_67 : i32 to vector<1024x1xi32>
    %eq3A_69 = arith.cmpi eq, %get3A_6, %eq3A_68 : vector<1024x1xi32>
    %get3A_70 = arith.constant 2 : index
    %get3A_71 = arith.constant 0 : index
    %get3A_72 = vector.load %arg8[%get3A_70, %get3A_71] : memref<16x64xf32, #tpu.memory_space<vmem>>, vector<1x64xf32>
    %jit3A_73 = arith.constant 0.000000e+00 : f32
    %broadcast_in_dim3A_74 = vector.shape_cast %eq3A_69 : vector<1024x1xi1> to vector<1024x1xi1>
    %broadcast_in_dim3A_75 = vector.broadcast %broadcast_in_dim3A_74 : vector<1024x1xi1> to vector<1024x64xi1>
    %broadcast_in_dim3A_76 = vector.broadcast %jit3A_73 : f32 to vector<1024x64xf32>
    %select_n3A_77 = arith.select %broadcast_in_dim3A_75, %get3A_3, %broadcast_in_dim3A_76 : vector<1024x64xi1>, vector<1024x64xf32>
    %reduce_sum3A_78 = arith.constant dense<0.000000e+00> : vector<64xf32>
    %reduce_sum3A_79 = vector.multi_reduction <add>, %select_n3A_77, %reduce_sum3A_78 [0] : vector<1024x64xf32> to vector<64xf32>
    %broadcast_in_dim3A_80 = vector.shape_cast %reduce_sum3A_79 : vector<64xf32> to vector<1x64xf32>
    %add3A_81 = arith.addf %get3A_72, %broadcast_in_dim3A_80 : vector<1x64xf32>
    %swap3A_82 = arith.constant 2 : index
    %swap3A_83 = arith.constant 0 : index
    %swap3A_84 = vector.load %arg8[%swap3A_82, %swap3A_83] : memref<16x64xf32, #tpu.memory_space<vmem>>, vector<1x64xf32>
    tpu.vector_store %arg8[%swap3A_82, %swap3A_83], %add3A_81 {strides = array<i32>} : memref<16x64xf32, #tpu.memory_space<vmem>>, vector<1x64xf32>,
    %get3A_85 = arith.constant 2 : index
    %get3A_86 = arith.constant 0 : index
    %get3A_87 = vector.load %arg9[%get3A_85, %get3A_86] : memref<16x1xf32, #tpu.memory_space<vmem>>, vector<1x1xf32>
    %jit3A_88 = arith.constant 1.000000e+00 : f32
    %jit3A_89 = arith.constant 0.000000e+00 : f32
    %broadcast_in_dim3A_90 = vector.broadcast %jit3A_88 : f32 to vector<1024x1xf32>
    %broadcast_in_dim3A_91 = vector.broadcast %jit3A_89 : f32 to vector<1024x1xf32>
    %select_n3A_92 = arith.select %eq3A_69, %broadcast_in_dim3A_90, %broadcast_in_dim3A_91 : vector<1024x1xi1>, vector<1024x1xf32>
    %reduce_sum3A_93 = arith.constant dense<0.000000e+00> : vector<1xf32>
    %reduce_sum3A_94 = vector.multi_reduction <add>, %select_n3A_92, %reduce_sum3A_93 [0] : vector<1024x1xf32> to vector<1xf32>
    %broadcast_in_dim3A_95 = vector.shape_cast %reduce_sum3A_94 : vector<1xf32> to vector<1x1xf32>
    %add3A_96 = arith.addf %get3A_87, %broadcast_in_dim3A_95 : vector<1x1xf32>
    %swap3A_97 = arith.constant 2 : index
    %swap3A_98 = arith.constant 0 : index
    %swap3A_99 = vector.load %arg9[%swap3A_97, %swap3A_98] : memref<16x1xf32, #tpu.memory_space<vmem>>, vector<1x1xf32>
    tpu.vector_store %arg9[%swap3A_97, %swap3A_98], %add3A_96 {strides = array<i32>} : memref<16x1xf32, #tpu.memory_space<vmem>>, vector<1x1xf32>,
    %eq3A_100 = arith.constant 3 : i32
    %eq3A_101 = vector.broadcast %eq3A_100 : i32 to vector<1024x1xi32>
    %eq3A_102 = arith.cmpi eq, %get3A_6, %eq3A_101 : vector<1024x1xi32>
    %get3A_103 = arith.constant 3 : index
    %get3A_104 = arith.constant 0 : index
    %get3A_105 = vector.load %arg8[%get3A_103, %get3A_104] : memref<16x64xf32, #tpu.memory_space<vmem>>, vector<1x64xf32>
    %jit3A_106 = arith.constant 0.000000e+00 : f32
    %broadcast_in_dim3A_107 = vector.shape_cast %eq3A_102 : vector<1024x1xi1> to vector<1024x1xi1>
    %broadcast_in_dim3A_108 = vector.broadcast %broadcast_in_dim3A_107 : vector<1024x1xi1> to vector<1024x64xi1>
    %broadcast_in_dim3A_109 = vector.broadcast %jit3A_106 : f32 to vector<1024x64xf32>
    %select_n3A_110 = arith.select %broadcast_in_dim3A_108, %get3A_3, %broadcast_in_dim3A_109 : vector<1024x64xi1>, vector<1024x64xf32>
    %reduce_sum3A_111 = arith.constant dense<0.000000e+00> : vector<64xf32>
    %reduce_sum3A_112 = vector.multi_reduction <add>, %select_n3A_110, %reduce_sum3A_111 [0] : vector<1024x64xf32> to vector<64xf32>
    %broadcast_in_dim3A_113 = vector.shape_cast %reduce_sum3A_112 : vector<64xf32> to vector<1x64xf32>
    %add3A_114 = arith.addf %get3A_105, %broadcast_in_dim3A_113 : vector<1x64xf32>
    %swap3A_115 = arith.constant 3 : index
    %swap3A_116 = arith.constant 0 : index
    %swap3A_117 = vector.load %arg8[%swap3A_115, %swap3A_116] : memref<16x64xf32, #tpu.memory_space<vmem>>, vector<1x64xf32>
    tpu.vector_store %arg8[%swap3A_115, %swap3A_116], %add3A_114 {strides = array<i32>} : memref<16x64xf32, #tpu.memory_space<vmem>>, vector<1x64xf32>,
    %get3A_118 = arith.constant 3 : index
    %get3A_119 = arith.constant 0 : index
    %get3A_120 = vector.load %arg9[%get3A_118, %get3A_119] : memref<16x1xf32, #tpu.memory_space<vmem>>, vector<1x1xf32>
    %jit3A_121 = arith.constant 1.000000e+00 : f32
    %jit3A_122 = arith.constant 0.000000e+00 : f32
    %broadcast_in_dim3A_123 = vector.broadcast %jit3A_121 : f32 to vector<1024x1xf32>
    %broadcast_in_dim3A_124 = vector.broadcast %jit3A_122 : f32 to vector<1024x1xf32>
    %select_n3A_125 = arith.select %eq3A_102, %broadcast_in_dim3A_123, %broadcast_in_dim3A_124 : vector<1024x1xi1>, vector<1024x1xf32>
    %reduce_sum3A_126 = arith.constant dense<0.000000e+00> : vector<1xf32>
    %reduce_sum3A_127 = vector.multi_reduction <add>, %select_n3A_125, %reduce_sum3A_126 [0] : vector<1024x1xf32> to vector<1xf32>
    %broadcast_in_dim3A_128 = vector.shape_cast %reduce_sum3A_127 : vector<1xf32> to vector<1x1xf32>
    %add3A_129 = arith.addf %get3A_120, %broadcast_in_dim3A_128 : vector<1x1xf32>
    %swap3A_130 = arith.constant 3 : index
    %swap3A_131 = arith.constant 0 : index
    %swap3A_132 = vector.load %arg9[%swap3A_130, %swap3A_131] : memref<16x1xf32, #tpu.memory_space<vmem>>, vector<1x1xf32>
    tpu.vector_store %arg9[%swap3A_130, %swap3A_131], %add3A_129 {strides = array<i32>} : memref<16x1xf32, #tpu.memory_space<vmem>>, vector<1x1xf32>,
    %eq3A_133 = arith.constant 4 : i32
    %eq3A_134 = vector.broadcast %eq3A_133 : i32 to vector<1024x1xi32>
    %eq3A_135 = arith.cmpi eq, %get3A_6, %eq3A_134 : vector<1024x1xi32>
    %get3A_136 = arith.constant 4 : index
    %get3A_137 = arith.constant 0 : index
    %get3A_138 = vector.load %arg8[%get3A_136, %get3A_137] : memref<16x64xf32, #tpu.memory_space<vmem>>, vector<1x64xf32>
    %jit3A_139 = arith.constant 0.000000e+00 : f32
    %broadcast_in_dim3A_140 = vector.shape_cast %eq3A_135 : vector<1024x1xi1> to vector<1024x1xi1>
    %broadcast_in_dim3A_141 = vector.broadcast %broadcast_in_dim3A_140 : vector<1024x1xi1> to vector<1024x64xi1>
    %broadcast_in_dim3A_142 = vector.broadcast %jit3A_139 : f32 to vector<1024x64xf32>
    %select_n3A_143 = arith.select %broadcast_in_dim3A_141, %get3A_3, %broadcast_in_dim3A_142 : vector<1024x64xi1>, vector<1024x64xf32>
    %reduce_sum3A_144 = arith.constant dense<0.000000e+00> : vector<64xf32>
    %reduce_sum3A_145 = vector.multi_reduction <add>, %select_n3A_143, %reduce_sum3A_144 [0] : vector<1024x64xf32> to vector<64xf32>
    %broadcast_in_dim3A_146 = vector.shape_cast %reduce_sum3A_145 : vector<64xf32> to vector<1x64xf32>
    %add3A_147 = arith.addf %get3A_138, %broadcast_in_dim3A_146 : vector<1x64xf32>
    %swap3A_148 = arith.constant 4 : index
    %swap3A_149 = arith.constant 0 : index
    %swap3A_150 = vector.load %arg8[%swap3A_148, %swap3A_149] : memref<16x64xf32, #tpu.memory_space<vmem>>, vector<1x64xf32>
    tpu.vector_store %arg8[%swap3A_148, %swap3A_149], %add3A_147 {strides = array<i32>} : memref<16x64xf32, #tpu.memory_space<vmem>>, vector<1x64xf32>,
    %get3A_151 = arith.constant 4 : index
    %get3A_152 = arith.constant 0 : index
    %get3A_153 = vector.load %arg9[%get3A_151, %get3A_152] : memref<16x1xf32, #tpu.memory_space<vmem>>, vector<1x1xf32>
    %jit3A_154 = arith.constant 1.000000e+00 : f32
    %jit3A_155 = arith.constant 0.000000e+00 : f32
    %broadcast_in_dim3A_156 = vector.broadcast %jit3A_154 : f32 to vector<1024x1xf32>
    %broadcast_in_dim3A_157 = vector.broadcast %jit3A_155 : f32 to vector<1024x1xf32>
    %select_n3A_158 = arith.select %eq3A_135, %broadcast_in_dim3A_156, %broadcast_in_dim3A_157 : vector<1024x1xi1>, vector<1024x1xf32>
    %reduce_sum3A_159 = arith.constant dense<0.000000e+00> : vector<1xf32>
    %reduce_sum3A_160 = vector.multi_reduction <add>, %select_n3A_158, %reduce_sum3A_159 [0] : vector<1024x1xf32> to vector<1xf32>
    %broadcast_in_dim3A_161 = vector.shape_cast %reduce_sum3A_160 : vector<1xf32> to vector<1x1xf32>
    %add3A_162 = arith.addf %get3A_153, %broadcast_in_dim3A_161 : vector<1x1xf32>
    %swap3A_163 = arith.constant 4 : index
    %swap3A_164 = arith.constant 0 : index
    %swap3A_165 = vector.load %arg9[%swap3A_163, %swap3A_164] : memref<16x1xf32, #tpu.memory_space<vmem>>, vector<1x1xf32>
    tpu.vector_store %arg9[%swap3A_163, %swap3A_164], %add3A_162 {strides = array<i32>} : memref<16x1xf32, #tpu.memory_space<vmem>>, vector<1x1xf32>,
    %eq3A_166 = arith.constant 5 : i32
    %eq3A_167 = vector.broadcast %eq3A_166 : i32 to vector<1024x1xi32>
    %eq3A_168 = arith.cmpi eq, %get3A_6, %eq3A_167 : vector<1024x1xi32>
    %get3A_169 = arith.constant 5 : index
    %get3A_170 = arith.constant 0 : index
    %get3A_171 = vector.load %arg8[%get3A_169, %get3A_170] : memref<16x64xf32, #tpu.memory_space<vmem>>, vector<1x64xf32>
    %jit3A_172 = arith.constant 0.000000e+00 : f32
    %broadcast_in_dim3A_173 = vector.shape_cast %eq3A_168 : vector<1024x1xi1> to vector<1024x1xi1>
    %broadcast_in_dim3A_174 = vector.broadcast %broadcast_in_dim3A_173 : vector<1024x1xi1> to vector<1024x64xi1>
    %broadcast_in_dim3A_175 = vector.broadcast %jit3A_172 : f32 to vector<1024x64xf32>
    %select_n3A_176 = arith.select %broadcast_in_dim3A_174, %get3A_3, %broadcast_in_dim3A_175 : vector<1024x64xi1>, vector<1024x64xf32>
    %reduce_sum3A_177 = arith.constant dense<0.000000e+00> : vector<64xf32>
    %reduce_sum3A_178 = vector.multi_reduction <add>, %select_n3A_176, %reduce_sum3A_177 [0] : vector<1024x64xf32> to vector<64xf32>
    %broadcast_in_dim3A_179 = vector.shape_cast %reduce_sum3A_178 : vector<64xf32> to vector<1x64xf32>
    %add3A_180 = arith.addf %get3A_171, %broadcast_in_dim3A_179 : vector<1x64xf32>
    %swap3A_181 = arith.constant 5 : index
    %swap3A_182 = arith.constant 0 : index
    %swap3A_183 = vector.load %arg8[%swap3A_181, %swap3A_182] : memref<16x64xf32, #tpu.memory_space<vmem>>, vector<1x64xf32>
    tpu.vector_store %arg8[%swap3A_181, %swap3A_182], %add3A_180 {strides = array<i32>} : memref<16x64xf32, #tpu.memory_space<vmem>>, vector<1x64xf32>,
    %get3A_184 = arith.constant 5 : index
    %get3A_185 = arith.constant 0 : index
    %get3A_186 = vector.load %arg9[%get3A_184, %get3A_185] : memref<16x1xf32, #tpu.memory_space<vmem>>, vector<1x1xf32>
    %jit3A_187 = arith.constant 1.000000e+00 : f32
    %jit3A_188 = arith.constant 0.000000e+00 : f32
    %broadcast_in_dim3A_189 = vector.broadcast %jit3A_187 : f32 to vector<1024x1xf32>
    %broadcast_in_dim3A_190 = vector.broadcast %jit3A_188 : f32 to vector<1024x1xf32>
    %select_n3A_191 = arith.select %eq3A_168, %broadcast_in_dim3A_189, %broadcast_in_dim3A_190 : vector<1024x1xi1>, vector<1024x1xf32>
    %reduce_sum3A_192 = arith.constant dense<0.000000e+00> : vector<1xf32>
    %reduce_sum3A_193 = vector.multi_reduction <add>, %select_n3A_191, %reduce_sum3A_192 [0] : vector<1024x1xf32> to vector<1xf32>
    %broadcast_in_dim3A_194 = vector.shape_cast %reduce_sum3A_193 : vector<1xf32> to vector<1x1xf32>
    %add3A_195 = arith.addf %get3A_186, %broadcast_in_dim3A_194 : vector<1x1xf32>
    %swap3A_196 = arith.constant 5 : index
    %swap3A_197 = arith.constant 0 : index
    %swap3A_198 = vector.load %arg9[%swap3A_196, %swap3A_197] : memref<16x1xf32, #tpu.memory_space<vmem>>, vector<1x1xf32>
    tpu.vector_store %arg9[%swap3A_196, %swap3A_197], %add3A_195 {strides = array<i32>} : memref<16x1xf32, #tpu.memory_space<vmem>>, vector<1x1xf32>,
    %eq3A_199 = arith.constant 6 : i32
    %eq3A_200 = vector.broadcast %eq3A_199 : i32 to vector<1024x1xi32>
    %eq3A_201 = arith.cmpi eq, %get3A_6, %eq3A_200 : vector<1024x1xi32>
    %get3A_202 = arith.constant 6 : index
    %get3A_203 = arith.constant 0 : index
    %get3A_204 = vector.load %arg8[%get3A_202, %get3A_203] : memref<16x64xf32, #tpu.memory_space<vmem>>, vector<1x64xf32>
    %jit3A_205 = arith.constant 0.000000e+00 : f32
    %broadcast_in_dim3A_206 = vector.shape_cast %eq3A_201 : vector<1024x1xi1> to vector<1024x1xi1>
    %broadcast_in_dim3A_207 = vector.broadcast %broadcast_in_dim3A_206 : vector<1024x1xi1> to vector<1024x64xi1>
    %broadcast_in_dim3A_208 = vector.broadcast %jit3A_205 : f32 to vector<1024x64xf32>
    %select_n3A_209 = arith.select %broadcast_in_dim3A_207, %get3A_3, %broadcast_in_dim3A_208 : vector<1024x64xi1>, vector<1024x64xf32>
    %reduce_sum3A_210 = arith.constant dense<0.000000e+00> : vector<64xf32>
    %reduce_sum3A_211 = vector.multi_reduction <add>, %select_n3A_209, %reduce_sum3A_210 [0] : vector<1024x64xf32> to vector<64xf32>
    %broadcast_in_dim3A_212 = vector.shape_cast %reduce_sum3A_211 : vector<64xf32> to vector<1x64xf32>
    %add3A_213 = arith.addf %get3A_204, %broadcast_in_dim3A_212 : vector<1x64xf32>
    %swap3A_214 = arith.constant 6 : index
    %swap3A_215 = arith.constant 0 : index
    %swap3A_216 = vector.load %arg8[%swap3A_214, %swap3A_215] : memref<16x64xf32, #tpu.memory_space<vmem>>, vector<1x64xf32>
    tpu.vector_store %arg8[%swap3A_214, %swap3A_215], %add3A_213 {strides = array<i32>} : memref<16x64xf32, #tpu.memory_space<vmem>>, vector<1x64xf32>,
    %get3A_217 = arith.constant 6 : index
    %get3A_218 = arith.constant 0 : index
    %get3A_219 = vector.load %arg9[%get3A_217, %get3A_218] : memref<16x1xf32, #tpu.memory_space<vmem>>, vector<1x1xf32>
    %jit3A_220 = arith.constant 1.000000e+00 : f32
    %jit3A_221 = arith.constant 0.000000e+00 : f32
    %broadcast_in_dim3A_222 = vector.broadcast %jit3A_220 : f32 to vector<1024x1xf32>
    %broadcast_in_dim3A_223 = vector.broadcast %jit3A_221 : f32 to vector<1024x1xf32>
    %select_n3A_224 = arith.select %eq3A_201, %broadcast_in_dim3A_222, %broadcast_in_dim3A_223 : vector<1024x1xi1>, vector<1024x1xf32>
    %reduce_sum3A_225 = arith.constant dense<0.000000e+00> : vector<1xf32>
    %reduce_sum3A_226 = vector.multi_reduction <add>, %select_n3A_224, %reduce_sum3A_225 [0] : vector<1024x1xf32> to vector<1xf32>
    %broadcast_in_dim3A_227 = vector.shape_cast %reduce_sum3A_226 : vector<1xf32> to vector<1x1xf32>
    %add3A_228 = arith.addf %get3A_219, %broadcast_in_dim3A_227 : vector<1x1xf32>
    %swap3A_229 = arith.constant 6 : index
    %swap3A_230 = arith.constant 0 : index
    %swap3A_231 = vector.load %arg9[%swap3A_229, %swap3A_230] : memref<16x1xf32, #tpu.memory_space<vmem>>, vector<1x1xf32>
    tpu.vector_store %arg9[%swap3A_229, %swap3A_230], %add3A_228 {strides = array<i32>} : memref<16x1xf32, #tpu.memory_space<vmem>>, vector<1x1xf32>,
    %eq3A_232 = arith.constant 7 : i32
    %eq3A_233 = vector.broadcast %eq3A_232 : i32 to vector<1024x1xi32>
    %eq3A_234 = arith.cmpi eq, %get3A_6, %eq3A_233 : vector<1024x1xi32>
    %get3A_235 = arith.constant 7 : index
    %get3A_236 = arith.constant 0 : index
    %get3A_237 = vector.load %arg8[%get3A_235, %get3A_236] : memref<16x64xf32, #tpu.memory_space<vmem>>, vector<1x64xf32>
    %jit3A_238 = arith.constant 0.000000e+00 : f32
    %broadcast_in_dim3A_239 = vector.shape_cast %eq3A_234 : vector<1024x1xi1> to vector<1024x1xi1>
    %broadcast_in_dim3A_240 = vector.broadcast %broadcast_in_dim3A_239 : vector<1024x1xi1> to vector<1024x64xi1>
    %broadcast_in_dim3A_241 = vector.broadcast %jit3A_238 : f32 to vector<1024x64xf32>
    %select_n3A_242 = arith.select %broadcast_in_dim3A_240, %get3A_3, %broadcast_in_dim3A_241 : vector<1024x64xi1>, vector<1024x64xf32>
    %reduce_sum3A_243 = arith.constant dense<0.000000e+00> : vector<64xf32>
    %reduce_sum3A_244 = vector.multi_reduction <add>, %select_n3A_242, %reduce_sum3A_243 [0] : vector<1024x64xf32> to vector<64xf32>
    %broadcast_in_dim3A_245 = vector.shape_cast %reduce_sum3A_244 : vector<64xf32> to vector<1x64xf32>
    %add3A_246 = arith.addf %get3A_237, %broadcast_in_dim3A_245 : vector<1x64xf32>
    %swap3A_247 = arith.constant 7 : index
    %swap3A_248 = arith.constant 0 : index
    %swap3A_249 = vector.load %arg8[%swap3A_247, %swap3A_248] : memref<16x64xf32, #tpu.memory_space<vmem>>, vector<1x64xf32>
    tpu.vector_store %arg8[%swap3A_247, %swap3A_248], %add3A_246 {strides = array<i32>} : memref<16x64xf32, #tpu.memory_space<vmem>>, vector<1x64xf32>,
    %get3A_250 = arith.constant 7 : index
    %get3A_251 = arith.constant 0 : index
    %get3A_252 = vector.load %arg9[%get3A_250, %get3A_251] : memref<16x1xf32, #tpu.memory_space<vmem>>, vector<1x1xf32>
    %jit3A_253 = arith.constant 1.000000e+00 : f32
    %jit3A_254 = arith.constant 0.000000e+00 : f32
    %broadcast_in_dim3A_255 = vector.broadcast %jit3A_253 : f32 to vector<1024x1xf32>
    %broadcast_in_dim3A_256 = vector.broadcast %jit3A_254 : f32 to vector<1024x1xf32>
    %select_n3A_257 = arith.select %eq3A_234, %broadcast_in_dim3A_255, %broadcast_in_dim3A_256 : vector<1024x1xi1>, vector<1024x1xf32>
    %reduce_sum3A_258 = arith.constant dense<0.000000e+00> : vector<1xf32>
    %reduce_sum3A_259 = vector.multi_reduction <add>, %select_n3A_257, %reduce_sum3A_258 [0] : vector<1024x1xf32> to vector<1xf32>
    %broadcast_in_dim3A_260 = vector.shape_cast %reduce_sum3A_259 : vector<1xf32> to vector<1x1xf32>
    %add3A_261 = arith.addf %get3A_252, %broadcast_in_dim3A_260 : vector<1x1xf32>
    %swap3A_262 = arith.constant 7 : index
    %swap3A_263 = arith.constant 0 : index
    %swap3A_264 = vector.load %arg9[%swap3A_262, %swap3A_263] : memref<16x1xf32, #tpu.memory_space<vmem>>, vector<1x1xf32>
    tpu.vector_store %arg9[%swap3A_262, %swap3A_263], %add3A_261 {strides = array<i32>} : memref<16x1xf32, #tpu.memory_space<vmem>>, vector<1x1xf32>,
    %eq3A_265 = arith.constant 8 : i32
    %eq3A_266 = vector.broadcast %eq3A_265 : i32 to vector<1024x1xi32>
    %eq3A_267 = arith.cmpi eq, %get3A_6, %eq3A_266 : vector<1024x1xi32>
    %get3A_268 = arith.constant 8 : index
    %get3A_269 = arith.constant 0 : index
    %get3A_270 = vector.load %arg8[%get3A_268, %get3A_269] : memref<16x64xf32, #tpu.memory_space<vmem>>, vector<1x64xf32>
    %jit3A_271 = arith.constant 0.000000e+00 : f32
    %broadcast_in_dim3A_272 = vector.shape_cast %eq3A_267 : vector<1024x1xi1> to vector<1024x1xi1>
    %broadcast_in_dim3A_273 = vector.broadcast %broadcast_in_dim3A_272 : vector<1024x1xi1> to vector<1024x64xi1>
    %broadcast_in_dim3A_274 = vector.broadcast %jit3A_271 : f32 to vector<1024x64xf32>
    %select_n3A_275 = arith.select %broadcast_in_dim3A_273, %get3A_3, %broadcast_in_dim3A_274 : vector<1024x64xi1>, vector<1024x64xf32>
    %reduce_sum3A_276 = arith.constant dense<0.000000e+00> : vector<64xf32>
    %reduce_sum3A_277 = vector.multi_reduction <add>, %select_n3A_275, %reduce_sum3A_276 [0] : vector<1024x64xf32> to vector<64xf32>
    %broadcast_in_dim3A_278 = vector.shape_cast %reduce_sum3A_277 : vector<64xf32> to vector<1x64xf32>
    %add3A_279 = arith.addf %get3A_270, %broadcast_in_dim3A_278 : vector<1x64xf32>
    %swap3A_280 = arith.constant 8 : index
    %swap3A_281 = arith.constant 0 : index
    %swap3A_282 = vector.load %arg8[%swap3A_280, %swap3A_281] : memref<16x64xf32, #tpu.memory_space<vmem>>, vector<1x64xf32>
    tpu.vector_store %arg8[%swap3A_280, %swap3A_281], %add3A_279 {strides = array<i32>} : memref<16x64xf32, #tpu.memory_space<vmem>>, vector<1x64xf32>,
    %get3A_283 = arith.constant 8 : index
    %get3A_284 = arith.constant 0 : index
    %get3A_285 = vector.load %arg9[%get3A_283, %get3A_284] : memref<16x1xf32, #tpu.memory_space<vmem>>, vector<1x1xf32>
    %jit3A_286 = arith.constant 1.000000e+00 : f32
    %jit3A_287 = arith.constant 0.000000e+00 : f32
    %broadcast_in_dim3A_288 = vector.broadcast %jit3A_286 : f32 to vector<1024x1xf32>
    %broadcast_in_dim3A_289 = vector.broadcast %jit3A_287 : f32 to vector<1024x1xf32>
    %select_n3A_290 = arith.select %eq3A_267, %broadcast_in_dim3A_288, %broadcast_in_dim3A_289 : vector<1024x1xi1>, vector<1024x1xf32>
    %reduce_sum3A_291 = arith.constant dense<0.000000e+00> : vector<1xf32>
    %reduce_sum3A_292 = vector.multi_reduction <add>, %select_n3A_290, %reduce_sum3A_291 [0] : vector<1024x1xf32> to vector<1xf32>
    %broadcast_in_dim3A_293 = vector.shape_cast %reduce_sum3A_292 : vector<1xf32> to vector<1x1xf32>
    %add3A_294 = arith.addf %get3A_285, %broadcast_in_dim3A_293 : vector<1x1xf32>
    %swap3A_295 = arith.constant 8 : index
    %swap3A_296 = arith.constant 0 : index
    %swap3A_297 = vector.load %arg9[%swap3A_295, %swap3A_296] : memref<16x1xf32, #tpu.memory_space<vmem>>, vector<1x1xf32>
    tpu.vector_store %arg9[%swap3A_295, %swap3A_296], %add3A_294 {strides = array<i32>} : memref<16x1xf32, #tpu.memory_space<vmem>>, vector<1x1xf32>,
    %eq3A_298 = arith.constant 9 : i32
    %eq3A_299 = vector.broadcast %eq3A_298 : i32 to vector<1024x1xi32>
    %eq3A_300 = arith.cmpi eq, %get3A_6, %eq3A_299 : vector<1024x1xi32>
    %get3A_301 = arith.constant 9 : index
    %get3A_302 = arith.constant 0 : index
    %get3A_303 = vector.load %arg8[%get3A_301, %get3A_302] : memref<16x64xf32, #tpu.memory_space<vmem>>, vector<1x64xf32>
    %jit3A_304 = arith.constant 0.000000e+00 : f32
    %broadcast_in_dim3A_305 = vector.shape_cast %eq3A_300 : vector<1024x1xi1> to vector<1024x1xi1>
    %broadcast_in_dim3A_306 = vector.broadcast %broadcast_in_dim3A_305 : vector<1024x1xi1> to vector<1024x64xi1>
    %broadcast_in_dim3A_307 = vector.broadcast %jit3A_304 : f32 to vector<1024x64xf32>
    %select_n3A_308 = arith.select %broadcast_in_dim3A_306, %get3A_3, %broadcast_in_dim3A_307 : vector<1024x64xi1>, vector<1024x64xf32>
    %reduce_sum3A_309 = arith.constant dense<0.000000e+00> : vector<64xf32>
    %reduce_sum3A_310 = vector.multi_reduction <add>, %select_n3A_308, %reduce_sum3A_309 [0] : vector<1024x64xf32> to vector<64xf32>
    %broadcast_in_dim3A_311 = vector.shape_cast %reduce_sum3A_310 : vector<64xf32> to vector<1x64xf32>
    %add3A_312 = arith.addf %get3A_303, %broadcast_in_dim3A_311 : vector<1x64xf32>
    %swap3A_313 = arith.constant 9 : index
    %swap3A_314 = arith.constant 0 : index
    %swap3A_315 = vector.load %arg8[%swap3A_313, %swap3A_314] : memref<16x64xf32, #tpu.memory_space<vmem>>, vector<1x64xf32>
    tpu.vector_store %arg8[%swap3A_313, %swap3A_314], %add3A_312 {strides = array<i32>} : memref<16x64xf32, #tpu.memory_space<vmem>>, vector<1x64xf32>,
    %get3A_316 = arith.constant 9 : index
    %get3A_317 = arith.constant 0 : index
    %get3A_318 = vector.load %arg9[%get3A_316, %get3A_317] : memref<16x1xf32, #tpu.memory_space<vmem>>, vector<1x1xf32>
    %jit3A_319 = arith.constant 1.000000e+00 : f32
    %jit3A_320 = arith.constant 0.000000e+00 : f32
    %broadcast_in_dim3A_321 = vector.broadcast %jit3A_319 : f32 to vector<1024x1xf32>
    %broadcast_in_dim3A_322 = vector.broadcast %jit3A_320 : f32 to vector<1024x1xf32>
    %select_n3A_323 = arith.select %eq3A_300, %broadcast_in_dim3A_321, %broadcast_in_dim3A_322 : vector<1024x1xi1>, vector<1024x1xf32>
    %reduce_sum3A_324 = arith.constant dense<0.000000e+00> : vector<1xf32>
    %reduce_sum3A_325 = vector.multi_reduction <add>, %select_n3A_323, %reduce_sum3A_324 [0] : vector<1024x1xf32> to vector<1xf32>
    %broadcast_in_dim3A_326 = vector.shape_cast %reduce_sum3A_325 : vector<1xf32> to vector<1x1xf32>
    %add3A_327 = arith.addf %get3A_318, %broadcast_in_dim3A_326 : vector<1x1xf32>
    %swap3A_328 = arith.constant 9 : index
    %swap3A_329 = arith.constant 0 : index
    %swap3A_330 = vector.load %arg9[%swap3A_328, %swap3A_329] : memref<16x1xf32, #tpu.memory_space<vmem>>, vector<1x1xf32>
    tpu.vector_store %arg9[%swap3A_328, %swap3A_329], %add3A_327 {strides = array<i32>} : memref<16x1xf32, #tpu.memory_space<vmem>>, vector<1x1xf32>,
    %eq3A_331 = arith.constant 10 : i32
    %eq3A_332 = vector.broadcast %eq3A_331 : i32 to vector<1024x1xi32>
    %eq3A_333 = arith.cmpi eq, %get3A_6, %eq3A_332 : vector<1024x1xi32>
    %get3A_334 = arith.constant 10 : index
    %get3A_335 = arith.constant 0 : index
    %get3A_336 = vector.load %arg8[%get3A_334, %get3A_335] : memref<16x64xf32, #tpu.memory_space<vmem>>, vector<1x64xf32>
    %jit3A_337 = arith.constant 0.000000e+00 : f32
    %broadcast_in_dim3A_338 = vector.shape_cast %eq3A_333 : vector<1024x1xi1> to vector<1024x1xi1>
    %broadcast_in_dim3A_339 = vector.broadcast %broadcast_in_dim3A_338 : vector<1024x1xi1> to vector<1024x64xi1>
    %broadcast_in_dim3A_340 = vector.broadcast %jit3A_337 : f32 to vector<1024x64xf32>
    %select_n3A_341 = arith.select %broadcast_in_dim3A_339, %get3A_3, %broadcast_in_dim3A_340 : vector<1024x64xi1>, vector<1024x64xf32>
    %reduce_sum3A_342 = arith.constant dense<0.000000e+00> : vector<64xf32>
    %reduce_sum3A_343 = vector.multi_reduction <add>, %select_n3A_341, %reduce_sum3A_342 [0] : vector<1024x64xf32> to vector<64xf32>
    %broadcast_in_dim3A_344 = vector.shape_cast %reduce_sum3A_343 : vector<64xf32> to vector<1x64xf32>
    %add3A_345 = arith.addf %get3A_336, %broadcast_in_dim3A_344 : vector<1x64xf32>
    %swap3A_346 = arith.constant 10 : index
    %swap3A_347 = arith.constant 0 : index
    %swap3A_348 = vector.load %arg8[%swap3A_346, %swap3A_347] : memref<16x64xf32, #tpu.memory_space<vmem>>, vector<1x64xf32>
    tpu.vector_store %arg8[%swap3A_346, %swap3A_347], %add3A_345 {strides = array<i32>} : memref<16x64xf32, #tpu.memory_space<vmem>>, vector<1x64xf32>,
    %get3A_349 = arith.constant 10 : index
    %get3A_350 = arith.constant 0 : index
    %get3A_351 = vector.load %arg9[%get3A_349, %get3A_350] : memref<16x1xf32, #tpu.memory_space<vmem>>, vector<1x1xf32>
    %jit3A_352 = arith.constant 1.000000e+00 : f32
    %jit3A_353 = arith.constant 0.000000e+00 : f32
    %broadcast_in_dim3A_354 = vector.broadcast %jit3A_352 : f32 to vector<1024x1xf32>
    %broadcast_in_dim3A_355 = vector.broadcast %jit3A_353 : f32 to vector<1024x1xf32>
    %select_n3A_356 = arith.select %eq3A_333, %broadcast_in_dim3A_354, %broadcast_in_dim3A_355 : vector<1024x1xi1>, vector<1024x1xf32>
    %reduce_sum3A_357 = arith.constant dense<0.000000e+00> : vector<1xf32>
    %reduce_sum3A_358 = vector.multi_reduction <add>, %select_n3A_356, %reduce_sum3A_357 [0] : vector<1024x1xf32> to vector<1xf32>
    %broadcast_in_dim3A_359 = vector.shape_cast %reduce_sum3A_358 : vector<1xf32> to vector<1x1xf32>
    %add3A_360 = arith.addf %get3A_351, %broadcast_in_dim3A_359 : vector<1x1xf32>
    %swap3A_361 = arith.constant 10 : index
    %swap3A_362 = arith.constant 0 : index
    %swap3A_363 = vector.load %arg9[%swap3A_361, %swap3A_362] : memref<16x1xf32, #tpu.memory_space<vmem>>, vector<1x1xf32>
    tpu.vector_store %arg9[%swap3A_361, %swap3A_362], %add3A_360 {strides = array<i32>} : memref<16x1xf32, #tpu.memory_space<vmem>>, vector<1x1xf32>,
    %eq3A_364 = arith.constant 11 : i32
    %eq3A_365 = vector.broadcast %eq3A_364 : i32 to vector<1024x1xi32>
    %eq3A_366 = arith.cmpi eq, %get3A_6, %eq3A_365 : vector<1024x1xi32>
    %get3A_367 = arith.constant 11 : index
    %get3A_368 = arith.constant 0 : index
    %get3A_369 = vector.load %arg8[%get3A_367, %get3A_368] : memref<16x64xf32, #tpu.memory_space<vmem>>, vector<1x64xf32>
    %jit3A_370 = arith.constant 0.000000e+00 : f32
    %broadcast_in_dim3A_371 = vector.shape_cast %eq3A_366 : vector<1024x1xi1> to vector<1024x1xi1>
    %broadcast_in_dim3A_372 = vector.broadcast %broadcast_in_dim3A_371 : vector<1024x1xi1> to vector<1024x64xi1>
    %broadcast_in_dim3A_373 = vector.broadcast %jit3A_370 : f32 to vector<1024x64xf32>
    %select_n3A_374 = arith.select %broadcast_in_dim3A_372, %get3A_3, %broadcast_in_dim3A_373 : vector<1024x64xi1>, vector<1024x64xf32>
    %reduce_sum3A_375 = arith.constant dense<0.000000e+00> : vector<64xf32>
    %reduce_sum3A_376 = vector.multi_reduction <add>, %select_n3A_374, %reduce_sum3A_375 [0] : vector<1024x64xf32> to vector<64xf32>
    %broadcast_in_dim3A_377 = vector.shape_cast %reduce_sum3A_376 : vector<64xf32> to vector<1x64xf32>
    %add3A_378 = arith.addf %get3A_369, %broadcast_in_dim3A_377 : vector<1x64xf32>
    %swap3A_379 = arith.constant 11 : index
    %swap3A_380 = arith.constant 0 : index
    %swap3A_381 = vector.load %arg8[%swap3A_379, %swap3A_380] : memref<16x64xf32, #tpu.memory_space<vmem>>, vector<1x64xf32>
    tpu.vector_store %arg8[%swap3A_379, %swap3A_380], %add3A_378 {strides = array<i32>} : memref<16x64xf32, #tpu.memory_space<vmem>>, vector<1x64xf32>,
    %get3A_382 = arith.constant 11 : index
    %get3A_383 = arith.constant 0 : index
    %get3A_384 = vector.load %arg9[%get3A_382, %get3A_383] : memref<16x1xf32, #tpu.memory_space<vmem>>, vector<1x1xf32>
    %jit3A_385 = arith.constant 1.000000e+00 : f32
    %jit3A_386 = arith.constant 0.000000e+00 : f32
    %broadcast_in_dim3A_387 = vector.broadcast %jit3A_385 : f32 to vector<1024x1xf32>
    %broadcast_in_dim3A_388 = vector.broadcast %jit3A_386 : f32 to vector<1024x1xf32>
    %select_n3A_389 = arith.select %eq3A_366, %broadcast_in_dim3A_387, %broadcast_in_dim3A_388 : vector<1024x1xi1>, vector<1024x1xf32>
    %reduce_sum3A_390 = arith.constant dense<0.000000e+00> : vector<1xf32>
    %reduce_sum3A_391 = vector.multi_reduction <add>, %select_n3A_389, %reduce_sum3A_390 [0] : vector<1024x1xf32> to vector<1xf32>
    %broadcast_in_dim3A_392 = vector.shape_cast %reduce_sum3A_391 : vector<1xf32> to vector<1x1xf32>
    %add3A_393 = arith.addf %get3A_384, %broadcast_in_dim3A_392 : vector<1x1xf32>
    %swap3A_394 = arith.constant 11 : index
    %swap3A_395 = arith.constant 0 : index
    %swap3A_396 = vector.load %arg9[%swap3A_394, %swap3A_395] : memref<16x1xf32, #tpu.memory_space<vmem>>, vector<1x1xf32>
    tpu.vector_store %arg9[%swap3A_394, %swap3A_395], %add3A_393 {strides = array<i32>} : memref<16x1xf32, #tpu.memory_space<vmem>>, vector<1x1xf32>,
    %eq3A_397 = arith.constant 12 : i32
    %eq3A_398 = vector.broadcast %eq3A_397 : i32 to vector<1024x1xi32>
    %eq3A_399 = arith.cmpi eq, %get3A_6, %eq3A_398 : vector<1024x1xi32>
    %get3A_400 = arith.constant 12 : index
    %get3A_401 = arith.constant 0 : index
    %get3A_402 = vector.load %arg8[%get3A_400, %get3A_401] : memref<16x64xf32, #tpu.memory_space<vmem>>, vector<1x64xf32>
    %jit3A_403 = arith.constant 0.000000e+00 : f32
    %broadcast_in_dim3A_404 = vector.shape_cast %eq3A_399 : vector<1024x1xi1> to vector<1024x1xi1>
    %broadcast_in_dim3A_405 = vector.broadcast %broadcast_in_dim3A_404 : vector<1024x1xi1> to vector<1024x64xi1>
    %broadcast_in_dim3A_406 = vector.broadcast %jit3A_403 : f32 to vector<1024x64xf32>
    %select_n3A_407 = arith.select %broadcast_in_dim3A_405, %get3A_3, %broadcast_in_dim3A_406 : vector<1024x64xi1>, vector<1024x64xf32>
    %reduce_sum3A_408 = arith.constant dense<0.000000e+00> : vector<64xf32>
    %reduce_sum3A_409 = vector.multi_reduction <add>, %select_n3A_407, %reduce_sum3A_408 [0] : vector<1024x64xf32> to vector<64xf32>
    %broadcast_in_dim3A_410 = vector.shape_cast %reduce_sum3A_409 : vector<64xf32> to vector<1x64xf32>
    %add3A_411 = arith.addf %get3A_402, %broadcast_in_dim3A_410 : vector<1x64xf32>
    %swap3A_412 = arith.constant 12 : index
    %swap3A_413 = arith.constant 0 : index
    %swap3A_414 = vector.load %arg8[%swap3A_412, %swap3A_413] : memref<16x64xf32, #tpu.memory_space<vmem>>, vector<1x64xf32>
    tpu.vector_store %arg8[%swap3A_412, %swap3A_413], %add3A_411 {strides = array<i32>} : memref<16x64xf32, #tpu.memory_space<vmem>>, vector<1x64xf32>,
    %get3A_415 = arith.constant 12 : index
    %get3A_416 = arith.constant 0 : index
    %get3A_417 = vector.load %arg9[%get3A_415, %get3A_416] : memref<16x1xf32, #tpu.memory_space<vmem>>, vector<1x1xf32>
    %jit3A_418 = arith.constant 1.000000e+00 : f32
    %jit3A_419 = arith.constant 0.000000e+00 : f32
    %broadcast_in_dim3A_420 = vector.broadcast %jit3A_418 : f32 to vector<1024x1xf32>
    %broadcast_in_dim3A_421 = vector.broadcast %jit3A_419 : f32 to vector<1024x1xf32>
    %select_n3A_422 = arith.select %eq3A_399, %broadcast_in_dim3A_420, %broadcast_in_dim3A_421 : vector<1024x1xi1>, vector<1024x1xf32>
    %reduce_sum3A_423 = arith.constant dense<0.000000e+00> : vector<1xf32>
    %reduce_sum3A_424 = vector.multi_reduction <add>, %select_n3A_422, %reduce_sum3A_423 [0] : vector<1024x1xf32> to vector<1xf32>
    %broadcast_in_dim3A_425 = vector.shape_cast %reduce_sum3A_424 : vector<1xf32> to vector<1x1xf32>
    %add3A_426 = arith.addf %get3A_417, %broadcast_in_dim3A_425 : vector<1x1xf32>
    %swap3A_427 = arith.constant 12 : index
    %swap3A_428 = arith.constant 0 : index
    %swap3A_429 = vector.load %arg9[%swap3A_427, %swap3A_428] : memref<16x1xf32, #tpu.memory_space<vmem>>, vector<1x1xf32>
    tpu.vector_store %arg9[%swap3A_427, %swap3A_428], %add3A_426 {strides = array<i32>} : memref<16x1xf32, #tpu.memory_space<vmem>>, vector<1x1xf32>,
    %eq3A_430 = arith.constant 13 : i32
    %eq3A_431 = vector.broadcast %eq3A_430 : i32 to vector<1024x1xi32>
    %eq3A_432 = arith.cmpi eq, %get3A_6, %eq3A_431 : vector<1024x1xi32>
    %get3A_433 = arith.constant 13 : index
    %get3A_434 = arith.constant 0 : index
    %get3A_435 = vector.load %arg8[%get3A_433, %get3A_434] : memref<16x64xf32, #tpu.memory_space<vmem>>, vector<1x64xf32>
    %jit3A_436 = arith.constant 0.000000e+00 : f32
    %broadcast_in_dim3A_437 = vector.shape_cast %eq3A_432 : vector<1024x1xi1> to vector<1024x1xi1>
    %broadcast_in_dim3A_438 = vector.broadcast %broadcast_in_dim3A_437 : vector<1024x1xi1> to vector<1024x64xi1>
    %broadcast_in_dim3A_439 = vector.broadcast %jit3A_436 : f32 to vector<1024x64xf32>
    %select_n3A_440 = arith.select %broadcast_in_dim3A_438, %get3A_3, %broadcast_in_dim3A_439 : vector<1024x64xi1>, vector<1024x64xf32>
    %reduce_sum3A_441 = arith.constant dense<0.000000e+00> : vector<64xf32>
    %reduce_sum3A_442 = vector.multi_reduction <add>, %select_n3A_440, %reduce_sum3A_441 [0] : vector<1024x64xf32> to vector<64xf32>
    %broadcast_in_dim3A_443 = vector.shape_cast %reduce_sum3A_442 : vector<64xf32> to vector<1x64xf32>
    %add3A_444 = arith.addf %get3A_435, %broadcast_in_dim3A_443 : vector<1x64xf32>
    %swap3A_445 = arith.constant 13 : index
    %swap3A_446 = arith.constant 0 : index
    %swap3A_447 = vector.load %arg8[%swap3A_445, %swap3A_446] : memref<16x64xf32, #tpu.memory_space<vmem>>, vector<1x64xf32>
    tpu.vector_store %arg8[%swap3A_445, %swap3A_446], %add3A_444 {strides = array<i32>} : memref<16x64xf32, #tpu.memory_space<vmem>>, vector<1x64xf32>,
    %get3A_448 = arith.constant 13 : index
    %get3A_449 = arith.constant 0 : index
    %get3A_450 = vector.load %arg9[%get3A_448, %get3A_449] : memref<16x1xf32, #tpu.memory_space<vmem>>, vector<1x1xf32>
    %jit3A_451 = arith.constant 1.000000e+00 : f32
    %jit3A_452 = arith.constant 0.000000e+00 : f32
    %broadcast_in_dim3A_453 = vector.broadcast %jit3A_451 : f32 to vector<1024x1xf32>
    %broadcast_in_dim3A_454 = vector.broadcast %jit3A_452 : f32 to vector<1024x1xf32>
    %select_n3A_455 = arith.select %eq3A_432, %broadcast_in_dim3A_453, %broadcast_in_dim3A_454 : vector<1024x1xi1>, vector<1024x1xf32>
    %reduce_sum3A_456 = arith.constant dense<0.000000e+00> : vector<1xf32>
    %reduce_sum3A_457 = vector.multi_reduction <add>, %select_n3A_455, %reduce_sum3A_456 [0] : vector<1024x1xf32> to vector<1xf32>
    %broadcast_in_dim3A_458 = vector.shape_cast %reduce_sum3A_457 : vector<1xf32> to vector<1x1xf32>
    %add3A_459 = arith.addf %get3A_450, %broadcast_in_dim3A_458 : vector<1x1xf32>
    %swap3A_460 = arith.constant 13 : index
    %swap3A_461 = arith.constant 0 : index
    %swap3A_462 = vector.load %arg9[%swap3A_460, %swap3A_461] : memref<16x1xf32, #tpu.memory_space<vmem>>, vector<1x1xf32>
    tpu.vector_store %arg9[%swap3A_460, %swap3A_461], %add3A_459 {strides = array<i32>} : memref<16x1xf32, #tpu.memory_space<vmem>>, vector<1x1xf32>,
    %eq3A_463 = arith.constant 14 : i32
    %eq3A_464 = vector.broadcast %eq3A_463 : i32 to vector<1024x1xi32>
    %eq3A_465 = arith.cmpi eq, %get3A_6, %eq3A_464 : vector<1024x1xi32>
    %get3A_466 = arith.constant 14 : index
    %get3A_467 = arith.constant 0 : index
    %get3A_468 = vector.load %arg8[%get3A_466, %get3A_467] : memref<16x64xf32, #tpu.memory_space<vmem>>, vector<1x64xf32>
    %jit3A_469 = arith.constant 0.000000e+00 : f32
    %broadcast_in_dim3A_470 = vector.shape_cast %eq3A_465 : vector<1024x1xi1> to vector<1024x1xi1>
    %broadcast_in_dim3A_471 = vector.broadcast %broadcast_in_dim3A_470 : vector<1024x1xi1> to vector<1024x64xi1>
    %broadcast_in_dim3A_472 = vector.broadcast %jit3A_469 : f32 to vector<1024x64xf32>
    %select_n3A_473 = arith.select %broadcast_in_dim3A_471, %get3A_3, %broadcast_in_dim3A_472 : vector<1024x64xi1>, vector<1024x64xf32>
    %reduce_sum3A_474 = arith.constant dense<0.000000e+00> : vector<64xf32>
    %reduce_sum3A_475 = vector.multi_reduction <add>, %select_n3A_473, %reduce_sum3A_474 [0] : vector<1024x64xf32> to vector<64xf32>
    %broadcast_in_dim3A_476 = vector.shape_cast %reduce_sum3A_475 : vector<64xf32> to vector<1x64xf32>
    %add3A_477 = arith.addf %get3A_468, %broadcast_in_dim3A_476 : vector<1x64xf32>
    %swap3A_478 = arith.constant 14 : index
    %swap3A_479 = arith.constant 0 : index
    %swap3A_480 = vector.load %arg8[%swap3A_478, %swap3A_479] : memref<16x64xf32, #tpu.memory_space<vmem>>, vector<1x64xf32>
    tpu.vector_store %arg8[%swap3A_478, %swap3A_479], %add3A_477 {strides = array<i32>} : memref<16x64xf32, #tpu.memory_space<vmem>>, vector<1x64xf32>,
    %get3A_481 = arith.constant 14 : index
    %get3A_482 = arith.constant 0 : index
    %get3A_483 = vector.load %arg9[%get3A_481, %get3A_482] : memref<16x1xf32, #tpu.memory_space<vmem>>, vector<1x1xf32>
    %jit3A_484 = arith.constant 1.000000e+00 : f32
    %jit3A_485 = arith.constant 0.000000e+00 : f32
    %broadcast_in_dim3A_486 = vector.broadcast %jit3A_484 : f32 to vector<1024x1xf32>
    %broadcast_in_dim3A_487 = vector.broadcast %jit3A_485 : f32 to vector<1024x1xf32>
    %select_n3A_488 = arith.select %eq3A_465, %broadcast_in_dim3A_486, %broadcast_in_dim3A_487 : vector<1024x1xi1>, vector<1024x1xf32>
    %reduce_sum3A_489 = arith.constant dense<0.000000e+00> : vector<1xf32>
    %reduce_sum3A_490 = vector.multi_reduction <add>, %select_n3A_488, %reduce_sum3A_489 [0] : vector<1024x1xf32> to vector<1xf32>
    %broadcast_in_dim3A_491 = vector.shape_cast %reduce_sum3A_490 : vector<1xf32> to vector<1x1xf32>
    %add3A_492 = arith.addf %get3A_483, %broadcast_in_dim3A_491 : vector<1x1xf32>
    %swap3A_493 = arith.constant 14 : index
    %swap3A_494 = arith.constant 0 : index
    %swap3A_495 = vector.load %arg9[%swap3A_493, %swap3A_494] : memref<16x1xf32, #tpu.memory_space<vmem>>, vector<1x1xf32>
    tpu.vector_store %arg9[%swap3A_493, %swap3A_494], %add3A_492 {strides = array<i32>} : memref<16x1xf32, #tpu.memory_space<vmem>>, vector<1x1xf32>,
    %eq3A_496 = arith.constant 15 : i32
    %eq3A_497 = vector.broadcast %eq3A_496 : i32 to vector<1024x1xi32>
    %eq3A_498 = arith.cmpi eq, %get3A_6, %eq3A_497 : vector<1024x1xi32>
    %get3A_499 = arith.constant 15 : index
    %get3A_500 = arith.constant 0 : index
    %get3A_501 = vector.load %arg8[%get3A_499, %get3A_500] : memref<16x64xf32, #tpu.memory_space<vmem>>, vector<1x64xf32>
    %jit3A_502 = arith.constant 0.000000e+00 : f32
    %broadcast_in_dim3A_503 = vector.shape_cast %eq3A_498 : vector<1024x1xi1> to vector<1024x1xi1>
    %broadcast_in_dim3A_504 = vector.broadcast %broadcast_in_dim3A_503 : vector<1024x1xi1> to vector<1024x64xi1>
    %broadcast_in_dim3A_505 = vector.broadcast %jit3A_502 : f32 to vector<1024x64xf32>
    %select_n3A_506 = arith.select %broadcast_in_dim3A_504, %get3A_3, %broadcast_in_dim3A_505 : vector<1024x64xi1>, vector<1024x64xf32>
    %reduce_sum3A_507 = arith.constant dense<0.000000e+00> : vector<64xf32>
    %reduce_sum3A_508 = vector.multi_reduction <add>, %select_n3A_506, %reduce_sum3A_507 [0] : vector<1024x64xf32> to vector<64xf32>
    %broadcast_in_dim3A_509 = vector.shape_cast %reduce_sum3A_508 : vector<64xf32> to vector<1x64xf32>
    %add3A_510 = arith.addf %get3A_501, %broadcast_in_dim3A_509 : vector<1x64xf32>
    %swap3A_511 = arith.constant 15 : index
    %swap3A_512 = arith.constant 0 : index
    %swap3A_513 = vector.load %arg8[%swap3A_511, %swap3A_512] : memref<16x64xf32, #tpu.memory_space<vmem>>, vector<1x64xf32>
    tpu.vector_store %arg8[%swap3A_511, %swap3A_512], %add3A_510 {strides = array<i32>} : memref<16x64xf32, #tpu.memory_space<vmem>>, vector<1x64xf32>,
    %get3A_514 = arith.constant 15 : index
    %get3A_515 = arith.constant 0 : index
    %get3A_516 = vector.load %arg9[%get3A_514, %get3A_515] : memref<16x1xf32, #tpu.memory_space<vmem>>, vector<1x1xf32>
    %jit3A_517 = arith.constant 1.000000e+00 : f32
    %jit3A_518 = arith.constant 0.000000e+00 : f32
    %broadcast_in_dim3A_519 = vector.broadcast %jit3A_517 : f32 to vector<1024x1xf32>
    %broadcast_in_dim3A_520 = vector.broadcast %jit3A_518 : f32 to vector<1024x1xf32>
    %select_n3A_521 = arith.select %eq3A_498, %broadcast_in_dim3A_519, %broadcast_in_dim3A_520 : vector<1024x1xi1>, vector<1024x1xf32>
    %reduce_sum3A_522 = arith.constant dense<0.000000e+00> : vector<1xf32>
    %reduce_sum3A_523 = vector.multi_reduction <add>, %select_n3A_521, %reduce_sum3A_522 [0] : vector<1024x1xf32> to vector<1xf32>
    %broadcast_in_dim3A_524 = vector.shape_cast %reduce_sum3A_523 : vector<1xf32> to vector<1x1xf32>
    %add3A_525 = arith.addf %get3A_516, %broadcast_in_dim3A_524 : vector<1x1xf32>
    %swap3A_526 = arith.constant 15 : index
    %swap3A_527 = arith.constant 0 : index
    %swap3A_528 = vector.load %arg9[%swap3A_526, %swap3A_527] : memref<16x1xf32, #tpu.memory_space<vmem>>, vector<1x1xf32>
    tpu.vector_store %arg9[%swap3A_526, %swap3A_527], %add3A_525 {strides = array<i32>} : memref<16x1xf32, #tpu.memory_space<vmem>>, vector<1x1xf32>,
    %eq3A_529 = arith.constant 9 : i32
    %eq3A_530 = arith.cmpi eq, %arg0, %eq3A_529 : i32
    %convert_element_type3A_531 = arith.extui %eq3A_530 : i1 to i32
    %cond3A_532 = arith.constant 0 : i32
    %cond3A_533 = arith.cmpi ne, %convert_element_type3A_531, %cond3A_532 : i32
    scf.if %cond3A_533 {
      %get3A_534 = arith.constant 0 : index
      %get3A_535 = arith.constant 0 : index
      %get3A_536 = vector.load %arg8[%get3A_534, %get3A_535] : memref<16x64xf32, #tpu.memory_space<vmem>>, vector<16x64xf32>
      %get3A_537 = arith.constant 0 : index
      %get3A_538 = arith.constant 0 : index
      %get3A_539 = vector.load %arg9[%get3A_537, %get3A_538] : memref<16x1xf32, #tpu.memory_space<vmem>>, vector<16x1xf32>
      %max3A = arith.constant 1.000000e+00 : f32
      %max3A_540 = vector.broadcast %max3A : f32 to vector<16x1xf32>
      %max3A_541 = arith.maximumf %get3A_539, %max3A_540 : vector<16x1xf32>
      %div3A = vector.broadcast %max3A_541 : vector<16x1xf32> to vector<16x64xf32>
      %div3A_542 = arith.divf %get3A_536, %div3A : vector<16x64xf32>
      %get3A_543 = arith.constant 0 : index
      %get3A_544 = arith.constant 0 : index
      %get3A_545 = vector.load %arg3[%get3A_543, %get3A_544] : memref<64x32xf32, #tpu.memory_space<vmem>>, vector<64x32xf32>
      %dot_general3A = arith.constant dense<0.000000e+00> : vector<16x32xf32>
      %dot_general3A_546 = tpu.matmul %div3A_542, %get3A_545, %dot_general3A {dimension_numbers = #tpu.dot_dimension_numbers<[1], [0], [0], [1], [0, 0, 1, 1], [], []>, transpose_lhs_hint = false} : vector<16x64xf32>, vector<64x32xf32>, vector<16x32xf32> -> vector<16x32xf32>
      %get3A_547 = arith.constant 0 : index
      %get3A_548 = arith.constant 0 : index
      %get3A_549 = vector.load %arg4[%get3A_547, %get3A_548] : memref<1x32xf32, #tpu.memory_space<vmem>>, vector<1x32xf32>
      %add3A_550 = vector.broadcast %get3A_549 : vector<1x32xf32> to vector<16x32xf32>
      %add3A_551 = arith.addf %dot_general3A_546, %add3A_550 : vector<16x32xf32>
      %max3A_552 = arith.constant 0.000000e+00 : f32
      %max3A_553 = vector.broadcast %max3A_552 : f32 to vector<16x32xf32>
      %max3A_554 = arith.maximumf %add3A_551, %max3A_553 : vector<16x32xf32>
      %get3A_555 = arith.constant 0 : index
      %get3A_556 = arith.constant 0 : index
      %get3A_557 = vector.load %arg5[%get3A_555, %get3A_556] : memref<32x1xf32, #tpu.memory_space<vmem>>, vector<32x1xf32>
      %dot_general3A_558 = arith.constant dense<0.000000e+00> : vector<16x1xf32>
      %dot_general3A_559 = tpu.matmul %max3A_554, %get3A_557, %dot_general3A_558 {dimension_numbers = #tpu.dot_dimension_numbers<[1], [0], [0], [1], [0, 0, 1, 1], [], []>, transpose_lhs_hint = false} : vector<16x32xf32>, vector<32x1xf32>, vector<16x1xf32> -> vector<16x1xf32>
      %get3A_560 = arith.constant 0 : index
      %get3A_561 = arith.constant 0 : index
      %get3A_562 = vector.load %arg6[%get3A_560, %get3A_561] : memref<1x1xf32, #tpu.memory_space<vmem>>, vector<1x1xf32>
      %add3A_563 = vector.broadcast %get3A_562 : vector<1x1xf32> to vector<16x1xf32>
      %add3A_564 = arith.addf %dot_general3A_559, %add3A_563 : vector<16x1xf32>
      %swap3A_565 = arith.constant 0 : index
      %swap3A_566 = arith.constant 0 : index
      %swap3A_567 = vector.load %arg7[%swap3A_565, %swap3A_566] : memref<16x1xf32, #tpu.memory_space<vmem>>, vector<16x1xf32>
      tpu.vector_store %arg7[%swap3A_565, %swap3A_566], %add3A_564 {strides = array<i32>} : memref<16x1xf32, #tpu.memory_space<vmem>>, vector<16x1xf32>,
    } else {
    }
    return
  }
  func.func @transform_0(%arg0: i32) -> (i32, i32) {
    %c0_i32 = arith.constant 0 : i32
    %c0_i32_0 = arith.constant 0 : i32
    return %arg0, %c0_i32 : i32, i32
  }
  func.func @transform_1(%arg0: i32) -> (i32, i32) {
    %c0_i32 = arith.constant 0 : i32
    %c0_i32_0 = arith.constant 0 : i32
    return %arg0, %c0_i32 : i32, i32
  }
  func.func @transform_2(%arg0: i32) -> (i32, i32) {
    %c0_i32 = arith.constant 0 : i32
    %c0_i32_0 = arith.constant 0 : i32
    %c0_i32_1 = arith.constant 0 : i32
    return %c0_i32, %c0_i32_0 : i32, i32
  }
  func.func @transform_3(%arg0: i32) -> (i32, i32) {
    %c0_i32 = arith.constant 0 : i32
    %c0_i32_0 = arith.constant 0 : i32
    %c0_i32_1 = arith.constant 0 : i32
    return %c0_i32, %c0_i32_0 : i32, i32
  }
  func.func @transform_4(%arg0: i32) -> (i32, i32) {
    %c0_i32 = arith.constant 0 : i32
    %c0_i32_0 = arith.constant 0 : i32
    %c0_i32_1 = arith.constant 0 : i32
    return %c0_i32, %c0_i32_0 : i32, i32
  }
  func.func @transform_5(%arg0: i32) -> (i32, i32) {
    %c0_i32 = arith.constant 0 : i32
    %c0_i32_0 = arith.constant 0 : i32
    %c0_i32_1 = arith.constant 0 : i32
    return %c0_i32, %c0_i32_0 : i32, i32
  }
  func.func @transform_6(%arg0: i32) -> (i32, i32) {
    %c0_i32 = arith.constant 0 : i32
    %c0_i32_0 = arith.constant 0 : i32
    %c0_i32_1 = arith.constant 0 : i32
    return %c0_i32, %c0_i32_0 : i32, i32
  }
}

</mosaic_0001>

<sc_bundles>
// kernel: kernel.10.cloned.1.call-start
scs
__scs_entry_jumppad:
0x0: {  	(pc) =	sbr.rel $0x88, $3  }
0x1: {  	(tag) =	ssettag $0x0;
	lr =	simm.s32 $0x1  }
0x2: {  	[smem:$0x3F8F] =	sst lr;
	_ =	strace $0xD0000000  }
0x3: {  	_ = 	snop  }
0x4: {  	_ = 	snop  }
0x5: {  	_ = 	snop  }
0x6: {  	_ = 	snop  }
0x7: {  	_ = 	snop  }
__scs_overlays_trampoline_lowered:
0x8: {  	[smem:$0x3F9E] =	sst s0  }
0x9: {  	[smem:$0x3F9F] =	sst s1  }
0xa: {  	[smem:$0x3FA0] =	sst s2  }
0xb: {  	[smem:$0x3FA1] =	sst s3  }
0xc: {  	[smem:$0x3FA2] =	sst s4  }
0xd: {  	[smem:$0x3FA3] =	sst s5  }
0xe: {  	[smem:$0x3FA4] =	sst s6  }
0xf: {  	[smem:$0x3FA5] =	sst s7  }
0x10: {  	[smem:$0x3FA6] =	sst s8  }
0x11: {  	[smem:$0x3FA7] =	sst s9;
	s0 =	simm.s32 @!p0 $0x0  }
0x12: {  	s1 =	sld [smem:$0x3F8D];
	s0 =	simm.s32 @p0 $0x1  }
0x13: {  	[smem:$0x3FA8] =	sst s0;
	s0 =	simm.s32 @!p1 $0x0  }
0x14: {  	s2 =	sld [smem:$0x3F8C];
	s0 =	simm.s32 @p1 $0x1  }
0x15: {  	[smem:$0x3FA9] =	sst s0;
	s0 =	simm.s32 @!p2 $0x0  }
0x16: {  	s3 =	sld [smem:$0x3FDB];
	s0 =	simm.s32 @p2 $0x1  }
0x17: {  	s4 =	simm.s32 $0x1BF5;
	[smem:$0x3FAB] =	sst s0  }
0x18: {  	s0 =	sld [smem:$0x3F8E];
	_ =	swait.ge [sflag:s4], $0x0  }
0x19: {  	s7 =	sld [smem:$0x3F8F]  }
0x1a: {  	s8 =	sadd.s32 $0xFFFFE003, lr  }
0x1b: {  	s9 =	sadd.s32 $0xFFFFFEF7, lr;
	s5 =	simm.s32 $0xFFFFFFFF;
	p2 =	slt.u32 s8, $0xFFFFF086  }
0x1c: {  	p1 =	slt.u32 s9, $0xF7A;
	s5 =	simm.s32 @!p2 $0x0  }
0x1d: {  	s5 =	simm.s32 @p1 $0x1;
	p0 =	seq.s32 s7, s2  }
0x1e: {  	s7 =	smul.u32 @!p0 $0xF7A, s2;
	p2 =	seq.s32 @!p0 s5, $0x0  }
0x1f: {  	s9 =	smul.u32 $0xF7A, s1;
	s8 =	simm.s32 @!p0 $0x1BF5;
	p2 =	por !p2, p0  }
0x20: {  	[sflag:s8] =	ssyncset.s32 @!p0 $0xFFFFF086;
	s6 =	sadd.s32 @!p0 s3, s7;
	s7 =	simm.s32 @!p0 $0x108  }
0x21: {  	s3 =	sadd.s32 s3, s9;
	s6 =	sadd.s32 @!p0 $0x88, s6;
	s7 =	simm.s32 @p2 $0x1082  }
0x22: {  	[simem:s7], [sflag:s8] =	dma.local @!p0 [hbm:s6], $0xF7A  }
0x23: {  	s9 =	sor.u32 $0xD0000000, s2;
	s6 =	simm.s32 $0x108;
	_ =	swait.ge @!p0 [sflag:s8], $0x0  }
0x24: {  	s3 =	sadd.s32 $0x88, s3;
	s6 =	simm.s32 @!p1 $0x1082;
	[sflag:s4] =	ssyncset.s32 $0xFFFFF086  }
0x25: {  	[simem:s6], [sflag:s4] =	dma.local [hbm:s3], $0xF7A  }
0x26: {  	[smem:$0x3F8F] =	sst s1;
	(tag) =	ssettag s2;
	_ =	strace s9  }
0x27: {  	s1 =	sld [smem:$0x3F9F]  }
0x28: {  	s2 =	sld [smem:$0x3FA0]  }
0x29: {  	s4 =	sld [smem:$0x3FA2]  }
0x2a: {  	p0 =	seq.s32 s5, $0x0;
	s5 =	sld [smem:$0x3FA3]  }
0x2b: {  	s6 =	sld [smem:$0x3FA4]  }
0x2c: {  	s7 =	sld [smem:$0x3FA5]  }
0x2d: {  	s3 =	simm.s32 $0x108;
	s8 =	sld [smem:$0x3FA6]  }
0x2e: {  	s3 =	simm.s32 @!p0 $0x1082;
	s9 =	sld [smem:$0x3FA7]  }
0x2f: {  	lr =	sadd.s32 s0, s3;
	s0 =	sld [smem:$0x3F9E]  }
0x30: {  	s3 =	sld [smem:$0x3FA1]  }
0x31: {  	[smem:$0x3FAA] =	sst s10  }
0x32: {  	s10 =	sld [smem:$0x3FA8];
	_ =	sdelay $0x3  }
0x33: {  	p0 =	seq.s32 s10, $0x1;
	s10 =	sld [smem:$0x3FAA];
	_ =	sdelay $0x3  }
0x34: {  	[smem:$0x3FAA] =	sst s10  }
0x35: {  	s10 =	sld [smem:$0x3FA9];
	_ =	sdelay $0x3  }
0x36: {  	p1 =	seq.s32 s10, $0x1;
	s10 =	sld [smem:$0x3FAA];
	_ =	sdelay $0x3  }
0x37: {  	[smem:$0x3FAA] =	sst s10  }
0x38: {  	s10 =	sld [smem:$0x3FAB]  }
0x39: {  	_ = 	snop;
	(pc) =	sbr.ind lr, $3  }
0x3a: {  	_ = 	snop  }
0x3b: {  	_ = 	snop  }
0x3c: {  	p2 =	seq.s32 s10, $0x1;
	s10 =	sld [smem:$0x3FAA]  }
0x3d: {  	_ =	shalt  }
0x3e: {  	_ =	shalt  }
0x3f: {  	_ =	shalt  }
0x40: {  	_ =	shalt  }
0x41: {  	_ =	shalt  }
0x42: {  	_ =	shalt  }
0x43: {  	_ =	shalt  }
0x44: {  	_ =	shalt  }
0x45: {  	_ =	shalt  }
0x46: {  	_ =	shalt  }
0x47: {  	_ =	shalt  }
0x48: {  	_ =	shalt  }
0x49: {  	_ =	shalt  }
0x4a: {  	_ =	shalt  }
0x4b: {  	_ =	shalt  }
0x4c: {  	_ =	shalt  }
0x4d: {  	_ =	shalt  }
0x4e: {  	_ =	shalt  }
0x4f: {  	_ =	shalt  }
0x50: {  	_ =	shalt  }
0x51: {  	_ =	shalt  }
0x52: {  	_ =	shalt  }
0x53: {  	_ =	shalt  }
0x54: {  	_ =	shalt  }
0x55: {  	_ =	shalt  }
0x56: {  	_ =	shalt  }
0x57: {  	_ =	shalt  }
0x58: {  	_ =	shalt  }
0x59: {  	_ =	shalt  }
0x5a: {  	_ =	shalt  }
0x5b: {  	_ =	shalt  }
0x5c: {  	_ =	shalt  }
0x5d: {  	_ =	shalt  }
0x5e: {  	_ =	shalt  }
0x5f: {  	_ =	shalt  }
0x60: {  	_ =	shalt  }
0x61: {  	_ =	shalt  }
0x62: {  	_ =	shalt  }
0x63: {  	_ =	shalt  }
0x64: {  	_ =	shalt  }
0x65: {  	_ =	shalt  }
0x66: {  	_ =	shalt  }
0x67: {  	_ =	shalt  }
0x68: {  	_ =	shalt  }
0x69: {  	_ =	shalt  }
0x6a: {  	_ =	shalt  }
0x6b: {  	_ =	shalt  }
0x6c: {  	_ =	shalt  }
0x6d: {  	_ =	shalt  }
0x6e: {  	_ =	shalt  }
0x6f: {  	_ =	shalt  }
0x70: {  	_ =	shalt  }
0x71: {  	_ =	shalt  }
0x72: {  	_ =	shalt  }
0x73: {  	_ =	shalt  }
0x74: {  	_ =	shalt  }
0x75: {  	_ =	shalt  }
0x76: {  	_ =	shalt  }
0x77: {  	_ =	shalt  }
0x78: {  	_ =	shalt  }
0x79: {  	_ =	shalt  }
0x7a: {  	_ =	shalt  }
0x7b: {  	_ =	shalt  }
0x7c: {  	_ =	shalt  }
0x7d: {  	_ =	shalt  }
0x7e: {  	_ =	shalt  }
0x7f: {  	_ =	shalt  }
0x80: {  	_ =	shalt  }
0x81: {  	_ =	shalt  }
0x82: {  	_ =	shalt  }
0x83: {  	_ =	shalt  }
0x84: {  	_ =	shalt  }
0x85: {  	_ =	shalt  }
0x86: {  	_ =	shalt  }
0x87: {  	_ =	shalt  }
.Lfunc_end0:
.L_simem_size_0:
called_computation_lowered:
.L_overlay_start_0:
0x88: {  	s2 =	sld [smem:$0x3FD9]  }
0x89: {  	s3 =	sld [smem:$0x3FFE];
	_ =	sdelay $0x1  }
0x8a: {  	s1 =	srdreg.scid  }
0x8b: {  	s0 =	sand.u32 $0x1, s1  }
0x8c: {  	s16 =	sshll.u32 s0, $0xA;
	s2 =	sadd.s32 s3, s2  }
0x8d: {  	s2 =	sadd.s32 s2, s16  }
0x8e: {  	[smem:$0x3FB6] =	sst s2  }
0x8f: {  	_ = 	snop  }
0x90: {  	(tm) =	ssettm $0x1  }
0x91: {  	s17 =	sld [smem:$0x3FFB];
	_ =	sdelay $0x3  }
0x92: {  	_ =	strace s17  }
0x93: {  	s2 =	sld [smem:$0x3FFC];
	_ =	sdelay $0x3  }
0x94: {  	_ =	strace s2  }
0x95: {  	s2 =	sld [smem:$0x3FFD];
	_ =	sdelay $0x3  }
0x96: {  	_ =	strace s2  }
0x97: {  	_ =	strace $0x8FFFFFFF  }
0x98: {  	s18 =	sld [smem:$0x3FDB];
	_ =	sdelay $0x1  }
0x99: {  	s19 =	simm.s32 $_scs_section_size  }
0x9a: {  	s4 =	simm.s32 $_size__tile_overlayer_lowered;
	s5 =	simm.s32 $_tile_overlayer_lowered  }
0x9b: {  	s22 =	simm.s32 $0x1BFF;
	s21 =	sshll.u32 s5, $0x1;
	s2 =	sadd.s32 s19, s18  }
0x9c: {  	s6 =	simm.s32 $0x0;
	s20 =	sshll.u32 s4, $0x1;
	s4 =	sadd.s32 s21, s2  }
0x9d: {  	[timem:s6], [sflag:s22] =	dma.local [hbm:s4], s20  }
0x9e: {  	_ =	swait.ge [sflag:s22], s20  }
0x9f: {  	s3 =	ssub.s32 $0x0, s20;
	[sflag:s22] =	ssyncset.done $0x0  }
0xa0: {  	[sflag:s22] =	ssyncadd.s32 s3;
	_ =	sdelay $0x1  }
0xa1: {  	s23 =	simm.s32 $0x1B8B  }
0xa2: {  	_ =	swait.ge [sflag:s23], $0x1  }
0xa3: {  	[sflag:s23] =	ssyncset.done $0x0  }
0xa4: {  	s25 =	simm.s32 $0x1B8E;
	s24 =	sld [smem:$0x3FFE];
	[sflag:s23] =	ssyncadd.s32 $0xFFFFFFFF  }
0xa5: {  	s26 =	simm.s32 $execute0_lowered;
	[smem:$0x3FD2] =	sst s25  }
0xa6: {  	s4 =	sshll.u32 s26, $0x1;
	_ =	strace $0x80000046;
	[dreg:$0x1] =	wrdreg $0xFFFFFFFF  }
0xa7: {  	s28 =	simm.s32 $_size_execute0_lowered;
	s2 =	sadd.s32 s2, s4;
	[dreg:$0x0] =	wrdreg $0x0  }
0xa8: {  	s4 =	sshll.u32 s28, $0x1;
	[dreg:$0x2] =	wrdreg s2  }
0xa9: {  	[dreg:$0x3] =	wrdreg s4  }
0xaa: {  	[dreg:$0x4] =	wrdreg $0xC0  }
0xab: {  	_ =	task [dreg:s6], $0x5FFFF  }
0xac: {  	[dreg:$0x1] =	wrdreg $0xFFFFFFFF  }
0xad: {  	[dreg:$0x0] =	wrdreg $0x60  }
0xae: {  	[dreg:$0x2] =	wrdreg s24  }
0xaf: {  	[dreg:$0x3] =	wrdreg $0x9  }
0xb0: {  	_ =	task.clear_ibuf [dreg:s6], $0x4FFFF;
	_ =	strace $0x90000046  }
0xb1: {  	s29 =	simm.s32 $0x9;
	_ =	strace $0x80000048  }
0xb2: {  	_ =	swait.ge [sflag:s29], $0x1  }
0xb3: {  	[sflag:s29] =	ssyncadd.s32 $0xFFFFFFFF  }
0xb4: {  	_ =	strace $0x90000048  }
0xb5: {  	_ =	sfence  }
0xb6: {  	s30 =	sld [smem:$0x0];
	_ =	sdelay $0x2  }
0xb7: {  	s31 =	sshll.u32 s1, $0xD;
	s1 =	sshrl.u32 s1, $0x2  }
0xb8: {  	s3 =	sand.u32 $0x4000, s31;
	s1 =	sadd.s32 s1, s30  }
0xb9: {  	s0 =	sor.u32 s3, s0;
	s1 =	sshll.u32 s1, $0x11  }
0xba: {  	s0 =	sor.u32 s1, s0  }
0xbb: {  	s0 =	sadd.s32 $0x8F2B, s0  }
0xbc: {  	[sflag:s0] =	ssyncadd.remote.s32 $0x1  }
0xbd: {  	_ =	sfence.sel $0xFFFF  }
0xbe: {  	[dreg:$0x0] =	wrdreg $0xFFFFFFFF;
	(pc) =	sbr.abs _section_cstart, $3  }
0xbf: {  	[dreg:$0x1] =	wrdreg $0xFFFFFFFF  }
0xc0: {  	_ =	task.clear_ibuf [dreg:s6], $0x2FFFF;
	_ =	strace $0x9FFFFFFF  }
0xc1: {  	(tm) =	ssettm $0x7FFFFFFF  }
tec
execute0_lowered:
.L_overlay_start_1:
0x0: {  	(tag) =	ssettag $0x1  }
0x1: {  	s4 =	rddreg [dreg:$0x0]  }
0x2: {  	s0 =	rddreg [dreg:$0x1]  }
0x3: {  	s3 =	srdreg.scid;
	s1 =	stileid.u32;
	s2 =	simm.s32 $0x0  }
0x4: {  	s11 =	simm.s32 $0x9400;
	s12 =	simm.s32 $0xD400;
	s13 =	simm.s32 $0x1  }
0x5: {  	s14 =	simm.s32 $0x0;
	s5 =	sand.u32 $0x1, s3;
	s28 =	sshll.u32 s1, $0x1  }
0x6: {  	[smem:$0x7FF] =	sst s2;
	s7 =	smul.u32 $0x28000, s1;
	s3 =	sor.u32 s5, s28  }
0x7: {  	_ =	strace $0x80000047;
	s8 =	ssub.s32 $0x2, s5;
	s10 =	smul.u32 $0x14000, s5  }
0x8: {  	s6 =	smul.u32 $0x1400, s3;
	s3 =	sadd.s32 $0x2A00, s4;
	s9 =	sshrl.u32 s8, $0x1  }
0x9: {  	s30 =	sadd.s32 s7, s4;
	s7 =	simm.s32 $0x2;
	s31 =	ssub.s32 s8, s9  }
0xa: {  	s8 =	simm.s32 $0x80;
	s9 =	simm.s32 $0x1400;
	s6 =	sshrl.u32 s6, $0x3  }
0xb: {  	s5 =	smax.u32 s31, $0x1;
	s29 =	sadd.s32 s6, s4;
	s6 =	sadd.s32 s10, s30  }
0xc: {  	s10 =	simm.s32 $0x5400;
	s4 =	sadd.s32 $0x2AA00, s29;
	s6 =	sadd.s32 $0x2FA00, s6  }
.LBB2_1:
0xd: {  	[tilespmem:s2], [sflag:$0x2] =	stream.linear.gather [hbm4b:s4+s2], $0x1400, $0x38;
	[tilespmem:$0x11400] =	vst v63  }
0xe: {  	_ =	swait.ge [sflag:s7], $0x1400  }
0xf: {  	[sflag:s7] =	ssyncset.done $0x0  }
0x10: {  	s15 =	simm.s32 $0x0;
	[sflag:s7] =	ssyncadd.s32 $0xFFFFEC00  }
0x11: {  	[tilespmem:s9], [sflag:$0x1] =	stream.indirect.gather [hbm4b:s3+s8], $0x80, s15, s8, $0xb8;
	[tilespmem:$0x11400] =	vst v63  }
0x12: {  	s28 =	simm.s32 $0x80  }
0x13: {  	[tilespmem:s10], [sflag:$0x1] =	stream.indirect.gather [hbm4b:s3+s8], $0x80, s28, s8, $0xb8;
	[tilespmem:$0x11400] =	vst v63  }
0x14: {  	s29 =	simm.s32 $0x100  }
0x15: {  	[tilespmem:s11], [sflag:$0x1] =	stream.indirect.gather [hbm4b:s3+s8], $0x80, s29, s8, $0xb8;
	[tilespmem:$0x11400] =	vst v63  }
0x16: {  	s30 =	simm.s32 $0x180  }
0x17: {  	[tilespmem:s12], [sflag:$0x1] =	stream.indirect.gather [hbm4b:s3+s8], $0x80, s30, s8, $0xb8;
	[tilespmem:$0x11400] =	vst v63  }
0x18: {  	_ =	swait.ge [sflag:s13], $0x4000  }
0x19: {  	[sflag:s13] =	ssyncset.done $0x0  }
0x1a: {  	[sflag:s13] =	ssyncadd.s32 $0xFFFFC000  }
0x1b: {  	_ =	swait.ge [sflag:s13], $0x4000  }
0x1c: {  	[sflag:s13] =	ssyncset.done $0x0  }
0x1d: {  	[sflag:s13] =	ssyncadd.s32 $0xFFFFC000  }
0x1e: {  	_ =	swait.ge [sflag:s13], $0x4000  }
0x1f: {  	[sflag:s13] =	ssyncset.done $0x0  }
0x20: {  	[sflag:s13] =	ssyncadd.s32 $0xFFFFC000  }
0x21: {  	_ =	swait.ge [sflag:s13], $0x4000  }
0x22: {  	[sflag:s13] =	ssyncset.done $0x0  }
0x23: {  	s31 =	sadd.s32 $0x0, s6;
	[sflag:s13] =	ssyncadd.s32 $0xFFFFC000  }
0x24: {  	[hbm4b:s31+s2] =	stream.linear.scatter [tilespmem:s9], [sflag:$0x2], $0x10000, $0x38;
	[tilespmem:$0x11400] =	vst v63  }
0x25: {  	s17 =	simm.s32 $0x4000;
	_ =	swait.ge [sflag:s7], $0x10000  }
0x26: {  	s16 =	simm.s32 $0x380;
	s15 =	simm.s32 $0x2000;
	[sflag:s7] =	ssyncset.done $0x0  }
.LBB2_2:
0x27: {  	p0 =	sne.s32 s17, $0x12000;
	s18 =	sadd.s32 $0xFFFFFE80, s16;
	[sflag:s7] =	ssyncadd.s32 $0xFFFF0000  }
0x28: {  	[tilespmem:s9], [sflag:$0x1] =	stream.indirect.gather [hbm4b:s3+s8], $0x80, s18, s8, $0xb8;
	[tilespmem:$0x11400] =	vst v63  }
0x29: {  	s19 =	smov.u32 s17;
	s17 =	sadd.s32 $0x2000, s17;
	s18 =	sadd.s32 $0xFFFFFF00, s16  }
0x2a: {  	[tilespmem:s10], [sflag:$0x1] =	stream.indirect.gather [hbm4b:s3+s8], $0x80, s18, s8, $0xb8;
	[tilespmem:$0x11400] =	vst v63  }
0x2b: {  	s18 =	sadd.s32 $0xFFFFFF80, s16  }
0x2c: {  	[tilespmem:s11], [sflag:$0x1] =	stream.indirect.gather [hbm4b:s3+s8], $0x80, s18, s8, $0xb8;
	[tilespmem:$0x11400] =	vst v63  }
0x2d: {  	_ = 	snop  }
0x2e: {  	[tilespmem:s12], [sflag:$0x1] =	stream.indirect.gather [hbm4b:s3+s8], $0x80, s16, s8, $0xb8;
	[tilespmem:$0x11400] =	vst v63  }
0x2f: {  	_ =	swait.ge [sflag:s13], $0x4000  }
0x30: {  	[sflag:s13] =	ssyncset.done $0x0  }
0x31: {  	[sflag:s13] =	ssyncadd.s32 $0xFFFFC000  }
0x32: {  	_ =	swait.ge [sflag:s13], $0x4000  }
0x33: {  	[sflag:s13] =	ssyncset.done $0x0  }
0x34: {  	[sflag:s13] =	ssyncadd.s32 $0xFFFFC000  }
0x35: {  	_ =	swait.ge [sflag:s13], $0x4000  }
0x36: {  	[sflag:s13] =	ssyncset.done $0x0  }
0x37: {  	[sflag:s13] =	ssyncadd.s32 $0xFFFFC000  }
0x38: {  	_ =	swait.ge [sflag:s13], $0x4000  }
.Ltmp0:
0x39: {  	[sflag:s13] =	ssyncset.done $0x0;
	(pc) =	sbr.rel @p0 .LBB2_2-.Ltmp0, $4  }
0x3a: {  	s18 =	sadd.s32 s15, s6;
	s15 =	smov.u32 s19;
	[sflag:s13] =	ssyncadd.s32 $0xFFFFC000  }
0x3b: {  	[hbm4b:s18+s2] =	stream.linear.scatter [tilespmem:s9], [sflag:$0x2], $0x10000, $0x38;
	[tilespmem:$0x11400] =	vst v63  }
0x3c: {  	_ =	swait.ge [sflag:s7], $0x10000  }
0x3d: {  	s16 =	sadd.s32 $0x200, s16;
	[sflag:s7] =	ssyncset.done $0x0  }
0x3e: {  	s17 =	sadd.s32 $0xFFFFFE80, s16;
	[sflag:s7] =	ssyncadd.s32 $0xFFFF0000  }
0x3f: {  	[tilespmem:s9], [sflag:$0x1] =	stream.indirect.gather [hbm4b:s3+s8], $0x80, s17, s8, $0xb8;
	[tilespmem:$0x11400] =	vst v63  }
0x40: {  	s30 =	sadd.s32 $0xFFFFFF00, s16  }
0x41: {  	[tilespmem:s10], [sflag:$0x1] =	stream.indirect.gather [hbm4b:s3+s8], $0x80, s30, s8, $0xb8;
	[tilespmem:$0x11400] =	vst v63  }
0x42: {  	s31 =	sadd.s32 $0xFFFFFF80, s16  }
0x43: {  	[tilespmem:s11], [sflag:$0x1] =	stream.indirect.gather [hbm4b:s3+s8], $0x80, s31, s8, $0xb8;
	[tilespmem:$0x11400] =	vst v63  }
0x44: {  	_ = 	snop  }
0x45: {  	[tilespmem:s12], [sflag:$0x1] =	stream.indirect.gather [hbm4b:s3+s8], $0x80, s16, s8, $0xb8;
	[tilespmem:$0x11400] =	vst v63  }
0x46: {  	_ =	swait.ge [sflag:s13], $0x4000  }
0x47: {  	[sflag:s13] =	ssyncset.done $0x0  }
0x48: {  	[sflag:s13] =	ssyncadd.s32 $0xFFFFC000  }
0x49: {  	_ =	swait.ge [sflag:s13], $0x4000  }
0x4a: {  	[sflag:s13] =	ssyncset.done $0x0  }
0x4b: {  	[sflag:s13] =	ssyncadd.s32 $0xFFFFC000  }
0x4c: {  	_ =	swait.ge [sflag:s13], $0x4000  }
0x4d: {  	[sflag:s13] =	ssyncset.done $0x0  }
0x4e: {  	[sflag:s13] =	ssyncadd.s32 $0xFFFFC000  }
0x4f: {  	s14 =	sadd.s32 $0x1, s14;
	_ =	swait.ge [sflag:s13], $0x4000  }
0x50: {  	p0 =	sne.s32 s14, s5;
	[sflag:s13] =	ssyncset.done $0x0  }
.Ltmp1:
0x51: {  	s15 =	sadd.s32 s15, s6;
	[sflag:s13] =	ssyncadd.s32 $0xFFFFC000;
	(pc) =	sbr.rel @p0 .LBB2_1-.Ltmp1, $4  }
0x52: {  	[hbm4b:s15+s2] =	stream.linear.scatter [tilespmem:s9], [sflag:$0x2], $0x10000, $0x38;
	[tilespmem:$0x11400] =	vst v63  }
0x53: {  	_ =	swait.ge [sflag:s7], $0x10000  }
0x54: {  	[sflag:s7] =	ssyncset.done $0x0  }
0x55: {  	[sflag:s7] =	ssyncadd.s32 $0xFFFF0000  }
0x56: {  	_ =	sfence.sel $0x180000  }
0x57: {  	[bflag:$0x0] =	sbarrier.arrive $0xFFFF  }
0x58: {  	p0 =	sne.s32 s1, $0x0;
	_ =	strace $0x90000047  }
0x59: {  	s0 =	sadd.s32 @!p0 $0x100000, s0;
	[bflag:$0x2] =	sbarrier.arrive $0xFFFF  }
0x5a: {  	[sflag:s0] =	ssyncadd.tile.s32 @!p0 $0x1;
	_ =	shalt  }
.Lfunc_end2:
_tile_overlayer_lowered:
.L_overlay_start_2:
0x5b: {  	(tag) =	ssettag $0x2  }
0x5c: {  	s0 =	rddreg [dreg:$0x0];
	s2 =	stileid.u32  }
0x5d: {  	s1 =	rddreg [dreg:$0x1];
	p0 =	sne.s32 s2, $0x0  }
0x5e: {  	s3 =	rddreg [dreg:$0x2];
	[bflag:$0x3] =	sbarrier.arrive $0xFFFF;
	s2 =	simm.s32 @!p0 $0x1C02  }
0x5f: {  	[timem:s3], [sflag:s2] =	dma.local @!p0 [hbm:s0], s1  }
0x60: {  	s0 =	simm.s32 @!p0 $0x2  }
0x61: {  	_ =	swait.ge @!p0 [sflag:s0], s1  }
0x62: {  	s1 =	ssub.s32 @!p0 $0x0, s1;
	[sflag:s0] =	ssyncset.done @!p0 $0x0  }
0x63: {  	[sflag:s0] =	ssyncadd.s32 @!p0 s1  }
0x64: {  	[bflag:$0x3] =	sbarrier.arrive $0xFFFF  }
0x65: {  	_ =	shalt  }

// kernel: kernel.13.cloned.1.call-start
scs
__scs_entry_jumppad:
0x0: {  	(pc) =	sbr.rel $0x88, $3  }
0x1: {  	(tag) =	ssettag $0x0;
	lr =	simm.s32 $0x1  }
0x2: {  	[smem:$0x3F8F] =	sst lr;
	_ =	strace $0xD0000000  }
0x3: {  	_ = 	snop  }
0x4: {  	_ = 	snop  }
0x5: {  	_ = 	snop  }
0x6: {  	_ = 	snop  }
0x7: {  	_ = 	snop  }
__scs_overlays_trampoline_lowered:
0x8: {  	[smem:$0x3F9E] =	sst s0  }
0x9: {  	[smem:$0x3F9F] =	sst s1  }
0xa: {  	[smem:$0x3FA0] =	sst s2  }
0xb: {  	[smem:$0x3FA1] =	sst s3  }
0xc: {  	[smem:$0x3FA2] =	sst s4  }
0xd: {  	[smem:$0x3FA3] =	sst s5  }
0xe: {  	[smem:$0x3FA4] =	sst s6  }
0xf: {  	[smem:$0x3FA5] =	sst s7  }
0x10: {  	[smem:$0x3FA6] =	sst s8  }
0x11: {  	[smem:$0x3FA7] =	sst s9;
	s0 =	simm.s32 @!p0 $0x0  }
0x12: {  	s1 =	sld [smem:$0x3F8D];
	s0 =	simm.s32 @p0 $0x1  }
0x13: {  	[smem:$0x3FA8] =	sst s0;
	s0 =	simm.s32 @!p1 $0x0  }
0x14: {  	s2 =	sld [smem:$0x3F8C];
	s0 =	simm.s32 @p1 $0x1  }
0x15: {  	[smem:$0x3FA9] =	sst s0;
	s0 =	simm.s32 @!p2 $0x0  }
0x16: {  	s3 =	sld [smem:$0x3FDB];
	s0 =	simm.s32 @p2 $0x1  }
0x17: {  	s4 =	simm.s32 $0x1BF5;
	[smem:$0x3FAB] =	sst s0  }
0x18: {  	s0 =	sld [smem:$0x3F8E];
	_ =	swait.ge [sflag:s4], $0x0  }
0x19: {  	s7 =	sld [smem:$0x3F8F]  }
0x1a: {  	s8 =	sadd.s32 $0xFFFFE003, lr  }
0x1b: {  	s9 =	sadd.s32 $0xFFFFFEF7, lr;
	s5 =	simm.s32 $0xFFFFFFFF;
	p2 =	slt.u32 s8, $0xFFFFF086  }
0x1c: {  	p1 =	slt.u32 s9, $0xF7A;
	s5 =	simm.s32 @!p2 $0x0  }
0x1d: {  	s5 =	simm.s32 @p1 $0x1;
	p0 =	seq.s32 s7, s2  }
0x1e: {  	s7 =	smul.u32 @!p0 $0xF7A, s2;
	p2 =	seq.s32 @!p0 s5, $0x0  }
0x1f: {  	s9 =	smul.u32 $0xF7A, s1;
	s8 =	simm.s32 @!p0 $0x1BF5;
	p2 =	por !p2, p0  }
0x20: {  	[sflag:s8] =	ssyncset.s32 @!p0 $0xFFFFF086;
	s6 =	sadd.s32 @!p0 s3, s7;
	s7 =	simm.s32 @!p0 $0x108  }
0x21: {  	s3 =	sadd.s32 s3, s9;
	s6 =	sadd.s32 @!p0 $0x88, s6;
	s7 =	simm.s32 @p2 $0x1082  }
0x22: {  	[simem:s7], [sflag:s8] =	dma.local @!p0 [hbm:s6], $0xF7A  }
0x23: {  	s9 =	sor.u32 $0xD0000000, s2;
	s6 =	simm.s32 $0x108;
	_ =	swait.ge @!p0 [sflag:s8], $0x0  }
0x24: {  	s3 =	sadd.s32 $0x88, s3;
	s6 =	simm.s32 @!p1 $0x1082;
	[sflag:s4] =	ssyncset.s32 $0xFFFFF086  }
0x25: {  	[simem:s6], [sflag:s4] =	dma.local [hbm:s3], $0xF7A  }
0x26: {  	[smem:$0x3F8F] =	sst s1;
	(tag) =	ssettag s2;
	_ =	strace s9  }
0x27: {  	s1 =	sld [smem:$0x3F9F]  }
0x28: {  	s2 =	sld [smem:$0x3FA0]  }
0x29: {  	s4 =	sld [smem:$0x3FA2]  }
0x2a: {  	p0 =	seq.s32 s5, $0x0;
	s5 =	sld [smem:$0x3FA3]  }
0x2b: {  	s6 =	sld [smem:$0x3FA4]  }
0x2c: {  	s7 =	sld [smem:$0x3FA5]  }
0x2d: {  	s3 =	simm.s32 $0x108;
	s8 =	sld [smem:$0x3FA6]  }
0x2e: {  	s3 =	simm.s32 @!p0 $0x1082;
	s9 =	sld [smem:$0x3FA7]  }
0x2f: {  	lr =	sadd.s32 s0, s3;
	s0 =	sld [smem:$0x3F9E]  }
0x30: {  	s3 =	sld [smem:$0x3FA1]  }
0x31: {  	[smem:$0x3FAA] =	sst s10  }
0x32: {  	s10 =	sld [smem:$0x3FA8];
	_ =	sdelay $0x3  }
0x33: {  	p0 =	seq.s32 s10, $0x1;
	s10 =	sld [smem:$0x3FAA];
	_ =	sdelay $0x3  }
0x34: {  	[smem:$0x3FAA] =	sst s10  }
0x35: {  	s10 =	sld [smem:$0x3FA9];
	_ =	sdelay $0x3  }
0x36: {  	p1 =	seq.s32 s10, $0x1;
	s10 =	sld [smem:$0x3FAA];
	_ =	sdelay $0x3  }
0x37: {  	[smem:$0x3FAA] =	sst s10  }
0x38: {  	s10 =	sld [smem:$0x3FAB]  }
0x39: {  	_ = 	snop;
	(pc) =	sbr.ind lr, $3  }
0x3a: {  	_ = 	snop  }
0x3b: {  	_ = 	snop  }
0x3c: {  	p2 =	seq.s32 s10, $0x1;
	s10 =	sld [smem:$0x3FAA]  }
0x3d: {  	_ =	shalt  }
0x3e: {  	_ =	shalt  }
0x3f: {  	_ =	shalt  }
0x40: {  	_ =	shalt  }
0x41: {  	_ =	shalt  }
0x42: {  	_ =	shalt  }
0x43: {  	_ =	shalt  }
0x44: {  	_ =	shalt  }
0x45: {  	_ =	shalt  }
0x46: {  	_ =	shalt  }
0x47: {  	_ =	shalt  }
0x48: {  	_ =	shalt  }
0x49: {  	_ =	shalt  }
0x4a: {  	_ =	shalt  }
0x4b: {  	_ =	shalt  }
0x4c: {  	_ =	shalt  }
0x4d: {  	_ =	shalt  }
0x4e: {  	_ =	shalt  }
0x4f: {  	_ =	shalt  }
0x50: {  	_ =	shalt  }
0x51: {  	_ =	shalt  }
0x52: {  	_ =	shalt  }
0x53: {  	_ =	shalt  }
0x54: {  	_ =	shalt  }
0x55: {  	_ =	shalt  }
0x56: {  	_ =	shalt  }
0x57: {  	_ =	shalt  }
0x58: {  	_ =	shalt  }
0x59: {  	_ =	shalt  }
0x5a: {  	_ =	shalt  }
0x5b: {  	_ =	shalt  }
0x5c: {  	_ =	shalt  }
0x5d: {  	_ =	shalt  }
0x5e: {  	_ =	shalt  }
0x5f: {  	_ =	shalt  }
0x60: {  	_ =	shalt  }
0x61: {  	_ =	shalt  }
0x62: {  	_ =	shalt  }
0x63: {  	_ =	shalt  }
0x64: {  	_ =	shalt  }
0x65: {  	_ =	shalt  }
0x66: {  	_ =	shalt  }
0x67: {  	_ =	shalt  }
0x68: {  	_ =	shalt  }
0x69: {  	_ =	shalt  }
0x6a: {  	_ =	shalt  }
0x6b: {  	_ =	shalt  }
0x6c: {  	_ =	shalt  }
0x6d: {  	_ =	shalt  }
0x6e: {  	_ =	shalt  }
0x6f: {  	_ =	shalt  }
0x70: {  	_ =	shalt  }
0x71: {  	_ =	shalt  }
0x72: {  	_ =	shalt  }
0x73: {  	_ =	shalt  }
0x74: {  	_ =	shalt  }
0x75: {  	_ =	shalt  }
0x76: {  	_ =	shalt  }
0x77: {  	_ =	shalt  }
0x78: {  	_ =	shalt  }
0x79: {  	_ =	shalt  }
0x7a: {  	_ =	shalt  }
0x7b: {  	_ =	shalt  }
0x7c: {  	_ =	shalt  }
0x7d: {  	_ =	shalt  }
0x7e: {  	_ =	shalt  }
0x7f: {  	_ =	shalt  }
0x80: {  	_ =	shalt  }
0x81: {  	_ =	shalt  }
0x82: {  	_ =	shalt  }
0x83: {  	_ =	shalt  }
0x84: {  	_ =	shalt  }
0x85: {  	_ =	shalt  }
0x86: {  	_ =	shalt  }
0x87: {  	_ =	shalt  }
.Lfunc_end0:
.L_simem_size_0:
called_computation.1_lowered:
.L_overlay_start_0:
0x88: {  	s2 =	sld [smem:$0x3FD9]  }
0x89: {  	s3 =	sld [smem:$0x3FFE];
	_ =	sdelay $0x1  }
0x8a: {  	s1 =	srdreg.scid  }
0x8b: {  	s0 =	sand.u32 $0x1, s1  }
0x8c: {  	s16 =	sshll.u32 s0, $0xA;
	s2 =	sadd.s32 s3, s2  }
0x8d: {  	s2 =	sadd.s32 s2, s16  }
0x8e: {  	[smem:$0x3FB6] =	sst s2  }
0x8f: {  	_ = 	snop  }
0x90: {  	(tm) =	ssettm $0x1  }
0x91: {  	s17 =	sld [smem:$0x3FFB];
	_ =	sdelay $0x3  }
0x92: {  	_ =	strace s17  }
0x93: {  	s2 =	sld [smem:$0x3FFC];
	_ =	sdelay $0x3  }
0x94: {  	_ =	strace s2  }
0x95: {  	s2 =	sld [smem:$0x3FFD];
	_ =	sdelay $0x3  }
0x96: {  	_ =	strace s2  }
0x97: {  	_ =	strace $0x8FFFFFFF  }
0x98: {  	s18 =	sld [smem:$0x3FDB];
	_ =	sdelay $0x1  }
0x99: {  	s19 =	simm.s32 $_scs_section_size  }
0x9a: {  	s4 =	simm.s32 $_size__tile_overlayer_lowered;
	s5 =	simm.s32 $_tile_overlayer_lowered  }
0x9b: {  	s22 =	simm.s32 $0x1BFF;
	s21 =	sshll.u32 s5, $0x1;
	s2 =	sadd.s32 s19, s18  }
0x9c: {  	s6 =	simm.s32 $0x0;
	s20 =	sshll.u32 s4, $0x1;
	s4 =	sadd.s32 s21, s2  }
0x9d: {  	[timem:s6], [sflag:s22] =	dma.local [hbm:s4], s20  }
0x9e: {  	_ =	swait.ge [sflag:s22], s20  }
0x9f: {  	s3 =	ssub.s32 $0x0, s20;
	[sflag:s22] =	ssyncset.done $0x0  }
0xa0: {  	[sflag:s22] =	ssyncadd.s32 s3;
	_ =	sdelay $0x1  }
0xa1: {  	s23 =	simm.s32 $0x1B8B  }
0xa2: {  	_ =	swait.ge [sflag:s23], $0x1  }
0xa3: {  	[sflag:s23] =	ssyncset.done $0x0  }
0xa4: {  	s25 =	simm.s32 $0x1B8E;
	s24 =	sld [smem:$0x3FFE];
	[sflag:s23] =	ssyncadd.s32 $0xFFFFFFFF  }
0xa5: {  	s26 =	simm.s32 $execute0_lowered;
	[smem:$0x3FD2] =	sst s25  }
0xa6: {  	s4 =	sshll.u32 s26, $0x1;
	_ =	strace $0x80000049;
	[dreg:$0x1] =	wrdreg $0xFFFFFFFF  }
0xa7: {  	s28 =	simm.s32 $_size_execute0_lowered;
	s2 =	sadd.s32 s2, s4;
	[dreg:$0x0] =	wrdreg $0x0  }
0xa8: {  	s4 =	sshll.u32 s28, $0x1;
	[dreg:$0x2] =	wrdreg s2  }
0xa9: {  	[dreg:$0x3] =	wrdreg s4  }
0xaa: {  	[dreg:$0x4] =	wrdreg $0xC0  }
0xab: {  	_ =	task [dreg:s6], $0x5FFFF  }
0xac: {  	[dreg:$0x1] =	wrdreg $0xFFFFFFFF  }
0xad: {  	[dreg:$0x0] =	wrdreg $0x60  }
0xae: {  	[dreg:$0x2] =	wrdreg s24  }
0xaf: {  	[dreg:$0x3] =	wrdreg $0x9  }
0xb0: {  	_ =	task.clear_ibuf [dreg:s6], $0x4FFFF;
	_ =	strace $0x90000049  }
0xb1: {  	s29 =	simm.s32 $0x9;
	_ =	strace $0x8000004B  }
0xb2: {  	_ =	swait.ge [sflag:s29], $0x1  }
0xb3: {  	[sflag:s29] =	ssyncadd.s32 $0xFFFFFFFF  }
0xb4: {  	_ =	strace $0x9000004B  }
0xb5: {  	_ =	sfence  }
0xb6: {  	s30 =	sld [smem:$0x0];
	_ =	sdelay $0x2  }
0xb7: {  	s31 =	sshll.u32 s1, $0xD;
	s1 =	sshrl.u32 s1, $0x2  }
0xb8: {  	s3 =	sand.u32 $0x4000, s31;
	s1 =	sadd.s32 s1, s30  }
0xb9: {  	s0 =	sor.u32 s3, s0;
	s1 =	sshll.u32 s1, $0x11  }
0xba: {  	s0 =	sor.u32 s1, s0  }
0xbb: {  	s0 =	sadd.s32 $0x8F2B, s0  }
0xbc: {  	[sflag:s0] =	ssyncadd.remote.s32 $0x1  }
0xbd: {  	_ =	sfence.sel $0xFFFF  }
0xbe: {  	[dreg:$0x0] =	wrdreg $0xFFFFFFFF;
	(pc) =	sbr.abs _section_cstart, $3  }
0xbf: {  	[dreg:$0x1] =	wrdreg $0xFFFFFFFF  }
0xc0: {  	_ =	task.clear_ibuf [dreg:s6], $0x2FFFF;
	_ =	strace $0x9FFFFFFF  }
0xc1: {  	(tm) =	ssettm $0x7FFFFFFF  }
tec
execute0_lowered:
.L_overlay_start_1:
0x0: {  	(tag) =	ssettag $0x1  }
0x1: {  	s4 =	rddreg [dreg:$0x0]  }
0x2: {  	s0 =	rddreg [dreg:$0x1]  }
0x3: {  	s3 =	srdreg.scid;
	s1 =	stileid.u32;
	s2 =	simm.s32 $0x0  }
0x4: {  	s11 =	simm.s32 $0x9400;
	s12 =	simm.s32 $0xD400;
	s13 =	simm.s32 $0x1  }
0x5: {  	s14 =	simm.s32 $0x0;
	s5 =	sand.u32 $0x1, s3;
	s28 =	sshll.u32 s1, $0x1  }
0x6: {  	[smem:$0x7FF] =	sst s2;
	s7 =	smul.u32 $0x28000, s1;
	s3 =	sor.u32 s5, s28  }
0x7: {  	_ =	strace $0x8000004A;
	s8 =	ssub.s32 $0x2, s5;
	s10 =	smul.u32 $0x14000, s5  }
0x8: {  	s6 =	smul.u32 $0x1400, s3;
	s3 =	sadd.s32 $0x2A00, s4;
	s9 =	sshrl.u32 s8, $0x1  }
0x9: {  	s30 =	sadd.s32 s7, s4;
	s7 =	simm.s32 $0x2;
	s31 =	ssub.s32 s8, s9  }
0xa: {  	s8 =	simm.s32 $0x80;
	s9 =	simm.s32 $0x1400;
	s6 =	sshrl.u32 s6, $0x3  }
0xb: {  	s5 =	smax.u32 s31, $0x1;
	s29 =	sadd.s32 s6, s4;
	s6 =	sadd.s32 s10, s30  }
0xc: {  	s10 =	simm.s32 $0x5400;
	s4 =	sadd.s32 $0x2AA00, s29;
	s6 =	sadd.s32 $0x2FA00, s6  }
.LBB2_1:
0xd: {  	[tilespmem:s2], [sflag:$0x2] =	stream.linear.gather [hbm4b:s4+s2], $0x1400, $0x38;
	[tilespmem:$0x11400] =	vst v63  }
0xe: {  	_ =	swait.ge [sflag:s7], $0x1400  }
0xf: {  	[sflag:s7] =	ssyncset.done $0x0  }
0x10: {  	s15 =	simm.s32 $0x0;
	[sflag:s7] =	ssyncadd.s32 $0xFFFFEC00  }
0x11: {  	[tilespmem:s9], [sflag:$0x1] =	stream.indirect.gather [hbm4b:s3+s8], $0x80, s15, s8, $0xb8;
	[tilespmem:$0x11400] =	vst v63  }
0x12: {  	s28 =	simm.s32 $0x80  }
0x13: {  	[tilespmem:s10], [sflag:$0x1] =	stream.indirect.gather [hbm4b:s3+s8], $0x80, s28, s8, $0xb8;
	[tilespmem:$0x11400] =	vst v63  }
0x14: {  	s29 =	simm.s32 $0x100  }
0x15: {  	[tilespmem:s11], [sflag:$0x1] =	stream.indirect.gather [hbm4b:s3+s8], $0x80, s29, s8, $0xb8;
	[tilespmem:$0x11400] =	vst v63  }
0x16: {  	s30 =	simm.s32 $0x180  }
0x17: {  	[tilespmem:s12], [sflag:$0x1] =	stream.indirect.gather [hbm4b:s3+s8], $0x80, s30, s8, $0xb8;
	[tilespmem:$0x11400] =	vst v63  }
0x18: {  	_ =	swait.ge [sflag:s13], $0x4000  }
0x19: {  	[sflag:s13] =	ssyncset.done $0x0  }
0x1a: {  	[sflag:s13] =	ssyncadd.s32 $0xFFFFC000  }
0x1b: {  	_ =	swait.ge [sflag:s13], $0x4000  }
0x1c: {  	[sflag:s13] =	ssyncset.done $0x0  }
0x1d: {  	[sflag:s13] =	ssyncadd.s32 $0xFFFFC000  }
0x1e: {  	_ =	swait.ge [sflag:s13], $0x4000  }
0x1f: {  	[sflag:s13] =	ssyncset.done $0x0  }
0x20: {  	[sflag:s13] =	ssyncadd.s32 $0xFFFFC000  }
0x21: {  	_ =	swait.ge [sflag:s13], $0x4000  }
0x22: {  	[sflag:s13] =	ssyncset.done $0x0  }
0x23: {  	s31 =	sadd.s32 $0x0, s6;
	[sflag:s13] =	ssyncadd.s32 $0xFFFFC000  }
0x24: {  	[hbm4b:s31+s2] =	stream.linear.scatter [tilespmem:s9], [sflag:$0x2], $0x10000, $0x38;
	[tilespmem:$0x11400] =	vst v63  }
0x25: {  	s17 =	simm.s32 $0x4000;
	_ =	swait.ge [sflag:s7], $0x10000  }
0x26: {  	s16 =	simm.s32 $0x380;
	s15 =	simm.s32 $0x2000;
	[sflag:s7] =	ssyncset.done $0x0  }
.LBB2_2:
0x27: {  	p0 =	sne.s32 s17, $0x12000;
	s18 =	sadd.s32 $0xFFFFFE80, s16;
	[sflag:s7] =	ssyncadd.s32 $0xFFFF0000  }
0x28: {  	[tilespmem:s9], [sflag:$0x1] =	stream.indirect.gather [hbm4b:s3+s8], $0x80, s18, s8, $0xb8;
	[tilespmem:$0x11400] =	vst v63  }
0x29: {  	s19 =	smov.u32 s17;
	s17 =	sadd.s32 $0x2000, s17;
	s18 =	sadd.s32 $0xFFFFFF00, s16  }
0x2a: {  	[tilespmem:s10], [sflag:$0x1] =	stream.indirect.gather [hbm4b:s3+s8], $0x80, s18, s8, $0xb8;
	[tilespmem:$0x11400] =	vst v63  }
0x2b: {  	s18 =	sadd.s32 $0xFFFFFF80, s16  }
0x2c: {  	[tilespmem:s11], [sflag:$0x1] =	stream.indirect.gather [hbm4b:s3+s8], $0x80, s18, s8, $0xb8;
	[tilespmem:$0x11400] =	vst v63  }
0x2d: {  	_ = 	snop  }
0x2e: {  	[tilespmem:s12], [sflag:$0x1] =	stream.indirect.gather [hbm4b:s3+s8], $0x80, s16, s8, $0xb8;
	[tilespmem:$0x11400] =	vst v63  }
0x2f: {  	_ =	swait.ge [sflag:s13], $0x4000  }
0x30: {  	[sflag:s13] =	ssyncset.done $0x0  }
0x31: {  	[sflag:s13] =	ssyncadd.s32 $0xFFFFC000  }
0x32: {  	_ =	swait.ge [sflag:s13], $0x4000  }
0x33: {  	[sflag:s13] =	ssyncset.done $0x0  }
0x34: {  	[sflag:s13] =	ssyncadd.s32 $0xFFFFC000  }
0x35: {  	_ =	swait.ge [sflag:s13], $0x4000  }
0x36: {  	[sflag:s13] =	ssyncset.done $0x0  }
0x37: {  	[sflag:s13] =	ssyncadd.s32 $0xFFFFC000  }
0x38: {  	_ =	swait.ge [sflag:s13], $0x4000  }
.Ltmp0:
0x39: {  	[sflag:s13] =	ssyncset.done $0x0;
	(pc) =	sbr.rel @p0 .LBB2_2-.Ltmp0, $4  }
0x3a: {  	s18 =	sadd.s32 s15, s6;
	s15 =	smov.u32 s19;
	[sflag:s13] =	ssyncadd.s32 $0xFFFFC000  }
0x3b: {  	[hbm4b:s18+s2] =	stream.linear.scatter [tilespmem:s9], [sflag:$0x2], $0x10000, $0x38;
	[tilespmem:$0x11400] =	vst v63  }
0x3c: {  	_ =	swait.ge [sflag:s7], $0x10000  }
0x3d: {  	s16 =	sadd.s32 $0x200, s16;
	[sflag:s7] =	ssyncset.done $0x0  }
0x3e: {  	s17 =	sadd.s32 $0xFFFFFE80, s16;
	[sflag:s7] =	ssyncadd.s32 $0xFFFF0000  }
0x3f: {  	[tilespmem:s9], [sflag:$0x1] =	stream.indirect.gather [hbm4b:s3+s8], $0x80, s17, s8, $0xb8;
	[tilespmem:$0x11400] =	vst v63  }
0x40: {  	s30 =	sadd.s32 $0xFFFFFF00, s16  }
0x41: {  	[tilespmem:s10], [sflag:$0x1] =	stream.indirect.gather [hbm4b:s3+s8], $0x80, s30, s8, $0xb8;
	[tilespmem:$0x11400] =	vst v63  }
0x42: {  	s31 =	sadd.s32 $0xFFFFFF80, s16  }
0x43: {  	[tilespmem:s11], [sflag:$0x1] =	stream.indirect.gather [hbm4b:s3+s8], $0x80, s31, s8, $0xb8;
	[tilespmem:$0x11400] =	vst v63  }
0x44: {  	_ = 	snop  }
0x45: {  	[tilespmem:s12], [sflag:$0x1] =	stream.indirect.gather [hbm4b:s3+s8], $0x80, s16, s8, $0xb8;
	[tilespmem:$0x11400] =	vst v63  }
0x46: {  	_ =	swait.ge [sflag:s13], $0x4000  }
0x47: {  	[sflag:s13] =	ssyncset.done $0x0  }
0x48: {  	[sflag:s13] =	ssyncadd.s32 $0xFFFFC000  }
0x49: {  	_ =	swait.ge [sflag:s13], $0x4000  }
0x4a: {  	[sflag:s13] =	ssyncset.done $0x0  }
0x4b: {  	[sflag:s13] =	ssyncadd.s32 $0xFFFFC000  }
0x4c: {  	_ =	swait.ge [sflag:s13], $0x4000  }
0x4d: {  	[sflag:s13] =	ssyncset.done $0x0  }
0x4e: {  	[sflag:s13] =	ssyncadd.s32 $0xFFFFC000  }
0x4f: {  	s14 =	sadd.s32 $0x1, s14;
	_ =	swait.ge [sflag:s13], $0x4000  }
0x50: {  	p0 =	sne.s32 s14, s5;
	[sflag:s13] =	ssyncset.done $0x0  }
.Ltmp1:
0x51: {  	s15 =	sadd.s32 s15, s6;
	[sflag:s13] =	ssyncadd.s32 $0xFFFFC000;
	(pc) =	sbr.rel @p0 .LBB2_1-.Ltmp1, $4  }
0x52: {  	[hbm4b:s15+s2] =	stream.linear.scatter [tilespmem:s9], [sflag:$0x2], $0x10000, $0x38;
	[tilespmem:$0x11400] =	vst v63  }
0x53: {  	_ =	swait.ge [sflag:s7], $0x10000  }
0x54: {  	[sflag:s7] =	ssyncset.done $0x0  }
0x55: {  	[sflag:s7] =	ssyncadd.s32 $0xFFFF0000  }
0x56: {  	_ =	sfence.sel $0x180000  }
0x57: {  	[bflag:$0x0] =	sbarrier.arrive $0xFFFF  }
0x58: {  	p0 =	sne.s32 s1, $0x0;
	_ =	strace $0x9000004A  }
0x59: {  	s0 =	sadd.s32 @!p0 $0x100000, s0;
	[bflag:$0x2] =	sbarrier.arrive $0xFFFF  }
0x5a: {  	[sflag:s0] =	ssyncadd.tile.s32 @!p0 $0x1;
	_ =	shalt  }
.Lfunc_end2:
_tile_overlayer_lowered:
.L_overlay_start_2:
0x5b: {  	(tag) =	ssettag $0x2  }
0x5c: {  	s0 =	rddreg [dreg:$0x0];
	s2 =	stileid.u32  }
0x5d: {  	s1 =	rddreg [dreg:$0x1];
	p0 =	sne.s32 s2, $0x0  }
0x5e: {  	s3 =	rddreg [dreg:$0x2];
	[bflag:$0x3] =	sbarrier.arrive $0xFFFF;
	s2 =	simm.s32 @!p0 $0x1C02  }
0x5f: {  	[timem:s3], [sflag:s2] =	dma.local @!p0 [hbm:s0], s1  }
0x60: {  	s0 =	simm.s32 @!p0 $0x2  }
0x61: {  	_ =	swait.ge @!p0 [sflag:s0], s1  }
0x62: {  	s1 =	ssub.s32 @!p0 $0x0, s1;
	[sflag:s0] =	ssyncset.done @!p0 $0x0  }
0x63: {  	[sflag:s0] =	ssyncadd.s32 @!p0 s1  }
0x64: {  	[bflag:$0x3] =	sbarrier.arrive $0xFFFF  }
0x65: {  	_ =	shalt  }

</sc_bundles>
